<compile_context>
chip_gen: v7x
topology: tpu7x:2x2x1
jax: 0.10.2.dev20260603
libtpu: 0.0.44.dev20260713+nightly
codegen_flags: <defaults>
</compile_context>

<pallas_src>
import jax
import jax.numpy as jnp
from jax import lax
from jax.experimental import pallas as pl
from jax.experimental.pallas import tpu as pltpu
from jax.experimental.pallas import tpu_sc as plsc

B, D, V, K = 32, 64, 1000000, 256
CHUNK = 16384
NCHUNK = pl.cdiv(V, CHUNK)
VP = NCHUNK * CHUNK
SUB = 128
SPC = CHUNK // SUB
NSUB = VP // SUB
NEG = -3.0e38
GB = 16
NEL = 20480
NV16 = NSUB // 16


def _p1_body(sw_ref, sw2_ref, w_ref, w2_ref, dis_ref, m_ref, t_ref):
    i = pl.program_id(0)
    sw = sw_ref[...]
    wblk = w_ref[...]
    ww = 2.0 * jax.lax.dot_general(
        sw, wblk, (((1,), (0,)), ((), ())),
        preferred_element_type=jnp.float32)
    dis = (sw2_ref[...] - ww) + w2_ref[...]
    col = jax.lax.broadcasted_iota(jnp.int32, (B, CHUNK), 1) + i * CHUNK
    dis = jnp.where(col < V, dis, NEG)
    dis_ref[...] = dis
    mx = jnp.max(dis.reshape(B, SPC, SUB), axis=2)
    m_ref[:, pl.ds(i * SPC, SPC)] = mx

    @pl.when(i == NCHUNK - 1)
    def _bisect():
        m = m_ref[...]
        valid = m > -1.0e38
        lo0 = jnp.min(jnp.where(valid, m, 1.0e30), axis=1, keepdims=True)
        hi0 = jnp.max(m, axis=1, keepdims=True) + 1.0
        def body(_, lohi):
            lo, hi = lohi
            mid = 0.5 * (lo + hi)
            cnt = jnp.sum((m >= mid).astype(jnp.float32), axis=1, keepdims=True)
            take = cnt >= K
            return (jnp.where(take, mid, lo), jnp.where(take, hi, mid))

        lo, hi = jax.lax.fori_loop(0, 48, body, (lo0, hi0))
        t_ref[...] = jnp.broadcast_to(lo, (B, 16))


def _p1(sample_w, sample_w2, weight, w2):
    return pl.pallas_call(
        _p1_body,
        grid=(NCHUNK,),
        in_specs=[
            pl.BlockSpec((B, D), lambda i: (0, 0)),
            pl.BlockSpec((B, 1), lambda i: (0, 0)),
            pl.BlockSpec((D, CHUNK), lambda i: (0, i)),
            pl.BlockSpec((1, CHUNK), lambda i: (0, i)),
        ],
        out_specs=[
            pl.BlockSpec((B, CHUNK), lambda i: (0, i)),
            pl.BlockSpec((B, NSUB), lambda i: (0, 0)),
            pl.BlockSpec((B, 16), lambda i: (0, 0)),
        ],
        out_shape=[
            jax.ShapeDtypeStruct((B, VP), jnp.float32),
            jax.ShapeDtypeStruct((B, NSUB), jnp.float32),
            jax.ShapeDtypeStruct((B, 16), jnp.float32),
        ],
    )(sample_w, sample_w2, weight, w2)


def _iota16():
    return lax.iota(jnp.int32, 16)


def _splat(x, dtype=jnp.int32):
    return jnp.full((16,), x, dtype)


def _key_u32(v):
    kb = plsc.bitcast(v, jnp.int32)
    flipped = jnp.where(kb >= 0, kb ^ jnp.int32(-2147483648), ~kb)
    return plsc.bitcast(flipped, jnp.uint32)


def _sc_body(dis2, m_hbm, t_hbm, w_hbm, x_hbm, mu_hbm, var_hbm,
             score_hbm, idx_hbm,
             m_buf, t_buf, idbuf, gbuf, kbuf, ibuf, selk, seli, outi,
             topkw, densbuf, srow, sem):
    nc = 2
    wid = lax.axis_index("s") * nc + lax.axis_index("c")
    b = wid
    pltpu.sync_copy(m_hbm.at[pl.ds(b * NSUB, NSUB)], m_buf)
    pltpu.sync_copy(t_hbm.at[pl.ds(b * 16, 16)], t_buf)
    tvec = t_buf[...]
    base = _splat(b * NSUB)

    def init_body(i, carry):
        idbuf[pl.ds(i * 16, 16)] = base
        return carry

    lax.fori_loop(0, NV16, init_body, 0)

    def scan_body(i, cnt):
        v = m_buf[pl.ds(i * 16, 16)]
        msk = v >= tvec
        ids = base + _splat(i * 16) + _iota16()
        inc = plsc.cumsum(jnp.where(msk, 1, 0))
        tgt = _splat(cnt) + inc - 1
        plsc.store_scatter(idbuf, [tgt], ids, mask=msk)
        return cnt + jnp.sum(jnp.where(msk, 1, 0))

    n_sub = lax.fori_loop(0, NV16, scan_body, jnp.int32(0))

    def cd_cond(carry):
        r0, nel = carry
        return r0 < n_sub

    def cd_body(carry):
        r0, nel = carry
        cp = pltpu.make_async_copy(
            dis2.at[idbuf.at[pl.ds(pl.multiple_of(r0, GB), GB)]], gbuf, sem)
        cp.start()
        cp.wait()

        def row_body(r, nel):
            rowvalid = _splat(r0 + r) < _splat(n_sub)
            ida = plsc.load_gather(idbuf, [_splat(r0 + r)])
            colbase = (ida - base) * SUB
            for j in range(SUB // 16):
                v = gbuf[r, pl.ds(j * 16, 16)]
                msk = (v >= tvec) & rowvalid
                gi = colbase + _splat(j * 16) + _iota16()
                key = plsc.bitcast(_key_u32(v), jnp.int32)
                inc = plsc.cumsum(jnp.where(msk, 1, 0))
                tgt = _splat(nel) + inc - 1
                msk = msk & (tgt < NEL)
                plsc.store_scatter(kbuf, [tgt], key, mask=msk)
                plsc.store_scatter(ibuf, [tgt], gi, mask=msk)
                nel = nel + jnp.sum(jnp.where(msk, 1, 0))
            return nel

        nel = lax.fori_loop(0, GB, row_body, nel)
        return (r0 + GB, nel)

    _, nel = lax.while_loop(cd_cond, cd_body, (jnp.int32(0), jnp.int32(0)))
    nv = (nel + 15) // 16
    nel_s = _splat(nel)

    def bit_body(it, u):
        cand = u | (jnp.uint32(1) << (jnp.uint32(31) - it.astype(jnp.uint32)))
        cand_v = _splat(cand, jnp.uint32)

        def cnt_body(i, acc):
            kv = plsc.bitcast(kbuf[pl.ds(i * 16, 16)], jnp.uint32)
            pos = _splat(i * 16) + _iota16() < nel_s
            m = (kv >= cand_v) & pos
            return acc + plsc.all_reduce_population_count(m)

        acc = lax.fori_loop(0, nv, cnt_body, _splat(0))
        cnt = jnp.max(acc)
        return jnp.where(cnt >= K, cand, u)

    u = lax.fori_loop(0, 32, bit_body, jnp.uint32(0))
    u_v = _splat(u, jnp.uint32)

    def sel_gt(i, mcnt):
        kv = plsc.bitcast(kbuf[pl.ds(i * 16, 16)], jnp.uint32)
        pos = _splat(i * 16) + _iota16() < nel_s
        m = (kv > u_v) & pos
        inc = plsc.cumsum(jnp.where(m, 1, 0))
        tgt = mcnt + inc - 1
        plsc.store_scatter(selk, [tgt], plsc.bitcast(kv, jnp.int32), mask=m)
        gv = ibuf[pl.ds(i * 16, 16)]
        plsc.store_scatter(seli, [tgt], gv, mask=m)
        return mcnt + plsc.all_reduce_population_count(m)

    mcnt = lax.fori_loop(0, nv, sel_gt, _splat(0))

    def sel_eq(i, mcnt):
        kv = plsc.bitcast(kbuf[pl.ds(i * 16, 16)], jnp.uint32)
        pos = _splat(i * 16) + _iota16() < nel_s
        m = (kv == u_v) & pos
        inc = plsc.cumsum(jnp.where(m, 1, 0))
        tgt = mcnt + inc - 1
        m = m & (tgt < K)
        plsc.store_scatter(selk, [tgt], plsc.bitcast(kv, jnp.int32), mask=m)
        gv = ibuf[pl.ds(i * 16, 16)]
        plsc.store_scatter(seli, [tgt], gv, mask=m)
        return mcnt + plsc.all_reduce_population_count(m)

    lax.fori_loop(0, nv, sel_eq, mcnt)

    def rank_body(i, carry):
        ki = plsc.bitcast(plsc.load_gather(selk, [_splat(i)]), jnp.uint32)
        gii = plsc.load_gather(seli, [_splat(i)])
        i_v = _splat(i)

        def cmp_body(jv, accs):
            agt, aeq = accs
            kv = plsc.bitcast(selk[pl.ds(jv * 16, 16)], jnp.uint32)
            jpos = _splat(jv * 16) + _iota16()
            g = kv > ki
            e = (kv == ki) & (jpos < i_v)
            return (agt + plsc.all_reduce_population_count(g),
                    aeq + plsc.all_reduce_population_count(e))

        agt, aeq = lax.fori_loop(0, K // 16, cmp_body, (_splat(0), _splat(0)))
        rank = agt + aeq
        lane0 = _iota16() == 0
        plsc.store_scatter(outi, [rank], gii, mask=lane0)
        return carry

    lax.fori_loop(0, K, rank_body, 0)

    for q in range(K // 16):
        vv = outi[pl.ds(q * 16, 16)]
        ibuf[pl.ds(NEL - K + q * 16, 16)] = vv >> 1
    cp = pltpu.make_async_copy(
        w_hbm.at[ibuf.at[pl.ds(NEL - K, K)]], topkw, sem)
    cp.start()
    cp.wait()
    pltpu.sync_copy(x_hbm.at[pl.ds(b * D, D)], srow.at[pl.ds(0, D)])
    pltpu.sync_copy(mu_hbm.at[pl.ds(b * D, D)], srow.at[pl.ds(D, D)])
    pltpu.sync_copy(var_hbm.at[pl.ds(b * D, D)], srow.at[pl.ds(2 * D, D)])

    def dens_body(k, carry):
        vk = plsc.load_gather(outi, [_splat(k)])
        odd = (vk & 1) == 1
        for j in range(D // 16):
            wlo = topkw[k, pl.ds(j * 16, 16)]
            whi = topkw[k, pl.ds(D + j * 16, 16)]
            w = jnp.where(odd, whi, wlo)
            mu_j = srow[pl.ds(D + j * 16, 16)]
            var_j = srow[pl.ds(2 * D + j * 16, 16)]
            dm = w - mu_j
            a = -(dm * dm) / (2.0 * var_j)
            dens = jnp.exp(a)
            densbuf[k, pl.ds(j * 16, 16)] = dens
            s = srow[pl.ds(3 * D + j * 16, 16)]
            mx = srow[pl.ds(4 * D + j * 16, 16)]
            srow[pl.ds(3 * D + j * 16, 16)] = s + dens
            srow[pl.ds(4 * D + j * 16, 16)] = jnp.maximum(mx, dens)
        return carry

    for j in range(D // 16):
        srow[pl.ds(3 * D + j * 16, 16)] = jnp.zeros((16,), jnp.float32)
        srow[pl.ds(4 * D + j * 16, 16)] = jnp.zeros((16,), jnp.float32)
    lax.fori_loop(0, K, dens_body, 0)

    for j in range(D // 16):
        s = srow[pl.ds(3 * D + j * 16, 16)]
        mx = srow[pl.ds(4 * D + j * 16, 16)]
        denom = jnp.maximum(s, 1e-8)
        tau = jnp.minimum((mx / denom) * 0.5, 0.1)
        srow[pl.ds(3 * D + j * 16, 16)] = tau * denom

    def score_body(k, carry):
        vk = plsc.load_gather(outi, [_splat(k)])
        odd = (vk & 1) == 1
        acc = jnp.zeros((16,), jnp.float32)
        for j in range(D // 16):
            wlo = topkw[k, pl.ds(j * 16, 16)]
            whi = topkw[k, pl.ds(D + j * 16, 16)]
            w = jnp.where(odd, whi, wlo)
            dens = densbuf[k, pl.ds(j * 16, 16)]
            thr = srow[pl.ds(3 * D + j * 16, 16)]
            xj = srow[pl.ds(j * 16, 16)]
            acc = acc + jnp.where(dens >= thr, xj * w, 0.0)
        sc = jnp.sum(acc)
        lane0 = _iota16() == 0
        plsc.store_scatter(srow, [_splat(5 * D + k)], _splat(sc, jnp.float32), mask=lane0)
        return carry

    lax.fori_loop(0, K, score_body, 0)
    pltpu.sync_copy(srow.at[pl.ds(5 * D, K)], score_hbm.at[pl.ds(b * K, K)])
    pltpu.sync_copy(outi, idx_hbm.at[pl.ds(b * K, K)])


def _sc_call(dis2, m_arr, t_arr, weight, x, mu, var):
    mesh = plsc.VectorSubcoreMesh(core_axis_name="c", subcore_axis_name="s")
    f = pl.kernel(
        _sc_body,
        mesh=mesh,
        compiler_params=pltpu.CompilerParams(needs_layout_passes=False),
        out_type=[
            jax.ShapeDtypeStruct((B * K,), jnp.float32),
            jax.ShapeDtypeStruct((B * K,), jnp.int32),
        ],
        scratch_types=[
            pltpu.VMEM((NSUB,), jnp.float32),
            pltpu.VMEM((16,), jnp.float32),
            pltpu.VMEM((NSUB,), jnp.int32),
            pltpu.VMEM((GB, SUB), jnp.float32),
            pltpu.VMEM((NEL,), jnp.int32),
            pltpu.VMEM((NEL,), jnp.int32),
            pltpu.VMEM((K,), jnp.int32),
            pltpu.VMEM((K,), jnp.int32),
            pltpu.VMEM((K,), jnp.int32),
            pltpu.VMEM((K, 2 * D), jnp.float32),
            pltpu.VMEM((K, D), jnp.float32),
            pltpu.VMEM((5 * D + K,), jnp.float32),
            pltpu.SemaphoreType.DMA,
        ],
    )
    return f(dis2, m_arr, t_arr, weight, x, mu, var)


def kernel(x, mu, var, labels, weight, bias):
    sample_weight = weight[labels]
    sample_w2 = (sample_weight ** 2).sum(axis=1, keepdims=True)
    w2 = (weight ** 2).sum(axis=1)[None, :]
    dis, m_arr, t_arr = _p1(sample_weight, sample_w2, weight.T, w2)
    dis2 = dis.reshape(B * NSUB, SUB)
    weightr = weight.reshape(V // 2, 2 * D)
    score, topk_indice = _sc_call(
        dis2, m_arr.reshape(-1), t_arr.reshape(-1), weightr,
        x.reshape(-1), mu.reshape(-1), var.reshape(-1))
    score = score.reshape(B, K)
    topk_indice = topk_indice.reshape(B, K)
    return score + bias[topk_indice]

# --- scband reference (transcript-rebuilt; emitter-appended) ---
"""Pipeline reference for scband-softmax-70033736729139 (READ-ONLY COPY).

The authoritative reference and input builder live on the scoring server;
editing this copy changes nothing except your own understanding.
"""

import jax, jax.numpy as jnp
import numpy as np
import math

B, D, V, K = 32, 64, 1000000, 256


def setup_inputs(seed: int = 0) -> dict:
    key = jax.random.key(seed)
    k1, k2, k3, k4, k5 = jax.random.split(key, 5)
    x = jax.random.normal(k1, (B, D), dtype=jnp.float32)
    mu = jax.random.normal(k2, (B, D), dtype=jnp.float32)
    # variance must be positive; uniform in [0.1, 1.1)
    var = jax.random.uniform(k3, (B, D), dtype=jnp.float32, minval=0.1, maxval=1.1)
    labels = jax.random.randint(k4, (B,), 0, V, dtype=jnp.int64)
    # xavier uniform init for weight [V, D]
    limit = math.sqrt(6.0 / (V + D))
    weight = jax.random.uniform(k5, (V, D), dtype=jnp.float32, minval=-limit, maxval=limit)
    bias = jnp.zeros((V,), dtype=jnp.float32)
    return {"x": x, "mu": mu, "var": var, "labels": labels, "weight": weight, "bias": bias}


def find_confounders(w, sample_w, k):
    # squared euclidean distances [B, V]
    sample_w2 = (sample_w ** 2).sum(axis=1, keepdims=True)
    w2 = (w ** 2).sum(axis=1)[None, :]
    ww = 2.0 * jnp.matmul(sample_w, w.T)
    dis = sample_w2 - ww + w2
    # torch.topk default largest=True -> top-k largest distances
    _, indices = jax.lax.top_k(dis, k)
    return indices


def reference(x, mu, var, labels, weight, bias):
    sample_weight = weight[labels]                      # [B, D] gather
    topk_indice = find_confounders(weight, sample_weight, K)  # [B, K]
    topk_weight = weight[topk_indice]                   # [B, K, D] gather
    all_class_density = jnp.exp(-(topk_weight - mu[:, None, :]) ** 2 / (2.0 * var[:, None, :]))
    confid = all_class_density / jnp.maximum(all_class_density.sum(axis=1, keepdims=True), 1e-8)
    max_confid = confid.max(axis=1, keepdims=True)
    nontrivial = (confid >= jnp.minimum(max_confid * 0.5, 0.1)).astype(weight.dtype)
    nontrivial = jax.lax.stop_gradient(nontrivial)      # .detach() in torch
    # scoring: embedding[:, None, :] @ (masked topk weights)^T + gathered bias
    masked = topk_weight * nontrivial                   # [B, K, D]
    score = jnp.matmul(x[:, None, :], jnp.transpose(masked, (0, 2, 1))).squeeze(1) + bias[topk_indice]
    return score


if False:  # reference __main__ guard neutralized (emitter)
    out = reference(**setup_inputs())
    print(out.shape, out.dtype)

if __name__ == "__main__":
    import jax
    _d = setup_inputs()
    print(jax.jit(kernel)(*tuple(_d.values())))

</pallas_src>

<mosaic_0001>
#map = affine_map<(d0, d1) -> (0, 0)>
#map1 = affine_map<(d0, d1) -> (0)>
module attributes {stable_mosaic.version = 14 : i64} {
  func.func @_sc_body(%arg0: i32, %arg1: i32, %arg2: memref<253952x128xf32, #tpu.memory_space<hbm>>, %arg3: memref<253952xf32, #tpu.memory_space<hbm>>, %arg4: memref<512xf32, #tpu.memory_space<hbm>>, %arg5: memref<500000x128xf32, #tpu.memory_space<hbm>>, %arg6: memref<2048xf32, #tpu.memory_space<hbm>>, %arg7: memref<2048xf32, #tpu.memory_space<hbm>>, %arg8: memref<2048xf32, #tpu.memory_space<hbm>>, %arg9: memref<8192xf32, #tpu.memory_space<hbm>>, %arg10: memref<8192xi32, #tpu.memory_space<hbm>>, %arg11: memref<7936xf32, #tpu.memory_space<vmem>>, %arg12: memref<16xf32, #tpu.memory_space<vmem>>, %arg13: memref<7936xi32, #tpu.memory_space<vmem>>, %arg14: memref<16x128xf32, #tpu.memory_space<vmem>>, %arg15: memref<20480xi32, #tpu.memory_space<vmem>>, %arg16: memref<20480xi32, #tpu.memory_space<vmem>>, %arg17: memref<256xi32, #tpu.memory_space<vmem>>, %arg18: memref<256xi32, #tpu.memory_space<vmem>>, %arg19: memref<256xi32, #tpu.memory_space<vmem>>, %arg20: memref<256x128xf32, #tpu.memory_space<vmem>>, %arg21: memref<256x64xf32, #tpu.memory_space<vmem>>, %arg22: memref<576xf32, #tpu.memory_space<vmem>>, %arg23: memref<!tpu.dma_semaphore, #tpu.memory_space<semaphore_mem>>) attributes {dimension_semantics = [#tpu.dimension_semantics<core_parallel>, #tpu.dimension_semantics<subcore_parallel>], iteration_bounds = array<i64: 2, 16>, scalar_prefetch = 0 : i64, scratch_operands = 13 : i64, tpu.core_type = #tpu.core_type<sc_vector_subcore>, window_params = [{transform_indices = #map}, {transform_indices = #map1}, {transform_indices = #map1}, {transform_indices = #map}, {transform_indices = #map1}, {transform_indices = #map1}, {transform_indices = #map1}, {transform_indices = #map1}, {transform_indices = #map1}]} {
    %mul3A = arith.constant 2 : i32
    %mul3A_0 = arith.muli %arg1, %mul3A : i32
    %add3A = arith.addi %mul3A_0, %arg0 : i32
    %mul3A_1 = arith.constant 7936 : i32
    %mul3A_2 = arith.muli %add3A, %mul3A_1 : i32
    "tpu.region"() ({
      %run_scoped3A = tpu.sem_alloc : memref<!tpu.dma_semaphore, #tpu.memory_space<semaphore_mem>>
      %dma_start3A_317 = tpu.memref_slice %arg3[%mul3A_2] : memref<253952xf32, #tpu.memory_space<hbm>> -> memref<7936xf32, #tpu.memory_space<hbm>>
      %dma_start3A_318 = tpu.memref_slice %arg3[%mul3A_2] : memref<253952xf32, #tpu.memory_space<hbm>> -> memref<7936xf32, #tpu.memory_space<hbm>>
      tpu.enqueue_dma source(%dma_start3A_318 : memref<7936xf32, #tpu.memory_space<hbm>>) target(%arg11 : memref<7936xf32, #tpu.memory_space<vmem>>) target_semaphore(%run_scoped3A : memref<!tpu.dma_semaphore, #tpu.memory_space<semaphore_mem>>)
      %dma_wait3A_319 = tpu.memref_slice %arg3[%mul3A_2] : memref<253952xf32, #tpu.memory_space<hbm>> -> memref<7936xf32, #tpu.memory_space<hbm>>
      %dma_wait3A_320 = tpu.memref_slice %arg3[%mul3A_2] : memref<253952xf32, #tpu.memory_space<hbm>> -> memref<7936xf32, #tpu.memory_space<hbm>>
      tpu.wait_dma2 semaphore(%run_scoped3A : memref<!tpu.dma_semaphore, #tpu.memory_space<semaphore_mem>>) src(%dma_wait3A_320 : memref<7936xf32, #tpu.memory_space<hbm>>) dst(%arg11 : memref<7936xf32, #tpu.memory_space<vmem>>)
      tpu.yield
    }) : () -> ()
    %mul3A_3 = arith.constant 16 : i32
    %mul3A_4 = arith.muli %add3A, %mul3A_3 : i32
    "tpu.region"() ({
      %run_scoped3A = tpu.sem_alloc : memref<!tpu.dma_semaphore, #tpu.memory_space<semaphore_mem>>
      %dma_start3A_317 = tpu.memref_slice %arg4[%mul3A_4] : memref<512xf32, #tpu.memory_space<hbm>> -> memref<16xf32, #tpu.memory_space<hbm>>
      %dma_start3A_318 = tpu.memref_slice %arg4[%mul3A_4] : memref<512xf32, #tpu.memory_space<hbm>> -> memref<16xf32, #tpu.memory_space<hbm>>
      tpu.enqueue_dma source(%dma_start3A_318 : memref<16xf32, #tpu.memory_space<hbm>>) target(%arg12 : memref<16xf32, #tpu.memory_space<vmem>>) target_semaphore(%run_scoped3A : memref<!tpu.dma_semaphore, #tpu.memory_space<semaphore_mem>>)
      %dma_wait3A_319 = tpu.memref_slice %arg4[%mul3A_4] : memref<512xf32, #tpu.memory_space<hbm>> -> memref<16xf32, #tpu.memory_space<hbm>>
      %dma_wait3A_320 = tpu.memref_slice %arg4[%mul3A_4] : memref<512xf32, #tpu.memory_space<hbm>> -> memref<16xf32, #tpu.memory_space<hbm>>
      tpu.wait_dma2 semaphore(%run_scoped3A : memref<!tpu.dma_semaphore, #tpu.memory_space<semaphore_mem>>) src(%dma_wait3A_320 : memref<16xf32, #tpu.memory_space<hbm>>) dst(%arg12 : memref<16xf32, #tpu.memory_space<vmem>>)
      tpu.yield
    }) : () -> ()
    %get3A = arith.constant 0 : index
    %get3A_5 = tpu.vector_load %arg12[%get3A] {strides = array<i32>} : memref<16xf32, #tpu.memory_space<vmem>>, vector<16xf32>,
    %mul3A_6 = arith.constant 7936 : i32
    %mul3A_7 = arith.muli %add3A, %mul3A_6 : i32
    %broadcast_in_dim3A = vector.broadcast %mul3A_7 : i32 to vector<16xi32>
    %scan3A = arith.constant 0 : i32
    %scan3A_8 = arith.constant 0 : i32
    %scan3A_9 = arith.constant 496 : i32
    %scan3A_10 = arith.addi %scan3A_8, %scan3A_9 : i32
    %scan3A_11 = arith.constant 1 : i32
    scf.for %scan3A_317 = %scan3A_8 to %scan3A_10 step %scan3A_11  : i32 {
      %mul3A_318 = arith.constant 16 : i32
      %mul3A_319 = arith.muli %scan3A_317, %mul3A_318 : i32
      %swap3A_320 = arith.index_cast %mul3A_319 : i32 to index
      %swap3A_321 = tpu.vector_load %arg13[%swap3A_320] {strides = array<i32>} : memref<7936xi32, #tpu.memory_space<vmem>>, vector<16xi32>,
      tpu.vector_store %arg13[%swap3A_320], %broadcast_in_dim3A {strides = array<i32>} : memref<7936xi32, #tpu.memory_space<vmem>>, vector<16xi32>,
    }
    %scan3A_12 = arith.constant 496 : i32
    %scan3A_13 = arith.constant 0 : i32
    %scan3A_14 = arith.constant 0 : i32
    %scan3A_15 = arith.constant 496 : i32
    %scan3A_16 = arith.addi %scan3A_14, %scan3A_15 : i32
    %scan3A_17 = arith.constant 1 : i32
    %scan3A_18 = scf.for %scan3A_317 = %scan3A_14 to %scan3A_16 step %scan3A_17 iter_args(%scan3A_318 = %scan3A_13) -> (i32)  : i32 {
      %mul3A_319 = arith.constant 16 : i32
      %mul3A_320 = arith.muli %scan3A_317, %mul3A_319 : i32
      %get3A_321 = arith.index_cast %mul3A_320 : i32 to index
      %get3A_322 = tpu.vector_load %arg11[%get3A_321] {strides = array<i32>} : memref<7936xf32, #tpu.memory_space<vmem>>, vector<16xf32>,
      %ge3A = arith.cmpf oge, %get3A_322, %get3A_5 : vector<16xf32>
      %mul3A_323 = arith.constant 16 : i32
      %mul3A_324 = arith.muli %scan3A_317, %mul3A_323 : i32
      %broadcast_in_dim3A_325 = vector.broadcast %mul3A_324 : i32 to vector<16xi32>
      %add3A_326 = arith.addi %broadcast_in_dim3A, %broadcast_in_dim3A_325 : vector<16xi32>
      %iota3A = tpu.iota {dimensions = array<i32: 0>} : vector<16xi32>
      %add3A_327 = arith.addi %add3A_326, %iota3A : vector<16xi32>
      %jit3A_328 = arith.constant 1 : i32
      %jit3A_329 = arith.constant 0 : i32
      %broadcast_in_dim3A_330 = vector.broadcast %jit3A_328 : i32 to vector<16xi32>
      %broadcast_in_dim3A_331 = vector.broadcast %jit3A_329 : i32 to vector<16xi32>
      %select_n3A_332 = arith.select %ge3A, %broadcast_in_dim3A_330, %broadcast_in_dim3A_331 : vector<16xi1>, vector<16xi32>
      %broadcast_in_dim3A_333 = arith.constant true
      %broadcast_in_dim3A_334 = vector.broadcast %broadcast_in_dim3A_333 : i1 to vector<16xi1>
      %masked_cumsum3A = tpu.scan <sum>, %select_n3A_332 masked %broadcast_in_dim3A_334 : vector<16xi32>, vector<16xi1> -> vector<16xi32>
      %broadcast_in_dim3A_335 = vector.broadcast %scan3A_318 : i32 to vector<16xi32>
      %add3A_336 = arith.addi %broadcast_in_dim3A_335, %masked_cumsum3A : vector<16xi32>
      %sub3A_337 = arith.constant 1 : i32
      %sub3A_338 = vector.broadcast %sub3A_337 : i32 to vector<16xi32>
      %sub3A_339 = arith.subi %add3A_336, %sub3A_338 : vector<16xi32>
      tpu.vector_store_idx %arg13[%sub3A_339], %add3A_327 masked %ge3A : memref<7936xi32, #tpu.memory_space<vmem>>[vector<16xi32>], vector<16xi32>, vector<16xi1>
      %jit3A_340 = arith.constant 1 : i32
      %jit3A_341 = arith.constant 0 : i32
      %broadcast_in_dim3A_342 = vector.broadcast %jit3A_340 : i32 to vector<16xi32>
      %broadcast_in_dim3A_343 = vector.broadcast %jit3A_341 : i32 to vector<16xi32>
      %select_n3A_344 = arith.select %ge3A, %broadcast_in_dim3A_342, %broadcast_in_dim3A_343 : vector<16xi1>, vector<16xi32>
      %reduce_sum3A = arith.constant true
      %reduce_sum3A_345 = vector.broadcast %reduce_sum3A : i1 to vector<16xi1>
      %reduce_sum3A_346 = tpu.scan <sum>, %select_n3A_344 masked %reduce_sum3A_345 : vector<16xi32>, vector<16xi1> -> vector<16xi32>
      %reduce_sum3A_347 = vector.extract %reduce_sum3A_346[15] : i32 from vector<16xi32>
      %add3A_348 = arith.addi %scan3A_318, %reduce_sum3A_347 : i32
      scf.yield %add3A_348 : i32
    }
    %scan3A_19 = arith.constant 496 : i32
    %while3A = arith.constant 0 : i32
    %while3A_20 = arith.constant 0 : i32
    %while3A_21:2 = scf.while (%while3A_317 = %while3A, %while3A_318 = %while3A_20) : (i32, i32) -> (i32, i32) {
      %lt3A = arith.cmpi slt, %while3A_317, %scan3A_18 : i32
      scf.condition(%lt3A) %while3A_317, %while3A_318 : i32, i32
    } do {
    ^bb0(%while3A_317: i32, %while3A_318: i32):
      %multiple_of3A = tpu.assume_multiple %while3A_317, 16 : i32
      %dma_start3A_319 = tpu.memref_slice %arg13[%multiple_of3A] : memref<7936xi32, #tpu.memory_space<vmem>> -> memref<16xi32, #tpu.memory_space<vmem>>
      %dma_start3A_320 = arith.constant 0 : i32
      %dma_start3A_321 = arith.constant 0 : i32
      %dma_start3A_322 = tpu.memref_slice %arg2[%dma_start3A_320, %dma_start3A_321] : memref<253952x128xf32, #tpu.memory_space<hbm>> -> memref<253952x128xf32, #tpu.memory_space<hbm>>
      tpu.enqueue_indirect_dma source(%dma_start3A_322 : memref<253952x128xf32, #tpu.memory_space<hbm>>) target(%arg14 : memref<16x128xf32, #tpu.memory_space<vmem>>) offsets(%dma_start3A_319 : memref<16xi32, #tpu.memory_space<vmem>>) semaphore(%arg23 : memref<!tpu.dma_semaphore, #tpu.memory_space<semaphore_mem>>)
      %dma_wait3A_323 = tpu.memref_slice %arg13[%multiple_of3A] : memref<7936xi32, #tpu.memory_space<vmem>> -> memref<16xi32, #tpu.memory_space<vmem>>
      %dma_wait3A_324 = arith.constant 0 : i32
      %dma_wait3A_325 = arith.constant 0 : i32
      %dma_wait3A_326 = tpu.memref_slice %arg2[%dma_wait3A_324, %dma_wait3A_325] : memref<253952x128xf32, #tpu.memory_space<hbm>> -> memref<253952x128xf32, #tpu.memory_space<hbm>>
      tpu.wait_indirect_dma semaphore(%arg23 : memref<!tpu.dma_semaphore, #tpu.memory_space<semaphore_mem>>) src(%dma_wait3A_326 : memref<253952x128xf32, #tpu.memory_space<hbm>>) dst(%arg14 : memref<16x128xf32, #tpu.memory_space<vmem>>)
      %scan3A_327 = arith.constant 0 : i32
      %scan3A_328 = arith.constant 16 : i32
      %scan3A_329 = arith.addi %scan3A_327, %scan3A_328 : i32
      %scan3A_330 = arith.constant 1 : i32
      %scan3A_331 = scf.for %scan3A_335 = %scan3A_327 to %scan3A_329 step %scan3A_330 iter_args(%scan3A_336 = %while3A_318) -> (i32)  : i32 {
        %add3A_337 = arith.addi %while3A_317, %scan3A_335 : i32
        %broadcast_in_dim3A_338 = vector.broadcast %add3A_337 : i32 to vector<16xi32>
        %broadcast_in_dim3A_339 = vector.broadcast %scan3A_18 : i32 to vector<16xi32>
        %lt3A = arith.cmpi slt, %broadcast_in_dim3A_338, %broadcast_in_dim3A_339 : vector<16xi32>
        %add3A_340 = arith.addi %while3A_317, %scan3A_335 : i32
        %broadcast_in_dim3A_341 = vector.broadcast %add3A_340 : i32 to vector<16xi32>
        %gather3A = tpu.vector_load_idx %arg13[%broadcast_in_dim3A_341] : memref<7936xi32, #tpu.memory_space<vmem>>[vector<16xi32>], vector<16xi32>,
        %sub3A_342 = arith.subi %gather3A, %broadcast_in_dim3A : vector<16xi32>
        %mul3A_343 = arith.constant 128 : i32
        %mul3A_344 = vector.broadcast %mul3A_343 : i32 to vector<16xi32>
        %mul3A_345 = arith.muli %sub3A_342, %mul3A_344 : vector<16xi32>
        %get3A_346 = arith.index_cast %scan3A_335 : i32 to index
        %get3A_347 = arith.constant 0 : index
        %get3A_348 = tpu.vector_load %arg14[%get3A_346, %get3A_347] {strides = array<i32>} : memref<16x128xf32, #tpu.memory_space<vmem>>, vector<16xf32>,
        %ge3A = arith.cmpf oge, %get3A_348, %get3A_5 : vector<16xf32>
        %and3A_349 = arith.andi %ge3A, %lt3A : vector<16xi1>
        %broadcast_in_dim3A_350 = arith.constant 0 : i32
        %broadcast_in_dim3A_351 = vector.broadcast %broadcast_in_dim3A_350 : i32 to vector<16xi32>
        %add3A_352 = arith.addi %mul3A_345, %broadcast_in_dim3A_351 : vector<16xi32>
        %iota3A = tpu.iota {dimensions = array<i32: 0>} : vector<16xi32>
        %add3A_353 = arith.addi %add3A_352, %iota3A : vector<16xi32>
        %bitcast3A = vector.bitcast %get3A_348 : vector<16xf32> to vector<16xi32>
        %ge3A_354 = arith.constant 0 : i32
        %ge3A_355 = vector.broadcast %ge3A_354 : i32 to vector<16xi32>
        %ge3A_356 = arith.cmpi sge, %bitcast3A, %ge3A_355 : vector<16xi32>
        %xor3A = arith.constant -2147483648 : i32
        %xor3A_357 = vector.broadcast %xor3A : i32 to vector<16xi32>
        %xor3A_358 = arith.xori %bitcast3A, %xor3A_357 : vector<16xi32>
        %not3A = arith.constant dense<-1> : vector<16xi32>
        %not3A_359 = arith.xori %bitcast3A, %not3A : vector<16xi32>
        %select_n3A_360 = arith.select %ge3A_356, %xor3A_358, %not3A_359 : vector<16xi1>, vector<16xi32>
        %bitcast3A_361 = vector.bitcast %select_n3A_360 : vector<16xi32> to vector<16xi32>
        %bitcast3A_362 = vector.bitcast %bitcast3A_361 : vector<16xi32> to vector<16xi32>
        %jit3A_363 = arith.constant 1 : i32
        %jit3A_364 = arith.constant 0 : i32
        %broadcast_in_dim3A_365 = vector.broadcast %jit3A_363 : i32 to vector<16xi32>
        %broadcast_in_dim3A_366 = vector.broadcast %jit3A_364 : i32 to vector<16xi32>
        %select_n3A_367 = arith.select %and3A_349, %broadcast_in_dim3A_365, %broadcast_in_dim3A_366 : vector<16xi1>, vector<16xi32>
        %broadcast_in_dim3A_368 = arith.constant true
        %broadcast_in_dim3A_369 = vector.broadcast %broadcast_in_dim3A_368 : i1 to vector<16xi1>
        %masked_cumsum3A = tpu.scan <sum>, %select_n3A_367 masked %broadcast_in_dim3A_369 : vector<16xi32>, vector<16xi1> -> vector<16xi32>
        %broadcast_in_dim3A_370 = vector.broadcast %scan3A_336 : i32 to vector<16xi32>
        %add3A_371 = arith.addi %broadcast_in_dim3A_370, %masked_cumsum3A : vector<16xi32>
        %sub3A_372 = arith.constant 1 : i32
        %sub3A_373 = vector.broadcast %sub3A_372 : i32 to vector<16xi32>
        %sub3A_374 = arith.subi %add3A_371, %sub3A_373 : vector<16xi32>
        %lt3A_375 = arith.constant 20480 : i32
        %lt3A_376 = vector.broadcast %lt3A_375 : i32 to vector<16xi32>
        %lt3A_377 = arith.cmpi slt, %sub3A_374, %lt3A_376 : vector<16xi32>
        %and3A_378 = arith.andi %and3A_349, %lt3A_377 : vector<16xi1>
        tpu.vector_store_idx %arg15[%sub3A_374], %bitcast3A_362 masked %and3A_378 : memref<20480xi32, #tpu.memory_space<vmem>>[vector<16xi32>], vector<16xi32>, vector<16xi1>
        tpu.vector_store_idx %arg16[%sub3A_374], %add3A_353 masked %and3A_378 : memref<20480xi32, #tpu.memory_space<vmem>>[vector<16xi32>], vector<16xi32>, vector<16xi1>
        %jit3A_379 = arith.constant 1 : i32
        %jit3A_380 = arith.constant 0 : i32
        %broadcast_in_dim3A_381 = vector.broadcast %jit3A_379 : i32 to vector<16xi32>
        %broadcast_in_dim3A_382 = vector.broadcast %jit3A_380 : i32 to vector<16xi32>
        %select_n3A_383 = arith.select %and3A_378, %broadcast_in_dim3A_381, %broadcast_in_dim3A_382 : vector<16xi1>, vector<16xi32>
        %reduce_sum3A = arith.constant true
        %reduce_sum3A_384 = vector.broadcast %reduce_sum3A : i1 to vector<16xi1>
        %reduce_sum3A_385 = tpu.scan <sum>, %select_n3A_383 masked %reduce_sum3A_384 : vector<16xi32>, vector<16xi1> -> vector<16xi32>
        %reduce_sum3A_386 = vector.extract %reduce_sum3A_385[15] : i32 from vector<16xi32>
        %add3A_387 = arith.addi %scan3A_336, %reduce_sum3A_386 : i32
        %get3A_388 = arith.index_cast %scan3A_335 : i32 to index
        %get3A_389 = arith.constant 16 : index
        %get3A_390 = tpu.vector_load %arg14[%get3A_388, %get3A_389] {strides = array<i32>} : memref<16x128xf32, #tpu.memory_space<vmem>>, vector<16xf32>,
        %ge3A_391 = arith.cmpf oge, %get3A_390, %get3A_5 : vector<16xf32>
        %and3A_392 = arith.andi %ge3A_391, %lt3A : vector<16xi1>
        %broadcast_in_dim3A_393 = arith.constant 16 : i32
        %broadcast_in_dim3A_394 = vector.broadcast %broadcast_in_dim3A_393 : i32 to vector<16xi32>
        %add3A_395 = arith.addi %mul3A_345, %broadcast_in_dim3A_394 : vector<16xi32>
        %iota3A_396 = tpu.iota {dimensions = array<i32: 0>} : vector<16xi32>
        %add3A_397 = arith.addi %add3A_395, %iota3A_396 : vector<16xi32>
        %bitcast3A_398 = vector.bitcast %get3A_390 : vector<16xf32> to vector<16xi32>
        %ge3A_399 = arith.constant 0 : i32
        %ge3A_400 = vector.broadcast %ge3A_399 : i32 to vector<16xi32>
        %ge3A_401 = arith.cmpi sge, %bitcast3A_398, %ge3A_400 : vector<16xi32>
        %xor3A_402 = arith.constant -2147483648 : i32
        %xor3A_403 = vector.broadcast %xor3A_402 : i32 to vector<16xi32>
        %xor3A_404 = arith.xori %bitcast3A_398, %xor3A_403 : vector<16xi32>
        %not3A_405 = arith.constant dense<-1> : vector<16xi32>
        %not3A_406 = arith.xori %bitcast3A_398, %not3A_405 : vector<16xi32>
        %select_n3A_407 = arith.select %ge3A_401, %xor3A_404, %not3A_406 : vector<16xi1>, vector<16xi32>
        %bitcast3A_408 = vector.bitcast %select_n3A_407 : vector<16xi32> to vector<16xi32>
        %bitcast3A_409 = vector.bitcast %bitcast3A_408 : vector<16xi32> to vector<16xi32>
        %jit3A_410 = arith.constant 1 : i32
        %jit3A_411 = arith.constant 0 : i32
        %broadcast_in_dim3A_412 = vector.broadcast %jit3A_410 : i32 to vector<16xi32>
        %broadcast_in_dim3A_413 = vector.broadcast %jit3A_411 : i32 to vector<16xi32>
        %select_n3A_414 = arith.select %and3A_392, %broadcast_in_dim3A_412, %broadcast_in_dim3A_413 : vector<16xi1>, vector<16xi32>
        %broadcast_in_dim3A_415 = arith.constant true
        %broadcast_in_dim3A_416 = vector.broadcast %broadcast_in_dim3A_415 : i1 to vector<16xi1>
        %masked_cumsum3A_417 = tpu.scan <sum>, %select_n3A_414 masked %broadcast_in_dim3A_416 : vector<16xi32>, vector<16xi1> -> vector<16xi32>
        %broadcast_in_dim3A_418 = vector.broadcast %add3A_387 : i32 to vector<16xi32>
        %add3A_419 = arith.addi %broadcast_in_dim3A_418, %masked_cumsum3A_417 : vector<16xi32>
        %sub3A_420 = arith.constant 1 : i32
        %sub3A_421 = vector.broadcast %sub3A_420 : i32 to vector<16xi32>
        %sub3A_422 = arith.subi %add3A_419, %sub3A_421 : vector<16xi32>
        %lt3A_423 = arith.constant 20480 : i32
        %lt3A_424 = vector.broadcast %lt3A_423 : i32 to vector<16xi32>
        %lt3A_425 = arith.cmpi slt, %sub3A_422, %lt3A_424 : vector<16xi32>
        %and3A_426 = arith.andi %and3A_392, %lt3A_425 : vector<16xi1>
        tpu.vector_store_idx %arg15[%sub3A_422], %bitcast3A_409 masked %and3A_426 : memref<20480xi32, #tpu.memory_space<vmem>>[vector<16xi32>], vector<16xi32>, vector<16xi1>
        tpu.vector_store_idx %arg16[%sub3A_422], %add3A_397 masked %and3A_426 : memref<20480xi32, #tpu.memory_space<vmem>>[vector<16xi32>], vector<16xi32>, vector<16xi1>
        %jit3A_427 = arith.constant 1 : i32
        %jit3A_428 = arith.constant 0 : i32
        %broadcast_in_dim3A_429 = vector.broadcast %jit3A_427 : i32 to vector<16xi32>
        %broadcast_in_dim3A_430 = vector.broadcast %jit3A_428 : i32 to vector<16xi32>
        %select_n3A_431 = arith.select %and3A_426, %broadcast_in_dim3A_429, %broadcast_in_dim3A_430 : vector<16xi1>, vector<16xi32>
        %reduce_sum3A_432 = arith.constant true
        %reduce_sum3A_433 = vector.broadcast %reduce_sum3A_432 : i1 to vector<16xi1>
        %reduce_sum3A_434 = tpu.scan <sum>, %select_n3A_431 masked %reduce_sum3A_433 : vector<16xi32>, vector<16xi1> -> vector<16xi32>
        %reduce_sum3A_435 = vector.extract %reduce_sum3A_434[15] : i32 from vector<16xi32>
        %add3A_436 = arith.addi %add3A_387, %reduce_sum3A_435 : i32
        %get3A_437 = arith.index_cast %scan3A_335 : i32 to index
        %get3A_438 = arith.constant 32 : index
        %get3A_439 = tpu.vector_load %arg14[%get3A_437, %get3A_438] {strides = array<i32>} : memref<16x128xf32, #tpu.memory_space<vmem>>, vector<16xf32>,
        %ge3A_440 = arith.cmpf oge, %get3A_439, %get3A_5 : vector<16xf32>
        %and3A_441 = arith.andi %ge3A_440, %lt3A : vector<16xi1>
        %broadcast_in_dim3A_442 = arith.constant 32 : i32
        %broadcast_in_dim3A_443 = vector.broadcast %broadcast_in_dim3A_442 : i32 to vector<16xi32>
        %add3A_444 = arith.addi %mul3A_345, %broadcast_in_dim3A_443 : vector<16xi32>
        %iota3A_445 = tpu.iota {dimensions = array<i32: 0>} : vector<16xi32>
        %add3A_446 = arith.addi %add3A_444, %iota3A_445 : vector<16xi32>
        %bitcast3A_447 = vector.bitcast %get3A_439 : vector<16xf32> to vector<16xi32>
        %ge3A_448 = arith.constant 0 : i32
        %ge3A_449 = vector.broadcast %ge3A_448 : i32 to vector<16xi32>
        %ge3A_450 = arith.cmpi sge, %bitcast3A_447, %ge3A_449 : vector<16xi32>
        %xor3A_451 = arith.constant -2147483648 : i32
        %xor3A_452 = vector.broadcast %xor3A_451 : i32 to vector<16xi32>
        %xor3A_453 = arith.xori %bitcast3A_447, %xor3A_452 : vector<16xi32>
        %not3A_454 = arith.constant dense<-1> : vector<16xi32>
        %not3A_455 = arith.xori %bitcast3A_447, %not3A_454 : vector<16xi32>
        %select_n3A_456 = arith.select %ge3A_450, %xor3A_453, %not3A_455 : vector<16xi1>, vector<16xi32>
        %bitcast3A_457 = vector.bitcast %select_n3A_456 : vector<16xi32> to vector<16xi32>
        %bitcast3A_458 = vector.bitcast %bitcast3A_457 : vector<16xi32> to vector<16xi32>
        %jit3A_459 = arith.constant 1 : i32
        %jit3A_460 = arith.constant 0 : i32
        %broadcast_in_dim3A_461 = vector.broadcast %jit3A_459 : i32 to vector<16xi32>
        %broadcast_in_dim3A_462 = vector.broadcast %jit3A_460 : i32 to vector<16xi32>
        %select_n3A_463 = arith.select %and3A_441, %broadcast_in_dim3A_461, %broadcast_in_dim3A_462 : vector<16xi1>, vector<16xi32>
        %broadcast_in_dim3A_464 = arith.constant true
        %broadcast_in_dim3A_465 = vector.broadcast %broadcast_in_dim3A_464 : i1 to vector<16xi1>
        %masked_cumsum3A_466 = tpu.scan <sum>, %select_n3A_463 masked %broadcast_in_dim3A_465 : vector<16xi32>, vector<16xi1> -> vector<16xi32>
        %broadcast_in_dim3A_467 = vector.broadcast %add3A_436 : i32 to vector<16xi32>
        %add3A_468 = arith.addi %broadcast_in_dim3A_467, %masked_cumsum3A_466 : vector<16xi32>
        %sub3A_469 = arith.constant 1 : i32
        %sub3A_470 = vector.broadcast %sub3A_469 : i32 to vector<16xi32>
        %sub3A_471 = arith.subi %add3A_468, %sub3A_470 : vector<16xi32>
        %lt3A_472 = arith.constant 20480 : i32
        %lt3A_473 = vector.broadcast %lt3A_472 : i32 to vector<16xi32>
        %lt3A_474 = arith.cmpi slt, %sub3A_471, %lt3A_473 : vector<16xi32>
        %and3A_475 = arith.andi %and3A_441, %lt3A_474 : vector<16xi1>
        tpu.vector_store_idx %arg15[%sub3A_471], %bitcast3A_458 masked %and3A_475 : memref<20480xi32, #tpu.memory_space<vmem>>[vector<16xi32>], vector<16xi32>, vector<16xi1>
        tpu.vector_store_idx %arg16[%sub3A_471], %add3A_446 masked %and3A_475 : memref<20480xi32, #tpu.memory_space<vmem>>[vector<16xi32>], vector<16xi32>, vector<16xi1>
        %jit3A_476 = arith.constant 1 : i32
        %jit3A_477 = arith.constant 0 : i32
        %broadcast_in_dim3A_478 = vector.broadcast %jit3A_476 : i32 to vector<16xi32>
        %broadcast_in_dim3A_479 = vector.broadcast %jit3A_477 : i32 to vector<16xi32>
        %select_n3A_480 = arith.select %and3A_475, %broadcast_in_dim3A_478, %broadcast_in_dim3A_479 : vector<16xi1>, vector<16xi32>
        %reduce_sum3A_481 = arith.constant true
        %reduce_sum3A_482 = vector.broadcast %reduce_sum3A_481 : i1 to vector<16xi1>
        %reduce_sum3A_483 = tpu.scan <sum>, %select_n3A_480 masked %reduce_sum3A_482 : vector<16xi32>, vector<16xi1> -> vector<16xi32>
        %reduce_sum3A_484 = vector.extract %reduce_sum3A_483[15] : i32 from vector<16xi32>
        %add3A_485 = arith.addi %add3A_436, %reduce_sum3A_484 : i32
        %get3A_486 = arith.index_cast %scan3A_335 : i32 to index
        %get3A_487 = arith.constant 48 : index
        %get3A_488 = tpu.vector_load %arg14[%get3A_486, %get3A_487] {strides = array<i32>} : memref<16x128xf32, #tpu.memory_space<vmem>>, vector<16xf32>,
        %ge3A_489 = arith.cmpf oge, %get3A_488, %get3A_5 : vector<16xf32>
        %and3A_490 = arith.andi %ge3A_489, %lt3A : vector<16xi1>
        %broadcast_in_dim3A_491 = arith.constant 48 : i32
        %broadcast_in_dim3A_492 = vector.broadcast %broadcast_in_dim3A_491 : i32 to vector<16xi32>
        %add3A_493 = arith.addi %mul3A_345, %broadcast_in_dim3A_492 : vector<16xi32>
        %iota3A_494 = tpu.iota {dimensions = array<i32: 0>} : vector<16xi32>
        %add3A_495 = arith.addi %add3A_493, %iota3A_494 : vector<16xi32>
        %bitcast3A_496 = vector.bitcast %get3A_488 : vector<16xf32> to vector<16xi32>
        %ge3A_497 = arith.constant 0 : i32
        %ge3A_498 = vector.broadcast %ge3A_497 : i32 to vector<16xi32>
        %ge3A_499 = arith.cmpi sge, %bitcast3A_496, %ge3A_498 : vector<16xi32>
        %xor3A_500 = arith.constant -2147483648 : i32
        %xor3A_501 = vector.broadcast %xor3A_500 : i32 to vector<16xi32>
        %xor3A_502 = arith.xori %bitcast3A_496, %xor3A_501 : vector<16xi32>
        %not3A_503 = arith.constant dense<-1> : vector<16xi32>
        %not3A_504 = arith.xori %bitcast3A_496, %not3A_503 : vector<16xi32>
        %select_n3A_505 = arith.select %ge3A_499, %xor3A_502, %not3A_504 : vector<16xi1>, vector<16xi32>
        %bitcast3A_506 = vector.bitcast %select_n3A_505 : vector<16xi32> to vector<16xi32>
        %bitcast3A_507 = vector.bitcast %bitcast3A_506 : vector<16xi32> to vector<16xi32>
        %jit3A_508 = arith.constant 1 : i32
        %jit3A_509 = arith.constant 0 : i32
        %broadcast_in_dim3A_510 = vector.broadcast %jit3A_508 : i32 to vector<16xi32>
        %broadcast_in_dim3A_511 = vector.broadcast %jit3A_509 : i32 to vector<16xi32>
        %select_n3A_512 = arith.select %and3A_490, %broadcast_in_dim3A_510, %broadcast_in_dim3A_511 : vector<16xi1>, vector<16xi32>
        %broadcast_in_dim3A_513 = arith.constant true
        %broadcast_in_dim3A_514 = vector.broadcast %broadcast_in_dim3A_513 : i1 to vector<16xi1>
        %masked_cumsum3A_515 = tpu.scan <sum>, %select_n3A_512 masked %broadcast_in_dim3A_514 : vector<16xi32>, vector<16xi1> -> vector<16xi32>
        %broadcast_in_dim3A_516 = vector.broadcast %add3A_485 : i32 to vector<16xi32>
        %add3A_517 = arith.addi %broadcast_in_dim3A_516, %masked_cumsum3A_515 : vector<16xi32>
        %sub3A_518 = arith.constant 1 : i32
        %sub3A_519 = vector.broadcast %sub3A_518 : i32 to vector<16xi32>
        %sub3A_520 = arith.subi %add3A_517, %sub3A_519 : vector<16xi32>
        %lt3A_521 = arith.constant 20480 : i32
        %lt3A_522 = vector.broadcast %lt3A_521 : i32 to vector<16xi32>
        %lt3A_523 = arith.cmpi slt, %sub3A_520, %lt3A_522 : vector<16xi32>
        %and3A_524 = arith.andi %and3A_490, %lt3A_523 : vector<16xi1>
        tpu.vector_store_idx %arg15[%sub3A_520], %bitcast3A_507 masked %and3A_524 : memref<20480xi32, #tpu.memory_space<vmem>>[vector<16xi32>], vector<16xi32>, vector<16xi1>
        tpu.vector_store_idx %arg16[%sub3A_520], %add3A_495 masked %and3A_524 : memref<20480xi32, #tpu.memory_space<vmem>>[vector<16xi32>], vector<16xi32>, vector<16xi1>
        %jit3A_525 = arith.constant 1 : i32
        %jit3A_526 = arith.constant 0 : i32
        %broadcast_in_dim3A_527 = vector.broadcast %jit3A_525 : i32 to vector<16xi32>
        %broadcast_in_dim3A_528 = vector.broadcast %jit3A_526 : i32 to vector<16xi32>
        %select_n3A_529 = arith.select %and3A_524, %broadcast_in_dim3A_527, %broadcast_in_dim3A_528 : vector<16xi1>, vector<16xi32>
        %reduce_sum3A_530 = arith.constant true
        %reduce_sum3A_531 = vector.broadcast %reduce_sum3A_530 : i1 to vector<16xi1>
        %reduce_sum3A_532 = tpu.scan <sum>, %select_n3A_529 masked %reduce_sum3A_531 : vector<16xi32>, vector<16xi1> -> vector<16xi32>
        %reduce_sum3A_533 = vector.extract %reduce_sum3A_532[15] : i32 from vector<16xi32>
        %add3A_534 = arith.addi %add3A_485, %reduce_sum3A_533 : i32
        %get3A_535 = arith.index_cast %scan3A_335 : i32 to index
        %get3A_536 = arith.constant 64 : index
        %get3A_537 = tpu.vector_load %arg14[%get3A_535, %get3A_536] {strides = array<i32>} : memref<16x128xf32, #tpu.memory_space<vmem>>, vector<16xf32>,
        %ge3A_538 = arith.cmpf oge, %get3A_537, %get3A_5 : vector<16xf32>
        %and3A_539 = arith.andi %ge3A_538, %lt3A : vector<16xi1>
        %broadcast_in_dim3A_540 = arith.constant 64 : i32
        %broadcast_in_dim3A_541 = vector.broadcast %broadcast_in_dim3A_540 : i32 to vector<16xi32>
        %add3A_542 = arith.addi %mul3A_345, %broadcast_in_dim3A_541 : vector<16xi32>
        %iota3A_543 = tpu.iota {dimensions = array<i32: 0>} : vector<16xi32>
        %add3A_544 = arith.addi %add3A_542, %iota3A_543 : vector<16xi32>
        %bitcast3A_545 = vector.bitcast %get3A_537 : vector<16xf32> to vector<16xi32>
        %ge3A_546 = arith.constant 0 : i32
        %ge3A_547 = vector.broadcast %ge3A_546 : i32 to vector<16xi32>
        %ge3A_548 = arith.cmpi sge, %bitcast3A_545, %ge3A_547 : vector<16xi32>
        %xor3A_549 = arith.constant -2147483648 : i32
        %xor3A_550 = vector.broadcast %xor3A_549 : i32 to vector<16xi32>
        %xor3A_551 = arith.xori %bitcast3A_545, %xor3A_550 : vector<16xi32>
        %not3A_552 = arith.constant dense<-1> : vector<16xi32>
        %not3A_553 = arith.xori %bitcast3A_545, %not3A_552 : vector<16xi32>
        %select_n3A_554 = arith.select %ge3A_548, %xor3A_551, %not3A_553 : vector<16xi1>, vector<16xi32>
        %bitcast3A_555 = vector.bitcast %select_n3A_554 : vector<16xi32> to vector<16xi32>
        %bitcast3A_556 = vector.bitcast %bitcast3A_555 : vector<16xi32> to vector<16xi32>
        %jit3A_557 = arith.constant 1 : i32
        %jit3A_558 = arith.constant 0 : i32
        %broadcast_in_dim3A_559 = vector.broadcast %jit3A_557 : i32 to vector<16xi32>
        %broadcast_in_dim3A_560 = vector.broadcast %jit3A_558 : i32 to vector<16xi32>
        %select_n3A_561 = arith.select %and3A_539, %broadcast_in_dim3A_559, %broadcast_in_dim3A_560 : vector<16xi1>, vector<16xi32>
        %broadcast_in_dim3A_562 = arith.constant true
        %broadcast_in_dim3A_563 = vector.broadcast %broadcast_in_dim3A_562 : i1 to vector<16xi1>
        %masked_cumsum3A_564 = tpu.scan <sum>, %select_n3A_561 masked %broadcast_in_dim3A_563 : vector<16xi32>, vector<16xi1> -> vector<16xi32>
        %broadcast_in_dim3A_565 = vector.broadcast %add3A_534 : i32 to vector<16xi32>
        %add3A_566 = arith.addi %broadcast_in_dim3A_565, %masked_cumsum3A_564 : vector<16xi32>
        %sub3A_567 = arith.constant 1 : i32
        %sub3A_568 = vector.broadcast %sub3A_567 : i32 to vector<16xi32>
        %sub3A_569 = arith.subi %add3A_566, %sub3A_568 : vector<16xi32>
        %lt3A_570 = arith.constant 20480 : i32
        %lt3A_571 = vector.broadcast %lt3A_570 : i32 to vector<16xi32>
        %lt3A_572 = arith.cmpi slt, %sub3A_569, %lt3A_571 : vector<16xi32>
        %and3A_573 = arith.andi %and3A_539, %lt3A_572 : vector<16xi1>
        tpu.vector_store_idx %arg15[%sub3A_569], %bitcast3A_556 masked %and3A_573 : memref<20480xi32, #tpu.memory_space<vmem>>[vector<16xi32>], vector<16xi32>, vector<16xi1>
        tpu.vector_store_idx %arg16[%sub3A_569], %add3A_544 masked %and3A_573 : memref<20480xi32, #tpu.memory_space<vmem>>[vector<16xi32>], vector<16xi32>, vector<16xi1>
        %jit3A_574 = arith.constant 1 : i32
        %jit3A_575 = arith.constant 0 : i32
        %broadcast_in_dim3A_576 = vector.broadcast %jit3A_574 : i32 to vector<16xi32>
        %broadcast_in_dim3A_577 = vector.broadcast %jit3A_575 : i32 to vector<16xi32>
        %select_n3A_578 = arith.select %and3A_573, %broadcast_in_dim3A_576, %broadcast_in_dim3A_577 : vector<16xi1>, vector<16xi32>
        %reduce_sum3A_579 = arith.constant true
        %reduce_sum3A_580 = vector.broadcast %reduce_sum3A_579 : i1 to vector<16xi1>
        %reduce_sum3A_581 = tpu.scan <sum>, %select_n3A_578 masked %reduce_sum3A_580 : vector<16xi32>, vector<16xi1> -> vector<16xi32>
        %reduce_sum3A_582 = vector.extract %reduce_sum3A_581[15] : i32 from vector<16xi32>
        %add3A_583 = arith.addi %add3A_534, %reduce_sum3A_582 : i32
        %get3A_584 = arith.index_cast %scan3A_335 : i32 to index
        %get3A_585 = arith.constant 80 : index
        %get3A_586 = tpu.vector_load %arg14[%get3A_584, %get3A_585] {strides = array<i32>} : memref<16x128xf32, #tpu.memory_space<vmem>>, vector<16xf32>,
        %ge3A_587 = arith.cmpf oge, %get3A_586, %get3A_5 : vector<16xf32>
        %and3A_588 = arith.andi %ge3A_587, %lt3A : vector<16xi1>
        %broadcast_in_dim3A_589 = arith.constant 80 : i32
        %broadcast_in_dim3A_590 = vector.broadcast %broadcast_in_dim3A_589 : i32 to vector<16xi32>
        %add3A_591 = arith.addi %mul3A_345, %broadcast_in_dim3A_590 : vector<16xi32>
        %iota3A_592 = tpu.iota {dimensions = array<i32: 0>} : vector<16xi32>
        %add3A_593 = arith.addi %add3A_591, %iota3A_592 : vector<16xi32>
        %bitcast3A_594 = vector.bitcast %get3A_586 : vector<16xf32> to vector<16xi32>
        %ge3A_595 = arith.constant 0 : i32
        %ge3A_596 = vector.broadcast %ge3A_595 : i32 to vector<16xi32>
        %ge3A_597 = arith.cmpi sge, %bitcast3A_594, %ge3A_596 : vector<16xi32>
        %xor3A_598 = arith.constant -2147483648 : i32
        %xor3A_599 = vector.broadcast %xor3A_598 : i32 to vector<16xi32>
        %xor3A_600 = arith.xori %bitcast3A_594, %xor3A_599 : vector<16xi32>
        %not3A_601 = arith.constant dense<-1> : vector<16xi32>
        %not3A_602 = arith.xori %bitcast3A_594, %not3A_601 : vector<16xi32>
        %select_n3A_603 = arith.select %ge3A_597, %xor3A_600, %not3A_602 : vector<16xi1>, vector<16xi32>
        %bitcast3A_604 = vector.bitcast %select_n3A_603 : vector<16xi32> to vector<16xi32>
        %bitcast3A_605 = vector.bitcast %bitcast3A_604 : vector<16xi32> to vector<16xi32>
        %jit3A_606 = arith.constant 1 : i32
        %jit3A_607 = arith.constant 0 : i32
        %broadcast_in_dim3A_608 = vector.broadcast %jit3A_606 : i32 to vector<16xi32>
        %broadcast_in_dim3A_609 = vector.broadcast %jit3A_607 : i32 to vector<16xi32>
        %select_n3A_610 = arith.select %and3A_588, %broadcast_in_dim3A_608, %broadcast_in_dim3A_609 : vector<16xi1>, vector<16xi32>
        %broadcast_in_dim3A_611 = arith.constant true
        %broadcast_in_dim3A_612 = vector.broadcast %broadcast_in_dim3A_611 : i1 to vector<16xi1>
        %masked_cumsum3A_613 = tpu.scan <sum>, %select_n3A_610 masked %broadcast_in_dim3A_612 : vector<16xi32>, vector<16xi1> -> vector<16xi32>
        %broadcast_in_dim3A_614 = vector.broadcast %add3A_583 : i32 to vector<16xi32>
        %add3A_615 = arith.addi %broadcast_in_dim3A_614, %masked_cumsum3A_613 : vector<16xi32>
        %sub3A_616 = arith.constant 1 : i32
        %sub3A_617 = vector.broadcast %sub3A_616 : i32 to vector<16xi32>
        %sub3A_618 = arith.subi %add3A_615, %sub3A_617 : vector<16xi32>
        %lt3A_619 = arith.constant 20480 : i32
        %lt3A_620 = vector.broadcast %lt3A_619 : i32 to vector<16xi32>
        %lt3A_621 = arith.cmpi slt, %sub3A_618, %lt3A_620 : vector<16xi32>
        %and3A_622 = arith.andi %and3A_588, %lt3A_621 : vector<16xi1>
        tpu.vector_store_idx %arg15[%sub3A_618], %bitcast3A_605 masked %and3A_622 : memref<20480xi32, #tpu.memory_space<vmem>>[vector<16xi32>], vector<16xi32>, vector<16xi1>
        tpu.vector_store_idx %arg16[%sub3A_618], %add3A_593 masked %and3A_622 : memref<20480xi32, #tpu.memory_space<vmem>>[vector<16xi32>], vector<16xi32>, vector<16xi1>
        %jit3A_623 = arith.constant 1 : i32
        %jit3A_624 = arith.constant 0 : i32
        %broadcast_in_dim3A_625 = vector.broadcast %jit3A_623 : i32 to vector<16xi32>
        %broadcast_in_dim3A_626 = vector.broadcast %jit3A_624 : i32 to vector<16xi32>
        %select_n3A_627 = arith.select %and3A_622, %broadcast_in_dim3A_625, %broadcast_in_dim3A_626 : vector<16xi1>, vector<16xi32>
        %reduce_sum3A_628 = arith.constant true
        %reduce_sum3A_629 = vector.broadcast %reduce_sum3A_628 : i1 to vector<16xi1>
        %reduce_sum3A_630 = tpu.scan <sum>, %select_n3A_627 masked %reduce_sum3A_629 : vector<16xi32>, vector<16xi1> -> vector<16xi32>
        %reduce_sum3A_631 = vector.extract %reduce_sum3A_630[15] : i32 from vector<16xi32>
        %add3A_632 = arith.addi %add3A_583, %reduce_sum3A_631 : i32
        %get3A_633 = arith.index_cast %scan3A_335 : i32 to index
        %get3A_634 = arith.constant 96 : index
        %get3A_635 = tpu.vector_load %arg14[%get3A_633, %get3A_634] {strides = array<i32>} : memref<16x128xf32, #tpu.memory_space<vmem>>, vector<16xf32>,
        %ge3A_636 = arith.cmpf oge, %get3A_635, %get3A_5 : vector<16xf32>
        %and3A_637 = arith.andi %ge3A_636, %lt3A : vector<16xi1>
        %broadcast_in_dim3A_638 = arith.constant 96 : i32
        %broadcast_in_dim3A_639 = vector.broadcast %broadcast_in_dim3A_638 : i32 to vector<16xi32>
        %add3A_640 = arith.addi %mul3A_345, %broadcast_in_dim3A_639 : vector<16xi32>
        %iota3A_641 = tpu.iota {dimensions = array<i32: 0>} : vector<16xi32>
        %add3A_642 = arith.addi %add3A_640, %iota3A_641 : vector<16xi32>
        %bitcast3A_643 = vector.bitcast %get3A_635 : vector<16xf32> to vector<16xi32>
        %ge3A_644 = arith.constant 0 : i32
        %ge3A_645 = vector.broadcast %ge3A_644 : i32 to vector<16xi32>
        %ge3A_646 = arith.cmpi sge, %bitcast3A_643, %ge3A_645 : vector<16xi32>
        %xor3A_647 = arith.constant -2147483648 : i32
        %xor3A_648 = vector.broadcast %xor3A_647 : i32 to vector<16xi32>
        %xor3A_649 = arith.xori %bitcast3A_643, %xor3A_648 : vector<16xi32>
        %not3A_650 = arith.constant dense<-1> : vector<16xi32>
        %not3A_651 = arith.xori %bitcast3A_643, %not3A_650 : vector<16xi32>
        %select_n3A_652 = arith.select %ge3A_646, %xor3A_649, %not3A_651 : vector<16xi1>, vector<16xi32>
        %bitcast3A_653 = vector.bitcast %select_n3A_652 : vector<16xi32> to vector<16xi32>
        %bitcast3A_654 = vector.bitcast %bitcast3A_653 : vector<16xi32> to vector<16xi32>
        %jit3A_655 = arith.constant 1 : i32
        %jit3A_656 = arith.constant 0 : i32
        %broadcast_in_dim3A_657 = vector.broadcast %jit3A_655 : i32 to vector<16xi32>
        %broadcast_in_dim3A_658 = vector.broadcast %jit3A_656 : i32 to vector<16xi32>
        %select_n3A_659 = arith.select %and3A_637, %broadcast_in_dim3A_657, %broadcast_in_dim3A_658 : vector<16xi1>, vector<16xi32>
        %broadcast_in_dim3A_660 = arith.constant true
        %broadcast_in_dim3A_661 = vector.broadcast %broadcast_in_dim3A_660 : i1 to vector<16xi1>
        %masked_cumsum3A_662 = tpu.scan <sum>, %select_n3A_659 masked %broadcast_in_dim3A_661 : vector<16xi32>, vector<16xi1> -> vector<16xi32>
        %broadcast_in_dim3A_663 = vector.broadcast %add3A_632 : i32 to vector<16xi32>
        %add3A_664 = arith.addi %broadcast_in_dim3A_663, %masked_cumsum3A_662 : vector<16xi32>
        %sub3A_665 = arith.constant 1 : i32
        %sub3A_666 = vector.broadcast %sub3A_665 : i32 to vector<16xi32>
        %sub3A_667 = arith.subi %add3A_664, %sub3A_666 : vector<16xi32>
        %lt3A_668 = arith.constant 20480 : i32
        %lt3A_669 = vector.broadcast %lt3A_668 : i32 to vector<16xi32>
        %lt3A_670 = arith.cmpi slt, %sub3A_667, %lt3A_669 : vector<16xi32>
        %and3A_671 = arith.andi %and3A_637, %lt3A_670 : vector<16xi1>
        tpu.vector_store_idx %arg15[%sub3A_667], %bitcast3A_654 masked %and3A_671 : memref<20480xi32, #tpu.memory_space<vmem>>[vector<16xi32>], vector<16xi32>, vector<16xi1>
        tpu.vector_store_idx %arg16[%sub3A_667], %add3A_642 masked %and3A_671 : memref<20480xi32, #tpu.memory_space<vmem>>[vector<16xi32>], vector<16xi32>, vector<16xi1>
        %jit3A_672 = arith.constant 1 : i32
        %jit3A_673 = arith.constant 0 : i32
        %broadcast_in_dim3A_674 = vector.broadcast %jit3A_672 : i32 to vector<16xi32>
        %broadcast_in_dim3A_675 = vector.broadcast %jit3A_673 : i32 to vector<16xi32>
        %select_n3A_676 = arith.select %and3A_671, %broadcast_in_dim3A_674, %broadcast_in_dim3A_675 : vector<16xi1>, vector<16xi32>
        %reduce_sum3A_677 = arith.constant true
        %reduce_sum3A_678 = vector.broadcast %reduce_sum3A_677 : i1 to vector<16xi1>
        %reduce_sum3A_679 = tpu.scan <sum>, %select_n3A_676 masked %reduce_sum3A_678 : vector<16xi32>, vector<16xi1> -> vector<16xi32>
        %reduce_sum3A_680 = vector.extract %reduce_sum3A_679[15] : i32 from vector<16xi32>
        %add3A_681 = arith.addi %add3A_632, %reduce_sum3A_680 : i32
        %get3A_682 = arith.index_cast %scan3A_335 : i32 to index
        %get3A_683 = arith.constant 112 : index
        %get3A_684 = tpu.vector_load %arg14[%get3A_682, %get3A_683] {strides = array<i32>} : memref<16x128xf32, #tpu.memory_space<vmem>>, vector<16xf32>,
        %ge3A_685 = arith.cmpf oge, %get3A_684, %get3A_5 : vector<16xf32>
        %and3A_686 = arith.andi %ge3A_685, %lt3A : vector<16xi1>
        %broadcast_in_dim3A_687 = arith.constant 112 : i32
        %broadcast_in_dim3A_688 = vector.broadcast %broadcast_in_dim3A_687 : i32 to vector<16xi32>
        %add3A_689 = arith.addi %mul3A_345, %broadcast_in_dim3A_688 : vector<16xi32>
        %iota3A_690 = tpu.iota {dimensions = array<i32: 0>} : vector<16xi32>
        %add3A_691 = arith.addi %add3A_689, %iota3A_690 : vector<16xi32>
        %bitcast3A_692 = vector.bitcast %get3A_684 : vector<16xf32> to vector<16xi32>
        %ge3A_693 = arith.constant 0 : i32
        %ge3A_694 = vector.broadcast %ge3A_693 : i32 to vector<16xi32>
        %ge3A_695 = arith.cmpi sge, %bitcast3A_692, %ge3A_694 : vector<16xi32>
        %xor3A_696 = arith.constant -2147483648 : i32
        %xor3A_697 = vector.broadcast %xor3A_696 : i32 to vector<16xi32>
        %xor3A_698 = arith.xori %bitcast3A_692, %xor3A_697 : vector<16xi32>
        %not3A_699 = arith.constant dense<-1> : vector<16xi32>
        %not3A_700 = arith.xori %bitcast3A_692, %not3A_699 : vector<16xi32>
        %select_n3A_701 = arith.select %ge3A_695, %xor3A_698, %not3A_700 : vector<16xi1>, vector<16xi32>
        %bitcast3A_702 = vector.bitcast %select_n3A_701 : vector<16xi32> to vector<16xi32>
        %bitcast3A_703 = vector.bitcast %bitcast3A_702 : vector<16xi32> to vector<16xi32>
        %jit3A_704 = arith.constant 1 : i32
        %jit3A_705 = arith.constant 0 : i32
        %broadcast_in_dim3A_706 = vector.broadcast %jit3A_704 : i32 to vector<16xi32>
        %broadcast_in_dim3A_707 = vector.broadcast %jit3A_705 : i32 to vector<16xi32>
        %select_n3A_708 = arith.select %and3A_686, %broadcast_in_dim3A_706, %broadcast_in_dim3A_707 : vector<16xi1>, vector<16xi32>
        %broadcast_in_dim3A_709 = arith.constant true
        %broadcast_in_dim3A_710 = vector.broadcast %broadcast_in_dim3A_709 : i1 to vector<16xi1>
        %masked_cumsum3A_711 = tpu.scan <sum>, %select_n3A_708 masked %broadcast_in_dim3A_710 : vector<16xi32>, vector<16xi1> -> vector<16xi32>
        %broadcast_in_dim3A_712 = vector.broadcast %add3A_681 : i32 to vector<16xi32>
        %add3A_713 = arith.addi %broadcast_in_dim3A_712, %masked_cumsum3A_711 : vector<16xi32>
        %sub3A_714 = arith.constant 1 : i32
        %sub3A_715 = vector.broadcast %sub3A_714 : i32 to vector<16xi32>
        %sub3A_716 = arith.subi %add3A_713, %sub3A_715 : vector<16xi32>
        %lt3A_717 = arith.constant 20480 : i32
        %lt3A_718 = vector.broadcast %lt3A_717 : i32 to vector<16xi32>
        %lt3A_719 = arith.cmpi slt, %sub3A_716, %lt3A_718 : vector<16xi32>
        %and3A_720 = arith.andi %and3A_686, %lt3A_719 : vector<16xi1>
        tpu.vector_store_idx %arg15[%sub3A_716], %bitcast3A_703 masked %and3A_720 : memref<20480xi32, #tpu.memory_space<vmem>>[vector<16xi32>], vector<16xi32>, vector<16xi1>
        tpu.vector_store_idx %arg16[%sub3A_716], %add3A_691 masked %and3A_720 : memref<20480xi32, #tpu.memory_space<vmem>>[vector<16xi32>], vector<16xi32>, vector<16xi1>
        %jit3A_721 = arith.constant 1 : i32
        %jit3A_722 = arith.constant 0 : i32
        %broadcast_in_dim3A_723 = vector.broadcast %jit3A_721 : i32 to vector<16xi32>
        %broadcast_in_dim3A_724 = vector.broadcast %jit3A_722 : i32 to vector<16xi32>
        %select_n3A_725 = arith.select %and3A_720, %broadcast_in_dim3A_723, %broadcast_in_dim3A_724 : vector<16xi1>, vector<16xi32>
        %reduce_sum3A_726 = arith.constant true
        %reduce_sum3A_727 = vector.broadcast %reduce_sum3A_726 : i1 to vector<16xi1>
        %reduce_sum3A_728 = tpu.scan <sum>, %select_n3A_725 masked %reduce_sum3A_727 : vector<16xi32>, vector<16xi1> -> vector<16xi32>
        %reduce_sum3A_729 = vector.extract %reduce_sum3A_728[15] : i32 from vector<16xi32>
        %add3A_730 = arith.addi %add3A_681, %reduce_sum3A_729 : i32
        scf.yield %add3A_730 : i32
      }
      %scan3A_332 = arith.constant 16 : i32
      %add3A_333 = arith.constant 16 : i32
      %add3A_334 = arith.addi %while3A_317, %add3A_333 : i32
      scf.yield %add3A_334, %scan3A_331 : i32, i32
    }
    %add3A_22 = arith.constant 15 : i32
    %add3A_23 = arith.addi %while3A_21#1, %add3A_22 : i32
    %jit3A = arith.constant 16 : i32
    %div3A = arith.divsi %add3A_23, %jit3A : i32
    %sign3A = arith.constant 0 : i32
    %sign3A_24 = arith.cmpi sgt, %add3A_23, %sign3A : i32
    %sign3A_25 = arith.extui %sign3A_24 : i1 to i32
    %sign3A_26 = arith.constant 0 : i32
    %sign3A_27 = arith.cmpi slt, %add3A_23, %sign3A_26 : i32
    %sign3A_28 = arith.extui %sign3A_27 : i1 to i32
    %sign3A_29 = arith.subi %sign3A_25, %sign3A_28 : i32
    %sign3A_30 = arith.constant 0 : i32
    %sign3A_31 = arith.cmpi sgt, %jit3A, %sign3A_30 : i32
    %sign3A_32 = arith.extui %sign3A_31 : i1 to i32
    %sign3A_33 = arith.constant 0 : i32
    %sign3A_34 = arith.cmpi slt, %jit3A, %sign3A_33 : i32
    %sign3A_35 = arith.extui %sign3A_34 : i1 to i32
    %sign3A_36 = arith.subi %sign3A_32, %sign3A_35 : i32
    %ne3A = arith.cmpi ne, %sign3A_29, %sign3A_36 : i32
    %rem3A = arith.remsi %add3A_23, %jit3A : i32
    %ne3A_37 = arith.constant 0 : i32
    %ne3A_38 = arith.cmpi ne, %rem3A, %ne3A_37 : i32
    %and3A = arith.andi %ne3A, %ne3A_38 : i1
    %sub3A = arith.constant 1 : i32
    %sub3A_39 = arith.subi %div3A, %sub3A : i32
    %select_n3A = arith.select %and3A, %sub3A_39, %div3A : i32
    %broadcast_in_dim3A_40 = vector.broadcast %while3A_21#1 : i32 to vector<16xi32>
    %scan3A_41 = arith.constant 0 : i32
    %scan3A_42 = arith.constant 0 : i32
    %scan3A_43 = arith.constant 32 : i32
    %scan3A_44 = arith.addi %scan3A_42, %scan3A_43 : i32
    %scan3A_45 = arith.constant 1 : i32
    %scan3A_46 = scf.for %scan3A_317 = %scan3A_42 to %scan3A_44 step %scan3A_45 iter_args(%scan3A_318 = %scan3A_41) -> (i32)  : i32 {
      %sub3A_319 = arith.constant 31 : i32
      %sub3A_320 = arith.subi %sub3A_319, %scan3A_317 : i32
      %shift_left3A = arith.constant 1 : i32
      %shift_left3A_321 = arith.shli %shift_left3A, %sub3A_320 : i32
      %or3A = arith.ori %scan3A_318, %shift_left3A_321 : i32
      %broadcast_in_dim3A_322 = vector.broadcast %or3A : i32 to vector<16xi32>
      %broadcast_in_dim3A_323 = arith.constant 0 : i32
      %broadcast_in_dim3A_324 = vector.broadcast %broadcast_in_dim3A_323 : i32 to vector<16xi32>
      %while3A_325 = arith.constant 0 : i32
      %while3A_326 = arith.subi %select_n3A, %while3A_325 : i32
      %while3A_327 = arith.addi %while3A_325, %while3A_326 : i32
      %while3A_328 = arith.constant 1 : i32
      %while3A_329 = arith.divsi %while3A_326, %while3A_328 : i32
      %while3A_330 = arith.muli %while3A_329, %while3A_328 : i32
      %while3A_331 = arith.addi %while3A_325, %while3A_330 : i32
      %while3A_332 = arith.constant 1 : i32
      %while3A_333 = scf.for %while3A_345 = %while3A_325 to %while3A_331 step %while3A_332 iter_args(%while3A_346 = %broadcast_in_dim3A_324) -> (vector<16xi32>)  : i32 {
        %mul3A_347 = arith.constant 16 : i32
        %mul3A_348 = arith.muli %while3A_345, %mul3A_347 : i32
        %get3A_349 = arith.index_cast %mul3A_348 : i32 to index
        %get3A_350 = tpu.vector_load %arg15[%get3A_349] {strides = array<i32>} : memref<20480xi32, #tpu.memory_space<vmem>>, vector<16xi32>,
        %bitcast3A = vector.bitcast %get3A_350 : vector<16xi32> to vector<16xi32>
        %mul3A_351 = arith.constant 16 : i32
        %mul3A_352 = arith.muli %while3A_345, %mul3A_351 : i32
        %broadcast_in_dim3A_353 = vector.broadcast %mul3A_352 : i32 to vector<16xi32>
        %iota3A = tpu.iota {dimensions = array<i32: 0>} : vector<16xi32>
        %add3A_354 = arith.addi %broadcast_in_dim3A_353, %iota3A : vector<16xi32>
        %lt3A = arith.cmpi slt, %add3A_354, %broadcast_in_dim3A_40 : vector<16xi32>
        %ge3A_355 = arith.cmpi uge, %bitcast3A, %broadcast_in_dim3A_322 : vector<16xi32>
        %and3A_356 = arith.andi %ge3A_355, %lt3A : vector<16xi1>
        %all_reduce_population_count3A = tpu.all_reduce %and3A_356 {dim = 0 : i64, kind = #tpu.reduction_kind<sum>} : vector<16xi1> -> vector<16xi32>
        %add3A_357 = arith.addi %while3A_346, %all_reduce_population_count3A : vector<16xi32>
        scf.yield %add3A_357 : vector<16xi32>
      }
      %while3A_334 = arith.constant 1 : i32
      %while3A_335 = scf.for %while3A_345 = %while3A_331 to %while3A_327 step %while3A_334 iter_args(%while3A_346 = %while3A_333) -> (vector<16xi32>)  : i32 {
        %mul3A_347 = arith.constant 16 : i32
        %mul3A_348 = arith.muli %while3A_345, %mul3A_347 : i32
        %get3A_349 = arith.index_cast %mul3A_348 : i32 to index
        %get3A_350 = tpu.vector_load %arg15[%get3A_349] {strides = array<i32>} : memref<20480xi32, #tpu.memory_space<vmem>>, vector<16xi32>,
        %bitcast3A = vector.bitcast %get3A_350 : vector<16xi32> to vector<16xi32>
        %mul3A_351 = arith.constant 16 : i32
        %mul3A_352 = arith.muli %while3A_345, %mul3A_351 : i32
        %broadcast_in_dim3A_353 = vector.broadcast %mul3A_352 : i32 to vector<16xi32>
        %iota3A = tpu.iota {dimensions = array<i32: 0>} : vector<16xi32>
        %add3A_354 = arith.addi %broadcast_in_dim3A_353, %iota3A : vector<16xi32>
        %lt3A = arith.cmpi slt, %add3A_354, %broadcast_in_dim3A_40 : vector<16xi32>
        %ge3A_355 = arith.cmpi uge, %bitcast3A, %broadcast_in_dim3A_322 : vector<16xi32>
        %and3A_356 = arith.andi %ge3A_355, %lt3A : vector<16xi1>
        %all_reduce_population_count3A = tpu.all_reduce %and3A_356 {dim = 0 : i64, kind = #tpu.reduction_kind<sum>} : vector<16xi1> -> vector<16xi32>
        %add3A_357 = arith.addi %while3A_346, %all_reduce_population_count3A : vector<16xi32>
        scf.yield %add3A_357 : vector<16xi32>
      }
      %reduce_max3A = arith.constant true
      %reduce_max3A_336 = vector.broadcast %reduce_max3A : i1 to vector<16xi1>
      %reduce_max3A_337 = arith.constant -2147483648 : i32
      %reduce_max3A_338 = vector.broadcast %reduce_max3A_337 : i32 to vector<16xi32>
      %reduce_max3A_339 = arith.xori %while3A_335, %reduce_max3A_338 : vector<16xi32>
      %reduce_max3A_340 = tpu.scan <max>, %reduce_max3A_339 masked %reduce_max3A_336 : vector<16xi32>, vector<16xi1> -> vector<16xi32>
      %reduce_max3A_341 = arith.xori %reduce_max3A_340, %reduce_max3A_338 : vector<16xi32>
      %reduce_max3A_342 = vector.extract %reduce_max3A_341[15] : i32 from vector<16xi32>
      %ge3A = arith.constant 256 : i32
      %ge3A_343 = arith.cmpi sge, %reduce_max3A_342, %ge3A : i32
      %select_n3A_344 = arith.select %ge3A_343, %or3A, %scan3A_318 : i32
      scf.yield %select_n3A_344 : i32
    }
    %scan3A_47 = arith.constant 32 : i32
    %broadcast_in_dim3A_48 = vector.broadcast %scan3A_46 : i32 to vector<16xi32>
    %broadcast_in_dim3A_49 = arith.constant 0 : i32
    %broadcast_in_dim3A_50 = vector.broadcast %broadcast_in_dim3A_49 : i32 to vector<16xi32>
    %while3A_51 = arith.constant 0 : i32
    %while3A_52 = arith.subi %select_n3A, %while3A_51 : i32
    %while3A_53 = arith.addi %while3A_51, %while3A_52 : i32
    %while3A_54 = arith.constant 1 : i32
    %while3A_55 = arith.divsi %while3A_52, %while3A_54 : i32
    %while3A_56 = arith.muli %while3A_55, %while3A_54 : i32
    %while3A_57 = arith.addi %while3A_51, %while3A_56 : i32
    %while3A_58 = arith.constant 1 : i32
    %while3A_59 = scf.for %while3A_317 = %while3A_51 to %while3A_57 step %while3A_58 iter_args(%while3A_318 = %broadcast_in_dim3A_50) -> (vector<16xi32>)  : i32 {
      %mul3A_319 = arith.constant 16 : i32
      %mul3A_320 = arith.muli %while3A_317, %mul3A_319 : i32
      %get3A_321 = arith.index_cast %mul3A_320 : i32 to index
      %get3A_322 = tpu.vector_load %arg15[%get3A_321] {strides = array<i32>} : memref<20480xi32, #tpu.memory_space<vmem>>, vector<16xi32>,
      %bitcast3A = vector.bitcast %get3A_322 : vector<16xi32> to vector<16xi32>
      %mul3A_323 = arith.constant 16 : i32
      %mul3A_324 = arith.muli %while3A_317, %mul3A_323 : i32
      %broadcast_in_dim3A_325 = vector.broadcast %mul3A_324 : i32 to vector<16xi32>
      %iota3A = tpu.iota {dimensions = array<i32: 0>} : vector<16xi32>
      %add3A_326 = arith.addi %broadcast_in_dim3A_325, %iota3A : vector<16xi32>
      %lt3A = arith.cmpi slt, %add3A_326, %broadcast_in_dim3A_40 : vector<16xi32>
      %gt3A = arith.cmpi ugt, %bitcast3A, %broadcast_in_dim3A_48 : vector<16xi32>
      %and3A_327 = arith.andi %gt3A, %lt3A : vector<16xi1>
      %jit3A_328 = arith.constant 1 : i32
      %jit3A_329 = arith.constant 0 : i32
      %broadcast_in_dim3A_330 = vector.broadcast %jit3A_328 : i32 to vector<16xi32>
      %broadcast_in_dim3A_331 = vector.broadcast %jit3A_329 : i32 to vector<16xi32>
      %select_n3A_332 = arith.select %and3A_327, %broadcast_in_dim3A_330, %broadcast_in_dim3A_331 : vector<16xi1>, vector<16xi32>
      %broadcast_in_dim3A_333 = arith.constant true
      %broadcast_in_dim3A_334 = vector.broadcast %broadcast_in_dim3A_333 : i1 to vector<16xi1>
      %masked_cumsum3A = tpu.scan <sum>, %select_n3A_332 masked %broadcast_in_dim3A_334 : vector<16xi32>, vector<16xi1> -> vector<16xi32>
      %add3A_335 = arith.addi %while3A_318, %masked_cumsum3A : vector<16xi32>
      %sub3A_336 = arith.constant 1 : i32
      %sub3A_337 = vector.broadcast %sub3A_336 : i32 to vector<16xi32>
      %sub3A_338 = arith.subi %add3A_335, %sub3A_337 : vector<16xi32>
      %bitcast3A_339 = vector.bitcast %bitcast3A : vector<16xi32> to vector<16xi32>
      tpu.vector_store_idx %arg17[%sub3A_338], %bitcast3A_339 masked %and3A_327 : memref<256xi32, #tpu.memory_space<vmem>>[vector<16xi32>], vector<16xi32>, vector<16xi1>
      %mul3A_340 = arith.constant 16 : i32
      %mul3A_341 = arith.muli %while3A_317, %mul3A_340 : i32
      %get3A_342 = arith.index_cast %mul3A_341 : i32 to index
      %get3A_343 = tpu.vector_load %arg16[%get3A_342] {strides = array<i32>} : memref<20480xi32, #tpu.memory_space<vmem>>, vector<16xi32>,
      tpu.vector_store_idx %arg18[%sub3A_338], %get3A_343 masked %and3A_327 : memref<256xi32, #tpu.memory_space<vmem>>[vector<16xi32>], vector<16xi32>, vector<16xi1>
      %all_reduce_population_count3A = tpu.all_reduce %and3A_327 {dim = 0 : i64, kind = #tpu.reduction_kind<sum>} : vector<16xi1> -> vector<16xi32>
      %add3A_344 = arith.addi %while3A_318, %all_reduce_population_count3A : vector<16xi32>
      scf.yield %add3A_344 : vector<16xi32>
    }
    %while3A_60 = arith.constant 1 : i32
    %while3A_61 = scf.for %while3A_317 = %while3A_57 to %while3A_53 step %while3A_60 iter_args(%while3A_318 = %while3A_59) -> (vector<16xi32>)  : i32 {
      %mul3A_319 = arith.constant 16 : i32
      %mul3A_320 = arith.muli %while3A_317, %mul3A_319 : i32
      %get3A_321 = arith.index_cast %mul3A_320 : i32 to index
      %get3A_322 = tpu.vector_load %arg15[%get3A_321] {strides = array<i32>} : memref<20480xi32, #tpu.memory_space<vmem>>, vector<16xi32>,
      %bitcast3A = vector.bitcast %get3A_322 : vector<16xi32> to vector<16xi32>
      %mul3A_323 = arith.constant 16 : i32
      %mul3A_324 = arith.muli %while3A_317, %mul3A_323 : i32
      %broadcast_in_dim3A_325 = vector.broadcast %mul3A_324 : i32 to vector<16xi32>
      %iota3A = tpu.iota {dimensions = array<i32: 0>} : vector<16xi32>
      %add3A_326 = arith.addi %broadcast_in_dim3A_325, %iota3A : vector<16xi32>
      %lt3A = arith.cmpi slt, %add3A_326, %broadcast_in_dim3A_40 : vector<16xi32>
      %gt3A = arith.cmpi ugt, %bitcast3A, %broadcast_in_dim3A_48 : vector<16xi32>
      %and3A_327 = arith.andi %gt3A, %lt3A : vector<16xi1>
      %jit3A_328 = arith.constant 1 : i32
      %jit3A_329 = arith.constant 0 : i32
      %broadcast_in_dim3A_330 = vector.broadcast %jit3A_328 : i32 to vector<16xi32>
      %broadcast_in_dim3A_331 = vector.broadcast %jit3A_329 : i32 to vector<16xi32>
      %select_n3A_332 = arith.select %and3A_327, %broadcast_in_dim3A_330, %broadcast_in_dim3A_331 : vector<16xi1>, vector<16xi32>
      %broadcast_in_dim3A_333 = arith.constant true
      %broadcast_in_dim3A_334 = vector.broadcast %broadcast_in_dim3A_333 : i1 to vector<16xi1>
      %masked_cumsum3A = tpu.scan <sum>, %select_n3A_332 masked %broadcast_in_dim3A_334 : vector<16xi32>, vector<16xi1> -> vector<16xi32>
      %add3A_335 = arith.addi %while3A_318, %masked_cumsum3A : vector<16xi32>
      %sub3A_336 = arith.constant 1 : i32
      %sub3A_337 = vector.broadcast %sub3A_336 : i32 to vector<16xi32>
      %sub3A_338 = arith.subi %add3A_335, %sub3A_337 : vector<16xi32>
      %bitcast3A_339 = vector.bitcast %bitcast3A : vector<16xi32> to vector<16xi32>
      tpu.vector_store_idx %arg17[%sub3A_338], %bitcast3A_339 masked %and3A_327 : memref<256xi32, #tpu.memory_space<vmem>>[vector<16xi32>], vector<16xi32>, vector<16xi1>
      %mul3A_340 = arith.constant 16 : i32
      %mul3A_341 = arith.muli %while3A_317, %mul3A_340 : i32
      %get3A_342 = arith.index_cast %mul3A_341 : i32 to index
      %get3A_343 = tpu.vector_load %arg16[%get3A_342] {strides = array<i32>} : memref<20480xi32, #tpu.memory_space<vmem>>, vector<16xi32>,
      tpu.vector_store_idx %arg18[%sub3A_338], %get3A_343 masked %and3A_327 : memref<256xi32, #tpu.memory_space<vmem>>[vector<16xi32>], vector<16xi32>, vector<16xi1>
      %all_reduce_population_count3A = tpu.all_reduce %and3A_327 {dim = 0 : i64, kind = #tpu.reduction_kind<sum>} : vector<16xi1> -> vector<16xi32>
      %add3A_344 = arith.addi %while3A_318, %all_reduce_population_count3A : vector<16xi32>
      scf.yield %add3A_344 : vector<16xi32>
    }
    %while3A_62 = arith.constant 0 : i32
    %while3A_63 = arith.subi %select_n3A, %while3A_62 : i32
    %while3A_64 = arith.addi %while3A_62, %while3A_63 : i32
    %while3A_65 = arith.constant 1 : i32
    %while3A_66 = arith.divsi %while3A_63, %while3A_65 : i32
    %while3A_67 = arith.muli %while3A_66, %while3A_65 : i32
    %while3A_68 = arith.addi %while3A_62, %while3A_67 : i32
    %while3A_69 = arith.constant 1 : i32
    %while3A_70 = scf.for %while3A_317 = %while3A_62 to %while3A_68 step %while3A_69 iter_args(%while3A_318 = %while3A_61) -> (vector<16xi32>)  : i32 {
      %mul3A_319 = arith.constant 16 : i32
      %mul3A_320 = arith.muli %while3A_317, %mul3A_319 : i32
      %get3A_321 = arith.index_cast %mul3A_320 : i32 to index
      %get3A_322 = tpu.vector_load %arg15[%get3A_321] {strides = array<i32>} : memref<20480xi32, #tpu.memory_space<vmem>>, vector<16xi32>,
      %bitcast3A = vector.bitcast %get3A_322 : vector<16xi32> to vector<16xi32>
      %mul3A_323 = arith.constant 16 : i32
      %mul3A_324 = arith.muli %while3A_317, %mul3A_323 : i32
      %broadcast_in_dim3A_325 = vector.broadcast %mul3A_324 : i32 to vector<16xi32>
      %iota3A = tpu.iota {dimensions = array<i32: 0>} : vector<16xi32>
      %add3A_326 = arith.addi %broadcast_in_dim3A_325, %iota3A : vector<16xi32>
      %lt3A = arith.cmpi slt, %add3A_326, %broadcast_in_dim3A_40 : vector<16xi32>
      %eq3A = arith.cmpi eq, %bitcast3A, %broadcast_in_dim3A_48 : vector<16xi32>
      %and3A_327 = arith.andi %eq3A, %lt3A : vector<16xi1>
      %jit3A_328 = arith.constant 1 : i32
      %jit3A_329 = arith.constant 0 : i32
      %broadcast_in_dim3A_330 = vector.broadcast %jit3A_328 : i32 to vector<16xi32>
      %broadcast_in_dim3A_331 = vector.broadcast %jit3A_329 : i32 to vector<16xi32>
      %select_n3A_332 = arith.select %and3A_327, %broadcast_in_dim3A_330, %broadcast_in_dim3A_331 : vector<16xi1>, vector<16xi32>
      %broadcast_in_dim3A_333 = arith.constant true
      %broadcast_in_dim3A_334 = vector.broadcast %broadcast_in_dim3A_333 : i1 to vector<16xi1>
      %masked_cumsum3A = tpu.scan <sum>, %select_n3A_332 masked %broadcast_in_dim3A_334 : vector<16xi32>, vector<16xi1> -> vector<16xi32>
      %add3A_335 = arith.addi %while3A_318, %masked_cumsum3A : vector<16xi32>
      %sub3A_336 = arith.constant 1 : i32
      %sub3A_337 = vector.broadcast %sub3A_336 : i32 to vector<16xi32>
      %sub3A_338 = arith.subi %add3A_335, %sub3A_337 : vector<16xi32>
      %lt3A_339 = arith.constant 256 : i32
      %lt3A_340 = vector.broadcast %lt3A_339 : i32 to vector<16xi32>
      %lt3A_341 = arith.cmpi slt, %sub3A_338, %lt3A_340 : vector<16xi32>
      %and3A_342 = arith.andi %and3A_327, %lt3A_341 : vector<16xi1>
      %bitcast3A_343 = vector.bitcast %bitcast3A : vector<16xi32> to vector<16xi32>
      tpu.vector_store_idx %arg17[%sub3A_338], %bitcast3A_343 masked %and3A_342 : memref<256xi32, #tpu.memory_space<vmem>>[vector<16xi32>], vector<16xi32>, vector<16xi1>
      %mul3A_344 = arith.constant 16 : i32
      %mul3A_345 = arith.muli %while3A_317, %mul3A_344 : i32
      %get3A_346 = arith.index_cast %mul3A_345 : i32 to index
      %get3A_347 = tpu.vector_load %arg16[%get3A_346] {strides = array<i32>} : memref<20480xi32, #tpu.memory_space<vmem>>, vector<16xi32>,
      tpu.vector_store_idx %arg18[%sub3A_338], %get3A_347 masked %and3A_342 : memref<256xi32, #tpu.memory_space<vmem>>[vector<16xi32>], vector<16xi32>, vector<16xi1>
      %all_reduce_population_count3A = tpu.all_reduce %and3A_342 {dim = 0 : i64, kind = #tpu.reduction_kind<sum>} : vector<16xi1> -> vector<16xi32>
      %add3A_348 = arith.addi %while3A_318, %all_reduce_population_count3A : vector<16xi32>
      scf.yield %add3A_348 : vector<16xi32>
    }
    %while3A_71 = arith.constant 1 : i32
    %while3A_72 = scf.for %while3A_317 = %while3A_68 to %while3A_64 step %while3A_71 iter_args(%while3A_318 = %while3A_70) -> (vector<16xi32>)  : i32 {
      %mul3A_319 = arith.constant 16 : i32
      %mul3A_320 = arith.muli %while3A_317, %mul3A_319 : i32
      %get3A_321 = arith.index_cast %mul3A_320 : i32 to index
      %get3A_322 = tpu.vector_load %arg15[%get3A_321] {strides = array<i32>} : memref<20480xi32, #tpu.memory_space<vmem>>, vector<16xi32>,
      %bitcast3A = vector.bitcast %get3A_322 : vector<16xi32> to vector<16xi32>
      %mul3A_323 = arith.constant 16 : i32
      %mul3A_324 = arith.muli %while3A_317, %mul3A_323 : i32
      %broadcast_in_dim3A_325 = vector.broadcast %mul3A_324 : i32 to vector<16xi32>
      %iota3A = tpu.iota {dimensions = array<i32: 0>} : vector<16xi32>
      %add3A_326 = arith.addi %broadcast_in_dim3A_325, %iota3A : vector<16xi32>
      %lt3A = arith.cmpi slt, %add3A_326, %broadcast_in_dim3A_40 : vector<16xi32>
      %eq3A = arith.cmpi eq, %bitcast3A, %broadcast_in_dim3A_48 : vector<16xi32>
      %and3A_327 = arith.andi %eq3A, %lt3A : vector<16xi1>
      %jit3A_328 = arith.constant 1 : i32
      %jit3A_329 = arith.constant 0 : i32
      %broadcast_in_dim3A_330 = vector.broadcast %jit3A_328 : i32 to vector<16xi32>
      %broadcast_in_dim3A_331 = vector.broadcast %jit3A_329 : i32 to vector<16xi32>
      %select_n3A_332 = arith.select %and3A_327, %broadcast_in_dim3A_330, %broadcast_in_dim3A_331 : vector<16xi1>, vector<16xi32>
      %broadcast_in_dim3A_333 = arith.constant true
      %broadcast_in_dim3A_334 = vector.broadcast %broadcast_in_dim3A_333 : i1 to vector<16xi1>
      %masked_cumsum3A = tpu.scan <sum>, %select_n3A_332 masked %broadcast_in_dim3A_334 : vector<16xi32>, vector<16xi1> -> vector<16xi32>
      %add3A_335 = arith.addi %while3A_318, %masked_cumsum3A : vector<16xi32>
      %sub3A_336 = arith.constant 1 : i32
      %sub3A_337 = vector.broadcast %sub3A_336 : i32 to vector<16xi32>
      %sub3A_338 = arith.subi %add3A_335, %sub3A_337 : vector<16xi32>
      %lt3A_339 = arith.constant 256 : i32
      %lt3A_340 = vector.broadcast %lt3A_339 : i32 to vector<16xi32>
      %lt3A_341 = arith.cmpi slt, %sub3A_338, %lt3A_340 : vector<16xi32>
      %and3A_342 = arith.andi %and3A_327, %lt3A_341 : vector<16xi1>
      %bitcast3A_343 = vector.bitcast %bitcast3A : vector<16xi32> to vector<16xi32>
      tpu.vector_store_idx %arg17[%sub3A_338], %bitcast3A_343 masked %and3A_342 : memref<256xi32, #tpu.memory_space<vmem>>[vector<16xi32>], vector<16xi32>, vector<16xi1>
      %mul3A_344 = arith.constant 16 : i32
      %mul3A_345 = arith.muli %while3A_317, %mul3A_344 : i32
      %get3A_346 = arith.index_cast %mul3A_345 : i32 to index
      %get3A_347 = tpu.vector_load %arg16[%get3A_346] {strides = array<i32>} : memref<20480xi32, #tpu.memory_space<vmem>>, vector<16xi32>,
      tpu.vector_store_idx %arg18[%sub3A_338], %get3A_347 masked %and3A_342 : memref<256xi32, #tpu.memory_space<vmem>>[vector<16xi32>], vector<16xi32>, vector<16xi1>
      %all_reduce_population_count3A = tpu.all_reduce %and3A_342 {dim = 0 : i64, kind = #tpu.reduction_kind<sum>} : vector<16xi1> -> vector<16xi32>
      %add3A_348 = arith.addi %while3A_318, %all_reduce_population_count3A : vector<16xi32>
      scf.yield %add3A_348 : vector<16xi32>
    }
    %scan3A_73 = arith.constant 0 : i32
    %scan3A_74 = arith.constant 0 : i32
    %scan3A_75 = arith.constant 256 : i32
    %scan3A_76 = arith.addi %scan3A_74, %scan3A_75 : i32
    %scan3A_77 = arith.constant 1 : i32
    scf.for %scan3A_317 = %scan3A_74 to %scan3A_76 step %scan3A_77  : i32 {
      %broadcast_in_dim3A_318 = vector.broadcast %scan3A_317 : i32 to vector<16xi32>
      %gather3A = tpu.vector_load_idx %arg17[%broadcast_in_dim3A_318] : memref<256xi32, #tpu.memory_space<vmem>>[vector<16xi32>], vector<16xi32>,
      %bitcast3A = vector.bitcast %gather3A : vector<16xi32> to vector<16xi32>
      %broadcast_in_dim3A_319 = vector.broadcast %scan3A_317 : i32 to vector<16xi32>
      %gather3A_320 = tpu.vector_load_idx %arg18[%broadcast_in_dim3A_319] : memref<256xi32, #tpu.memory_space<vmem>>[vector<16xi32>], vector<16xi32>,
      %broadcast_in_dim3A_321 = vector.broadcast %scan3A_317 : i32 to vector<16xi32>
      %broadcast_in_dim3A_322 = arith.constant 0 : i32
      %broadcast_in_dim3A_323 = vector.broadcast %broadcast_in_dim3A_322 : i32 to vector<16xi32>
      %broadcast_in_dim3A_324 = arith.constant 0 : i32
      %broadcast_in_dim3A_325 = vector.broadcast %broadcast_in_dim3A_324 : i32 to vector<16xi32>
      %scan3A_326 = arith.constant 0 : i32
      %scan3A_327 = arith.constant 16 : i32
      %scan3A_328 = arith.addi %scan3A_326, %scan3A_327 : i32
      %scan3A_329 = arith.constant 1 : i32
      %scan3A_330:2 = scf.for %scan3A_335 = %scan3A_326 to %scan3A_328 step %scan3A_329 iter_args(%scan3A_336 = %broadcast_in_dim3A_323, %scan3A_337 = %broadcast_in_dim3A_325) -> (vector<16xi32>, vector<16xi32>)  : i32 {
        %mul3A_338 = arith.constant 16 : i32
        %mul3A_339 = arith.muli %scan3A_335, %mul3A_338 : i32
        %get3A_340 = arith.index_cast %mul3A_339 : i32 to index
        %get3A_341 = tpu.vector_load %arg17[%get3A_340] {strides = array<i32>} : memref<256xi32, #tpu.memory_space<vmem>>, vector<16xi32>,
        %bitcast3A_342 = vector.bitcast %get3A_341 : vector<16xi32> to vector<16xi32>
        %mul3A_343 = arith.constant 16 : i32
        %mul3A_344 = arith.muli %scan3A_335, %mul3A_343 : i32
        %broadcast_in_dim3A_345 = vector.broadcast %mul3A_344 : i32 to vector<16xi32>
        %iota3A_346 = tpu.iota {dimensions = array<i32: 0>} : vector<16xi32>
        %add3A_347 = arith.addi %broadcast_in_dim3A_345, %iota3A_346 : vector<16xi32>
        %gt3A = arith.cmpi ugt, %bitcast3A_342, %bitcast3A : vector<16xi32>
        %eq3A_348 = arith.cmpi eq, %bitcast3A_342, %bitcast3A : vector<16xi32>
        %lt3A = arith.cmpi slt, %add3A_347, %broadcast_in_dim3A_321 : vector<16xi32>
        %and3A_349 = arith.andi %eq3A_348, %lt3A : vector<16xi1>
        %all_reduce_population_count3A = tpu.all_reduce %gt3A {dim = 0 : i64, kind = #tpu.reduction_kind<sum>} : vector<16xi1> -> vector<16xi32>
        %add3A_350 = arith.addi %scan3A_336, %all_reduce_population_count3A : vector<16xi32>
        %all_reduce_population_count3A_351 = tpu.all_reduce %and3A_349 {dim = 0 : i64, kind = #tpu.reduction_kind<sum>} : vector<16xi1> -> vector<16xi32>
        %add3A_352 = arith.addi %scan3A_337, %all_reduce_population_count3A_351 : vector<16xi32>
        scf.yield %add3A_350, %add3A_352 : vector<16xi32>, vector<16xi32>
      }
      %scan3A_331 = arith.constant 16 : i32
      %add3A_332 = arith.addi %scan3A_330#0, %scan3A_330#1 : vector<16xi32>
      %iota3A = tpu.iota {dimensions = array<i32: 0>} : vector<16xi32>
      %eq3A = arith.constant 0 : i32
      %eq3A_333 = vector.broadcast %eq3A : i32 to vector<16xi32>
      %eq3A_334 = arith.cmpi eq, %iota3A, %eq3A_333 : vector<16xi32>
      tpu.vector_store_idx %arg19[%add3A_332], %gather3A_320 masked %eq3A_334 : memref<256xi32, #tpu.memory_space<vmem>>[vector<16xi32>], vector<16xi32>, vector<16xi1>
    }
    %scan3A_78 = arith.constant 256 : i32
    %get3A_79 = arith.constant 0 : index
    %get3A_80 = tpu.vector_load %arg19[%get3A_79] {strides = array<i32>} : memref<256xi32, #tpu.memory_space<vmem>>, vector<16xi32>,
    %shift_right_arithmetic3A = arith.constant 1 : i32
    %shift_right_arithmetic3A_81 = vector.broadcast %shift_right_arithmetic3A : i32 to vector<16xi32>
    %shift_right_arithmetic3A_82 = arith.shrsi %get3A_80, %shift_right_arithmetic3A_81 : vector<16xi32>
    %swap3A = arith.constant 20224 : index
    %swap3A_83 = tpu.vector_load %arg16[%swap3A] {strides = array<i32>} : memref<20480xi32, #tpu.memory_space<vmem>>, vector<16xi32>,
    tpu.vector_store %arg16[%swap3A], %shift_right_arithmetic3A_82 {strides = array<i32>} : memref<20480xi32, #tpu.memory_space<vmem>>, vector<16xi32>,
    %get3A_84 = arith.constant 16 : index
    %get3A_85 = tpu.vector_load %arg19[%get3A_84] {strides = array<i32>} : memref<256xi32, #tpu.memory_space<vmem>>, vector<16xi32>,
    %shift_right_arithmetic3A_86 = arith.constant 1 : i32
    %shift_right_arithmetic3A_87 = vector.broadcast %shift_right_arithmetic3A_86 : i32 to vector<16xi32>
    %shift_right_arithmetic3A_88 = arith.shrsi %get3A_85, %shift_right_arithmetic3A_87 : vector<16xi32>
    %swap3A_89 = arith.constant 20240 : index
    %swap3A_90 = tpu.vector_load %arg16[%swap3A_89] {strides = array<i32>} : memref<20480xi32, #tpu.memory_space<vmem>>, vector<16xi32>,
    tpu.vector_store %arg16[%swap3A_89], %shift_right_arithmetic3A_88 {strides = array<i32>} : memref<20480xi32, #tpu.memory_space<vmem>>, vector<16xi32>,
    %get3A_91 = arith.constant 32 : index
    %get3A_92 = tpu.vector_load %arg19[%get3A_91] {strides = array<i32>} : memref<256xi32, #tpu.memory_space<vmem>>, vector<16xi32>,
    %shift_right_arithmetic3A_93 = arith.constant 1 : i32
    %shift_right_arithmetic3A_94 = vector.broadcast %shift_right_arithmetic3A_93 : i32 to vector<16xi32>
    %shift_right_arithmetic3A_95 = arith.shrsi %get3A_92, %shift_right_arithmetic3A_94 : vector<16xi32>
    %swap3A_96 = arith.constant 20256 : index
    %swap3A_97 = tpu.vector_load %arg16[%swap3A_96] {strides = array<i32>} : memref<20480xi32, #tpu.memory_space<vmem>>, vector<16xi32>,
    tpu.vector_store %arg16[%swap3A_96], %shift_right_arithmetic3A_95 {strides = array<i32>} : memref<20480xi32, #tpu.memory_space<vmem>>, vector<16xi32>,
    %get3A_98 = arith.constant 48 : index
    %get3A_99 = tpu.vector_load %arg19[%get3A_98] {strides = array<i32>} : memref<256xi32, #tpu.memory_space<vmem>>, vector<16xi32>,
    %shift_right_arithmetic3A_100 = arith.constant 1 : i32
    %shift_right_arithmetic3A_101 = vector.broadcast %shift_right_arithmetic3A_100 : i32 to vector<16xi32>
    %shift_right_arithmetic3A_102 = arith.shrsi %get3A_99, %shift_right_arithmetic3A_101 : vector<16xi32>
    %swap3A_103 = arith.constant 20272 : index
    %swap3A_104 = tpu.vector_load %arg16[%swap3A_103] {strides = array<i32>} : memref<20480xi32, #tpu.memory_space<vmem>>, vector<16xi32>,
    tpu.vector_store %arg16[%swap3A_103], %shift_right_arithmetic3A_102 {strides = array<i32>} : memref<20480xi32, #tpu.memory_space<vmem>>, vector<16xi32>,
    %get3A_105 = arith.constant 64 : index
    %get3A_106 = tpu.vector_load %arg19[%get3A_105] {strides = array<i32>} : memref<256xi32, #tpu.memory_space<vmem>>, vector<16xi32>,
    %shift_right_arithmetic3A_107 = arith.constant 1 : i32
    %shift_right_arithmetic3A_108 = vector.broadcast %shift_right_arithmetic3A_107 : i32 to vector<16xi32>
    %shift_right_arithmetic3A_109 = arith.shrsi %get3A_106, %shift_right_arithmetic3A_108 : vector<16xi32>
    %swap3A_110 = arith.constant 20288 : index
    %swap3A_111 = tpu.vector_load %arg16[%swap3A_110] {strides = array<i32>} : memref<20480xi32, #tpu.memory_space<vmem>>, vector<16xi32>,
    tpu.vector_store %arg16[%swap3A_110], %shift_right_arithmetic3A_109 {strides = array<i32>} : memref<20480xi32, #tpu.memory_space<vmem>>, vector<16xi32>,
    %get3A_112 = arith.constant 80 : index
    %get3A_113 = tpu.vector_load %arg19[%get3A_112] {strides = array<i32>} : memref<256xi32, #tpu.memory_space<vmem>>, vector<16xi32>,
    %shift_right_arithmetic3A_114 = arith.constant 1 : i32
    %shift_right_arithmetic3A_115 = vector.broadcast %shift_right_arithmetic3A_114 : i32 to vector<16xi32>
    %shift_right_arithmetic3A_116 = arith.shrsi %get3A_113, %shift_right_arithmetic3A_115 : vector<16xi32>
    %swap3A_117 = arith.constant 20304 : index
    %swap3A_118 = tpu.vector_load %arg16[%swap3A_117] {strides = array<i32>} : memref<20480xi32, #tpu.memory_space<vmem>>, vector<16xi32>,
    tpu.vector_store %arg16[%swap3A_117], %shift_right_arithmetic3A_116 {strides = array<i32>} : memref<20480xi32, #tpu.memory_space<vmem>>, vector<16xi32>,
    %get3A_119 = arith.constant 96 : index
    %get3A_120 = tpu.vector_load %arg19[%get3A_119] {strides = array<i32>} : memref<256xi32, #tpu.memory_space<vmem>>, vector<16xi32>,
    %shift_right_arithmetic3A_121 = arith.constant 1 : i32
    %shift_right_arithmetic3A_122 = vector.broadcast %shift_right_arithmetic3A_121 : i32 to vector<16xi32>
    %shift_right_arithmetic3A_123 = arith.shrsi %get3A_120, %shift_right_arithmetic3A_122 : vector<16xi32>
    %swap3A_124 = arith.constant 20320 : index
    %swap3A_125 = tpu.vector_load %arg16[%swap3A_124] {strides = array<i32>} : memref<20480xi32, #tpu.memory_space<vmem>>, vector<16xi32>,
    tpu.vector_store %arg16[%swap3A_124], %shift_right_arithmetic3A_123 {strides = array<i32>} : memref<20480xi32, #tpu.memory_space<vmem>>, vector<16xi32>,
    %get3A_126 = arith.constant 112 : index
    %get3A_127 = tpu.vector_load %arg19[%get3A_126] {strides = array<i32>} : memref<256xi32, #tpu.memory_space<vmem>>, vector<16xi32>,
    %shift_right_arithmetic3A_128 = arith.constant 1 : i32
    %shift_right_arithmetic3A_129 = vector.broadcast %shift_right_arithmetic3A_128 : i32 to vector<16xi32>
    %shift_right_arithmetic3A_130 = arith.shrsi %get3A_127, %shift_right_arithmetic3A_129 : vector<16xi32>
    %swap3A_131 = arith.constant 20336 : index
    %swap3A_132 = tpu.vector_load %arg16[%swap3A_131] {strides = array<i32>} : memref<20480xi32, #tpu.memory_space<vmem>>, vector<16xi32>,
    tpu.vector_store %arg16[%swap3A_131], %shift_right_arithmetic3A_130 {strides = array<i32>} : memref<20480xi32, #tpu.memory_space<vmem>>, vector<16xi32>,
    %get3A_133 = arith.constant 128 : index
    %get3A_134 = tpu.vector_load %arg19[%get3A_133] {strides = array<i32>} : memref<256xi32, #tpu.memory_space<vmem>>, vector<16xi32>,
    %shift_right_arithmetic3A_135 = arith.constant 1 : i32
    %shift_right_arithmetic3A_136 = vector.broadcast %shift_right_arithmetic3A_135 : i32 to vector<16xi32>
    %shift_right_arithmetic3A_137 = arith.shrsi %get3A_134, %shift_right_arithmetic3A_136 : vector<16xi32>
    %swap3A_138 = arith.constant 20352 : index
    %swap3A_139 = tpu.vector_load %arg16[%swap3A_138] {strides = array<i32>} : memref<20480xi32, #tpu.memory_space<vmem>>, vector<16xi32>,
    tpu.vector_store %arg16[%swap3A_138], %shift_right_arithmetic3A_137 {strides = array<i32>} : memref<20480xi32, #tpu.memory_space<vmem>>, vector<16xi32>,
    %get3A_140 = arith.constant 144 : index
    %get3A_141 = tpu.vector_load %arg19[%get3A_140] {strides = array<i32>} : memref<256xi32, #tpu.memory_space<vmem>>, vector<16xi32>,
    %shift_right_arithmetic3A_142 = arith.constant 1 : i32
    %shift_right_arithmetic3A_143 = vector.broadcast %shift_right_arithmetic3A_142 : i32 to vector<16xi32>
    %shift_right_arithmetic3A_144 = arith.shrsi %get3A_141, %shift_right_arithmetic3A_143 : vector<16xi32>
    %swap3A_145 = arith.constant 20368 : index
    %swap3A_146 = tpu.vector_load %arg16[%swap3A_145] {strides = array<i32>} : memref<20480xi32, #tpu.memory_space<vmem>>, vector<16xi32>,
    tpu.vector_store %arg16[%swap3A_145], %shift_right_arithmetic3A_144 {strides = array<i32>} : memref<20480xi32, #tpu.memory_space<vmem>>, vector<16xi32>,
    %get3A_147 = arith.constant 160 : index
    %get3A_148 = tpu.vector_load %arg19[%get3A_147] {strides = array<i32>} : memref<256xi32, #tpu.memory_space<vmem>>, vector<16xi32>,
    %shift_right_arithmetic3A_149 = arith.constant 1 : i32
    %shift_right_arithmetic3A_150 = vector.broadcast %shift_right_arithmetic3A_149 : i32 to vector<16xi32>
    %shift_right_arithmetic3A_151 = arith.shrsi %get3A_148, %shift_right_arithmetic3A_150 : vector<16xi32>
    %swap3A_152 = arith.constant 20384 : index
    %swap3A_153 = tpu.vector_load %arg16[%swap3A_152] {strides = array<i32>} : memref<20480xi32, #tpu.memory_space<vmem>>, vector<16xi32>,
    tpu.vector_store %arg16[%swap3A_152], %shift_right_arithmetic3A_151 {strides = array<i32>} : memref<20480xi32, #tpu.memory_space<vmem>>, vector<16xi32>,
    %get3A_154 = arith.constant 176 : index
    %get3A_155 = tpu.vector_load %arg19[%get3A_154] {strides = array<i32>} : memref<256xi32, #tpu.memory_space<vmem>>, vector<16xi32>,
    %shift_right_arithmetic3A_156 = arith.constant 1 : i32
    %shift_right_arithmetic3A_157 = vector.broadcast %shift_right_arithmetic3A_156 : i32 to vector<16xi32>
    %shift_right_arithmetic3A_158 = arith.shrsi %get3A_155, %shift_right_arithmetic3A_157 : vector<16xi32>
    %swap3A_159 = arith.constant 20400 : index
    %swap3A_160 = tpu.vector_load %arg16[%swap3A_159] {strides = array<i32>} : memref<20480xi32, #tpu.memory_space<vmem>>, vector<16xi32>,
    tpu.vector_store %arg16[%swap3A_159], %shift_right_arithmetic3A_158 {strides = array<i32>} : memref<20480xi32, #tpu.memory_space<vmem>>, vector<16xi32>,
    %get3A_161 = arith.constant 192 : index
    %get3A_162 = tpu.vector_load %arg19[%get3A_161] {strides = array<i32>} : memref<256xi32, #tpu.memory_space<vmem>>, vector<16xi32>,
    %shift_right_arithmetic3A_163 = arith.constant 1 : i32
    %shift_right_arithmetic3A_164 = vector.broadcast %shift_right_arithmetic3A_163 : i32 to vector<16xi32>
    %shift_right_arithmetic3A_165 = arith.shrsi %get3A_162, %shift_right_arithmetic3A_164 : vector<16xi32>
    %swap3A_166 = arith.constant 20416 : index
    %swap3A_167 = tpu.vector_load %arg16[%swap3A_166] {strides = array<i32>} : memref<20480xi32, #tpu.memory_space<vmem>>, vector<16xi32>,
    tpu.vector_store %arg16[%swap3A_166], %shift_right_arithmetic3A_165 {strides = array<i32>} : memref<20480xi32, #tpu.memory_space<vmem>>, vector<16xi32>,
    %get3A_168 = arith.constant 208 : index
    %get3A_169 = tpu.vector_load %arg19[%get3A_168] {strides = array<i32>} : memref<256xi32, #tpu.memory_space<vmem>>, vector<16xi32>,
    %shift_right_arithmetic3A_170 = arith.constant 1 : i32
    %shift_right_arithmetic3A_171 = vector.broadcast %shift_right_arithmetic3A_170 : i32 to vector<16xi32>
    %shift_right_arithmetic3A_172 = arith.shrsi %get3A_169, %shift_right_arithmetic3A_171 : vector<16xi32>
    %swap3A_173 = arith.constant 20432 : index
    %swap3A_174 = tpu.vector_load %arg16[%swap3A_173] {strides = array<i32>} : memref<20480xi32, #tpu.memory_space<vmem>>, vector<16xi32>,
    tpu.vector_store %arg16[%swap3A_173], %shift_right_arithmetic3A_172 {strides = array<i32>} : memref<20480xi32, #tpu.memory_space<vmem>>, vector<16xi32>,
    %get3A_175 = arith.constant 224 : index
    %get3A_176 = tpu.vector_load %arg19[%get3A_175] {strides = array<i32>} : memref<256xi32, #tpu.memory_space<vmem>>, vector<16xi32>,
    %shift_right_arithmetic3A_177 = arith.constant 1 : i32
    %shift_right_arithmetic3A_178 = vector.broadcast %shift_right_arithmetic3A_177 : i32 to vector<16xi32>
    %shift_right_arithmetic3A_179 = arith.shrsi %get3A_176, %shift_right_arithmetic3A_178 : vector<16xi32>
    %swap3A_180 = arith.constant 20448 : index
    %swap3A_181 = tpu.vector_load %arg16[%swap3A_180] {strides = array<i32>} : memref<20480xi32, #tpu.memory_space<vmem>>, vector<16xi32>,
    tpu.vector_store %arg16[%swap3A_180], %shift_right_arithmetic3A_179 {strides = array<i32>} : memref<20480xi32, #tpu.memory_space<vmem>>, vector<16xi32>,
    %get3A_182 = arith.constant 240 : index
    %get3A_183 = tpu.vector_load %arg19[%get3A_182] {strides = array<i32>} : memref<256xi32, #tpu.memory_space<vmem>>, vector<16xi32>,
    %shift_right_arithmetic3A_184 = arith.constant 1 : i32
    %shift_right_arithmetic3A_185 = vector.broadcast %shift_right_arithmetic3A_184 : i32 to vector<16xi32>
    %shift_right_arithmetic3A_186 = arith.shrsi %get3A_183, %shift_right_arithmetic3A_185 : vector<16xi32>
    %swap3A_187 = arith.constant 20464 : index
    %swap3A_188 = tpu.vector_load %arg16[%swap3A_187] {strides = array<i32>} : memref<20480xi32, #tpu.memory_space<vmem>>, vector<16xi32>,
    tpu.vector_store %arg16[%swap3A_187], %shift_right_arithmetic3A_186 {strides = array<i32>} : memref<20480xi32, #tpu.memory_space<vmem>>, vector<16xi32>,
    %dma_start3A = arith.constant 20224 : i32
    %dma_start3A_189 = tpu.memref_slice %arg16[%dma_start3A] : memref<20480xi32, #tpu.memory_space<vmem>> -> memref<256xi32, #tpu.memory_space<vmem>>
    %dma_start3A_190 = arith.constant 0 : i32
    %dma_start3A_191 = arith.constant 0 : i32
    %dma_start3A_192 = tpu.memref_slice %arg5[%dma_start3A_190, %dma_start3A_191] : memref<500000x128xf32, #tpu.memory_space<hbm>> -> memref<500000x128xf32, #tpu.memory_space<hbm>>
    tpu.enqueue_indirect_dma source(%dma_start3A_192 : memref<500000x128xf32, #tpu.memory_space<hbm>>) target(%arg20 : memref<256x128xf32, #tpu.memory_space<vmem>>) offsets(%dma_start3A_189 : memref<256xi32, #tpu.memory_space<vmem>>) semaphore(%arg23 : memref<!tpu.dma_semaphore, #tpu.memory_space<semaphore_mem>>)
    %dma_wait3A = arith.constant 20224 : i32
    %dma_wait3A_193 = tpu.memref_slice %arg16[%dma_wait3A] : memref<20480xi32, #tpu.memory_space<vmem>> -> memref<256xi32, #tpu.memory_space<vmem>>
    %dma_wait3A_194 = arith.constant 0 : i32
    %dma_wait3A_195 = arith.constant 0 : i32
    %dma_wait3A_196 = tpu.memref_slice %arg5[%dma_wait3A_194, %dma_wait3A_195] : memref<500000x128xf32, #tpu.memory_space<hbm>> -> memref<500000x128xf32, #tpu.memory_space<hbm>>
    tpu.wait_indirect_dma semaphore(%arg23 : memref<!tpu.dma_semaphore, #tpu.memory_space<semaphore_mem>>) src(%dma_wait3A_196 : memref<500000x128xf32, #tpu.memory_space<hbm>>) dst(%arg20 : memref<256x128xf32, #tpu.memory_space<vmem>>)
    %mul3A_197 = arith.constant 64 : i32
    %mul3A_198 = arith.muli %add3A, %mul3A_197 : i32
    "tpu.region"() ({
      %run_scoped3A = tpu.sem_alloc : memref<!tpu.dma_semaphore, #tpu.memory_space<semaphore_mem>>
      %dma_start3A_317 = arith.constant 0 : i32
      %dma_start3A_318 = tpu.memref_slice %arg22[%dma_start3A_317] : memref<576xf32, #tpu.memory_space<vmem>> -> memref<64xf32, #tpu.memory_space<vmem>>
      %dma_start3A_319 = tpu.memref_slice %arg6[%mul3A_198] : memref<2048xf32, #tpu.memory_space<hbm>> -> memref<64xf32, #tpu.memory_space<hbm>>
      %dma_start3A_320 = arith.constant 0 : i32
      %dma_start3A_321 = tpu.memref_slice %arg22[%dma_start3A_320] : memref<576xf32, #tpu.memory_space<vmem>> -> memref<64xf32, #tpu.memory_space<vmem>>
      %dma_start3A_322 = tpu.memref_slice %arg6[%mul3A_198] : memref<2048xf32, #tpu.memory_space<hbm>> -> memref<64xf32, #tpu.memory_space<hbm>>
      tpu.enqueue_dma source(%dma_start3A_322 : memref<64xf32, #tpu.memory_space<hbm>>) target(%dma_start3A_321 : memref<64xf32, #tpu.memory_space<vmem>>) target_semaphore(%run_scoped3A : memref<!tpu.dma_semaphore, #tpu.memory_space<semaphore_mem>>)
      %dma_wait3A_323 = arith.constant 0 : i32
      %dma_wait3A_324 = tpu.memref_slice %arg22[%dma_wait3A_323] : memref<576xf32, #tpu.memory_space<vmem>> -> memref<64xf32, #tpu.memory_space<vmem>>
      %dma_wait3A_325 = tpu.memref_slice %arg6[%mul3A_198] : memref<2048xf32, #tpu.memory_space<hbm>> -> memref<64xf32, #tpu.memory_space<hbm>>
      %dma_wait3A_326 = arith.constant 0 : i32
      %dma_wait3A_327 = tpu.memref_slice %arg22[%dma_wait3A_326] : memref<576xf32, #tpu.memory_space<vmem>> -> memref<64xf32, #tpu.memory_space<vmem>>
      %dma_wait3A_328 = tpu.memref_slice %arg6[%mul3A_198] : memref<2048xf32, #tpu.memory_space<hbm>> -> memref<64xf32, #tpu.memory_space<hbm>>
      tpu.wait_dma2 semaphore(%run_scoped3A : memref<!tpu.dma_semaphore, #tpu.memory_space<semaphore_mem>>) src(%dma_wait3A_328 : memref<64xf32, #tpu.memory_space<hbm>>) dst(%dma_wait3A_327 : memref<64xf32, #tpu.memory_space<vmem>>)
      tpu.yield
    }) : () -> ()
    %mul3A_199 = arith.constant 64 : i32
    %mul3A_200 = arith.muli %add3A, %mul3A_199 : i32
    "tpu.region"() ({
      %run_scoped3A = tpu.sem_alloc : memref<!tpu.dma_semaphore, #tpu.memory_space<semaphore_mem>>
      %dma_start3A_317 = arith.constant 64 : i32
      %dma_start3A_318 = tpu.memref_slice %arg22[%dma_start3A_317] : memref<576xf32, #tpu.memory_space<vmem>> -> memref<64xf32, #tpu.memory_space<vmem>>
      %dma_start3A_319 = tpu.memref_slice %arg7[%mul3A_200] : memref<2048xf32, #tpu.memory_space<hbm>> -> memref<64xf32, #tpu.memory_space<hbm>>
      %dma_start3A_320 = arith.constant 64 : i32
      %dma_start3A_321 = tpu.memref_slice %arg22[%dma_start3A_320] : memref<576xf32, #tpu.memory_space<vmem>> -> memref<64xf32, #tpu.memory_space<vmem>>
      %dma_start3A_322 = tpu.memref_slice %arg7[%mul3A_200] : memref<2048xf32, #tpu.memory_space<hbm>> -> memref<64xf32, #tpu.memory_space<hbm>>
      tpu.enqueue_dma source(%dma_start3A_322 : memref<64xf32, #tpu.memory_space<hbm>>) target(%dma_start3A_321 : memref<64xf32, #tpu.memory_space<vmem>>) target_semaphore(%run_scoped3A : memref<!tpu.dma_semaphore, #tpu.memory_space<semaphore_mem>>)
      %dma_wait3A_323 = arith.constant 64 : i32
      %dma_wait3A_324 = tpu.memref_slice %arg22[%dma_wait3A_323] : memref<576xf32, #tpu.memory_space<vmem>> -> memref<64xf32, #tpu.memory_space<vmem>>
      %dma_wait3A_325 = tpu.memref_slice %arg7[%mul3A_200] : memref<2048xf32, #tpu.memory_space<hbm>> -> memref<64xf32, #tpu.memory_space<hbm>>
      %dma_wait3A_326 = arith.constant 64 : i32
      %dma_wait3A_327 = tpu.memref_slice %arg22[%dma_wait3A_326] : memref<576xf32, #tpu.memory_space<vmem>> -> memref<64xf32, #tpu.memory_space<vmem>>
      %dma_wait3A_328 = tpu.memref_slice %arg7[%mul3A_200] : memref<2048xf32, #tpu.memory_space<hbm>> -> memref<64xf32, #tpu.memory_space<hbm>>
      tpu.wait_dma2 semaphore(%run_scoped3A : memref<!tpu.dma_semaphore, #tpu.memory_space<semaphore_mem>>) src(%dma_wait3A_328 : memref<64xf32, #tpu.memory_space<hbm>>) dst(%dma_wait3A_327 : memref<64xf32, #tpu.memory_space<vmem>>)
      tpu.yield
    }) : () -> ()
    %mul3A_201 = arith.constant 64 : i32
    %mul3A_202 = arith.muli %add3A, %mul3A_201 : i32
    "tpu.region"() ({
      %run_scoped3A = tpu.sem_alloc : memref<!tpu.dma_semaphore, #tpu.memory_space<semaphore_mem>>
      %dma_start3A_317 = arith.constant 128 : i32
      %dma_start3A_318 = tpu.memref_slice %arg22[%dma_start3A_317] : memref<576xf32, #tpu.memory_space<vmem>> -> memref<64xf32, #tpu.memory_space<vmem>>
      %dma_start3A_319 = tpu.memref_slice %arg8[%mul3A_202] : memref<2048xf32, #tpu.memory_space<hbm>> -> memref<64xf32, #tpu.memory_space<hbm>>
      %dma_start3A_320 = arith.constant 128 : i32
      %dma_start3A_321 = tpu.memref_slice %arg22[%dma_start3A_320] : memref<576xf32, #tpu.memory_space<vmem>> -> memref<64xf32, #tpu.memory_space<vmem>>
      %dma_start3A_322 = tpu.memref_slice %arg8[%mul3A_202] : memref<2048xf32, #tpu.memory_space<hbm>> -> memref<64xf32, #tpu.memory_space<hbm>>
      tpu.enqueue_dma source(%dma_start3A_322 : memref<64xf32, #tpu.memory_space<hbm>>) target(%dma_start3A_321 : memref<64xf32, #tpu.memory_space<vmem>>) target_semaphore(%run_scoped3A : memref<!tpu.dma_semaphore, #tpu.memory_space<semaphore_mem>>)
      %dma_wait3A_323 = arith.constant 128 : i32
      %dma_wait3A_324 = tpu.memref_slice %arg22[%dma_wait3A_323] : memref<576xf32, #tpu.memory_space<vmem>> -> memref<64xf32, #tpu.memory_space<vmem>>
      %dma_wait3A_325 = tpu.memref_slice %arg8[%mul3A_202] : memref<2048xf32, #tpu.memory_space<hbm>> -> memref<64xf32, #tpu.memory_space<hbm>>
      %dma_wait3A_326 = arith.constant 128 : i32
      %dma_wait3A_327 = tpu.memref_slice %arg22[%dma_wait3A_326] : memref<576xf32, #tpu.memory_space<vmem>> -> memref<64xf32, #tpu.memory_space<vmem>>
      %dma_wait3A_328 = tpu.memref_slice %arg8[%mul3A_202] : memref<2048xf32, #tpu.memory_space<hbm>> -> memref<64xf32, #tpu.memory_space<hbm>>
      tpu.wait_dma2 semaphore(%run_scoped3A : memref<!tpu.dma_semaphore, #tpu.memory_space<semaphore_mem>>) src(%dma_wait3A_328 : memref<64xf32, #tpu.memory_space<hbm>>) dst(%dma_wait3A_327 : memref<64xf32, #tpu.memory_space<vmem>>)
      tpu.yield
    }) : () -> ()
    %broadcast_in_dim3A_203 = arith.constant 0.000000e+00 : f32
    %broadcast_in_dim3A_204 = vector.broadcast %broadcast_in_dim3A_203 : f32 to vector<16xf32>
    %swap3A_205 = arith.constant 192 : index
    %swap3A_206 = tpu.vector_load %arg22[%swap3A_205] {strides = array<i32>} : memref<576xf32, #tpu.memory_space<vmem>>, vector<16xf32>,
    tpu.vector_store %arg22[%swap3A_205], %broadcast_in_dim3A_204 {strides = array<i32>} : memref<576xf32, #tpu.memory_space<vmem>>, vector<16xf32>,
    %broadcast_in_dim3A_207 = arith.constant 0.000000e+00 : f32
    %broadcast_in_dim3A_208 = vector.broadcast %broadcast_in_dim3A_207 : f32 to vector<16xf32>
    %swap3A_209 = arith.constant 256 : index
    %swap3A_210 = tpu.vector_load %arg22[%swap3A_209] {strides = array<i32>} : memref<576xf32, #tpu.memory_space<vmem>>, vector<16xf32>,
    tpu.vector_store %arg22[%swap3A_209], %broadcast_in_dim3A_208 {strides = array<i32>} : memref<576xf32, #tpu.memory_space<vmem>>, vector<16xf32>,
    %broadcast_in_dim3A_211 = arith.constant 0.000000e+00 : f32
    %broadcast_in_dim3A_212 = vector.broadcast %broadcast_in_dim3A_211 : f32 to vector<16xf32>
    %swap3A_213 = arith.constant 208 : index
    %swap3A_214 = tpu.vector_load %arg22[%swap3A_213] {strides = array<i32>} : memref<576xf32, #tpu.memory_space<vmem>>, vector<16xf32>,
    tpu.vector_store %arg22[%swap3A_213], %broadcast_in_dim3A_212 {strides = array<i32>} : memref<576xf32, #tpu.memory_space<vmem>>, vector<16xf32>,
    %broadcast_in_dim3A_215 = arith.constant 0.000000e+00 : f32
    %broadcast_in_dim3A_216 = vector.broadcast %broadcast_in_dim3A_215 : f32 to vector<16xf32>
    %swap3A_217 = arith.constant 272 : index
    %swap3A_218 = tpu.vector_load %arg22[%swap3A_217] {strides = array<i32>} : memref<576xf32, #tpu.memory_space<vmem>>, vector<16xf32>,
    tpu.vector_store %arg22[%swap3A_217], %broadcast_in_dim3A_216 {strides = array<i32>} : memref<576xf32, #tpu.memory_space<vmem>>, vector<16xf32>,
    %broadcast_in_dim3A_219 = arith.constant 0.000000e+00 : f32
    %broadcast_in_dim3A_220 = vector.broadcast %broadcast_in_dim3A_219 : f32 to vector<16xf32>
    %swap3A_221 = arith.constant 224 : index
    %swap3A_222 = tpu.vector_load %arg22[%swap3A_221] {strides = array<i32>} : memref<576xf32, #tpu.memory_space<vmem>>, vector<16xf32>,
    tpu.vector_store %arg22[%swap3A_221], %broadcast_in_dim3A_220 {strides = array<i32>} : memref<576xf32, #tpu.memory_space<vmem>>, vector<16xf32>,
    %broadcast_in_dim3A_223 = arith.constant 0.000000e+00 : f32
    %broadcast_in_dim3A_224 = vector.broadcast %broadcast_in_dim3A_223 : f32 to vector<16xf32>
    %swap3A_225 = arith.constant 288 : index
    %swap3A_226 = tpu.vector_load %arg22[%swap3A_225] {strides = array<i32>} : memref<576xf32, #tpu.memory_space<vmem>>, vector<16xf32>,
    tpu.vector_store %arg22[%swap3A_225], %broadcast_in_dim3A_224 {strides = array<i32>} : memref<576xf32, #tpu.memory_space<vmem>>, vector<16xf32>,
    %broadcast_in_dim3A_227 = arith.constant 0.000000e+00 : f32
    %broadcast_in_dim3A_228 = vector.broadcast %broadcast_in_dim3A_227 : f32 to vector<16xf32>
    %swap3A_229 = arith.constant 240 : index
    %swap3A_230 = tpu.vector_load %arg22[%swap3A_229] {strides = array<i32>} : memref<576xf32, #tpu.memory_space<vmem>>, vector<16xf32>,
    tpu.vector_store %arg22[%swap3A_229], %broadcast_in_dim3A_228 {strides = array<i32>} : memref<576xf32, #tpu.memory_space<vmem>>, vector<16xf32>,
    %broadcast_in_dim3A_231 = arith.constant 0.000000e+00 : f32
    %broadcast_in_dim3A_232 = vector.broadcast %broadcast_in_dim3A_231 : f32 to vector<16xf32>
    %swap3A_233 = arith.constant 304 : index
    %swap3A_234 = tpu.vector_load %arg22[%swap3A_233] {strides = array<i32>} : memref<576xf32, #tpu.memory_space<vmem>>, vector<16xf32>,
    tpu.vector_store %arg22[%swap3A_233], %broadcast_in_dim3A_232 {strides = array<i32>} : memref<576xf32, #tpu.memory_space<vmem>>, vector<16xf32>,
    %scan3A_235 = arith.constant 0 : i32
    %scan3A_236 = arith.constant 0 : i32
    %scan3A_237 = arith.constant 256 : i32
    %scan3A_238 = arith.addi %scan3A_236, %scan3A_237 : i32
    %scan3A_239 = arith.constant 1 : i32
    scf.for %scan3A_317 = %scan3A_236 to %scan3A_238 step %scan3A_239  : i32 {
      %broadcast_in_dim3A_318 = vector.broadcast %scan3A_317 : i32 to vector<16xi32>
      %gather3A = tpu.vector_load_idx %arg19[%broadcast_in_dim3A_318] : memref<256xi32, #tpu.memory_space<vmem>>[vector<16xi32>], vector<16xi32>,
      %and3A_319 = arith.constant 1 : i32
      %and3A_320 = vector.broadcast %and3A_319 : i32 to vector<16xi32>
      %and3A_321 = arith.andi %gather3A, %and3A_320 : vector<16xi32>
      %eq3A = arith.constant 1 : i32
      %eq3A_322 = vector.broadcast %eq3A : i32 to vector<16xi32>
      %eq3A_323 = arith.cmpi eq, %and3A_321, %eq3A_322 : vector<16xi32>
      %get3A_324 = arith.index_cast %scan3A_317 : i32 to index
      %get3A_325 = arith.constant 0 : index
      %get3A_326 = tpu.vector_load %arg20[%get3A_324, %get3A_325] {strides = array<i32>} : memref<256x128xf32, #tpu.memory_space<vmem>>, vector<16xf32>,
      %get3A_327 = arith.index_cast %scan3A_317 : i32 to index
      %get3A_328 = arith.constant 64 : index
      %get3A_329 = tpu.vector_load %arg20[%get3A_327, %get3A_328] {strides = array<i32>} : memref<256x128xf32, #tpu.memory_space<vmem>>, vector<16xf32>,
      %select_n3A_330 = arith.select %eq3A_323, %get3A_329, %get3A_326 : vector<16xi1>, vector<16xf32>
      %get3A_331 = arith.constant 64 : index
      %get3A_332 = tpu.vector_load %arg22[%get3A_331] {strides = array<i32>} : memref<576xf32, #tpu.memory_space<vmem>>, vector<16xf32>,
      %get3A_333 = arith.constant 128 : index
      %get3A_334 = tpu.vector_load %arg22[%get3A_333] {strides = array<i32>} : memref<576xf32, #tpu.memory_space<vmem>>, vector<16xf32>,
      %sub3A_335 = arith.subf %select_n3A_330, %get3A_332 : vector<16xf32>
      %mul3A_336 = arith.mulf %sub3A_335, %sub3A_335 : vector<16xf32>
      %neg3A = arith.constant 0.000000e+00 : f32
      %neg3A_337 = vector.broadcast %neg3A : f32 to vector<16xf32>
      %neg3A_338 = arith.subf %neg3A_337, %mul3A_336 : vector<16xf32>
      %mul3A_339 = arith.constant 2.000000e+00 : f32
      %mul3A_340 = vector.broadcast %mul3A_339 : f32 to vector<16xf32>
      %mul3A_341 = arith.mulf %mul3A_340, %get3A_334 : vector<16xf32>
      %div3A_342 = arith.divf %neg3A_338, %mul3A_341 : vector<16xf32>
      %exp3A = math.exp %div3A_342 : vector<16xf32>
      %swap3A_343 = arith.index_cast %scan3A_317 : i32 to index
      %swap3A_344 = arith.constant 0 : index
      %swap3A_345 = tpu.vector_load %arg21[%swap3A_343, %swap3A_344] {strides = array<i32>} : memref<256x64xf32, #tpu.memory_space<vmem>>, vector<16xf32>,
      tpu.vector_store %arg21[%swap3A_343, %swap3A_344], %exp3A {strides = array<i32>} : memref<256x64xf32, #tpu.memory_space<vmem>>, vector<16xf32>,
      %get3A_346 = arith.constant 192 : index
      %get3A_347 = tpu.vector_load %arg22[%get3A_346] {strides = array<i32>} : memref<576xf32, #tpu.memory_space<vmem>>, vector<16xf32>,
      %get3A_348 = arith.constant 256 : index
      %get3A_349 = tpu.vector_load %arg22[%get3A_348] {strides = array<i32>} : memref<576xf32, #tpu.memory_space<vmem>>, vector<16xf32>,
      %add3A_350 = arith.addf %get3A_347, %exp3A : vector<16xf32>
      %swap3A_351 = arith.constant 192 : index
      %swap3A_352 = tpu.vector_load %arg22[%swap3A_351] {strides = array<i32>} : memref<576xf32, #tpu.memory_space<vmem>>, vector<16xf32>,
      tpu.vector_store %arg22[%swap3A_351], %add3A_350 {strides = array<i32>} : memref<576xf32, #tpu.memory_space<vmem>>, vector<16xf32>,
      %max3A_353 = arith.maximumf %get3A_349, %exp3A : vector<16xf32>
      %swap3A_354 = arith.constant 256 : index
      %swap3A_355 = tpu.vector_load %arg22[%swap3A_354] {strides = array<i32>} : memref<576xf32, #tpu.memory_space<vmem>>, vector<16xf32>,
      tpu.vector_store %arg22[%swap3A_354], %max3A_353 {strides = array<i32>} : memref<576xf32, #tpu.memory_space<vmem>>, vector<16xf32>,
      %get3A_356 = arith.index_cast %scan3A_317 : i32 to index
      %get3A_357 = arith.constant 16 : index
      %get3A_358 = tpu.vector_load %arg20[%get3A_356, %get3A_357] {strides = array<i32>} : memref<256x128xf32, #tpu.memory_space<vmem>>, vector<16xf32>,
      %get3A_359 = arith.index_cast %scan3A_317 : i32 to index
      %get3A_360 = arith.constant 80 : index
      %get3A_361 = tpu.vector_load %arg20[%get3A_359, %get3A_360] {strides = array<i32>} : memref<256x128xf32, #tpu.memory_space<vmem>>, vector<16xf32>,
      %select_n3A_362 = arith.select %eq3A_323, %get3A_361, %get3A_358 : vector<16xi1>, vector<16xf32>
      %get3A_363 = arith.constant 80 : index
      %get3A_364 = tpu.vector_load %arg22[%get3A_363] {strides = array<i32>} : memref<576xf32, #tpu.memory_space<vmem>>, vector<16xf32>,
      %get3A_365 = arith.constant 144 : index
      %get3A_366 = tpu.vector_load %arg22[%get3A_365] {strides = array<i32>} : memref<576xf32, #tpu.memory_space<vmem>>, vector<16xf32>,
      %sub3A_367 = arith.subf %select_n3A_362, %get3A_364 : vector<16xf32>
      %mul3A_368 = arith.mulf %sub3A_367, %sub3A_367 : vector<16xf32>
      %neg3A_369 = arith.constant 0.000000e+00 : f32
      %neg3A_370 = vector.broadcast %neg3A_369 : f32 to vector<16xf32>
      %neg3A_371 = arith.subf %neg3A_370, %mul3A_368 : vector<16xf32>
      %mul3A_372 = arith.constant 2.000000e+00 : f32
      %mul3A_373 = vector.broadcast %mul3A_372 : f32 to vector<16xf32>
      %mul3A_374 = arith.mulf %mul3A_373, %get3A_366 : vector<16xf32>
      %div3A_375 = arith.divf %neg3A_371, %mul3A_374 : vector<16xf32>
      %exp3A_376 = math.exp %div3A_375 : vector<16xf32>
      %swap3A_377 = arith.index_cast %scan3A_317 : i32 to index
      %swap3A_378 = arith.constant 16 : index
      %swap3A_379 = tpu.vector_load %arg21[%swap3A_377, %swap3A_378] {strides = array<i32>} : memref<256x64xf32, #tpu.memory_space<vmem>>, vector<16xf32>,
      tpu.vector_store %arg21[%swap3A_377, %swap3A_378], %exp3A_376 {strides = array<i32>} : memref<256x64xf32, #tpu.memory_space<vmem>>, vector<16xf32>,
      %get3A_380 = arith.constant 208 : index
      %get3A_381 = tpu.vector_load %arg22[%get3A_380] {strides = array<i32>} : memref<576xf32, #tpu.memory_space<vmem>>, vector<16xf32>,
      %get3A_382 = arith.constant 272 : index
      %get3A_383 = tpu.vector_load %arg22[%get3A_382] {strides = array<i32>} : memref<576xf32, #tpu.memory_space<vmem>>, vector<16xf32>,
      %add3A_384 = arith.addf %get3A_381, %exp3A_376 : vector<16xf32>
      %swap3A_385 = arith.constant 208 : index
      %swap3A_386 = tpu.vector_load %arg22[%swap3A_385] {strides = array<i32>} : memref<576xf32, #tpu.memory_space<vmem>>, vector<16xf32>,
      tpu.vector_store %arg22[%swap3A_385], %add3A_384 {strides = array<i32>} : memref<576xf32, #tpu.memory_space<vmem>>, vector<16xf32>,
      %max3A_387 = arith.maximumf %get3A_383, %exp3A_376 : vector<16xf32>
      %swap3A_388 = arith.constant 272 : index
      %swap3A_389 = tpu.vector_load %arg22[%swap3A_388] {strides = array<i32>} : memref<576xf32, #tpu.memory_space<vmem>>, vector<16xf32>,
      tpu.vector_store %arg22[%swap3A_388], %max3A_387 {strides = array<i32>} : memref<576xf32, #tpu.memory_space<vmem>>, vector<16xf32>,
      %get3A_390 = arith.index_cast %scan3A_317 : i32 to index
      %get3A_391 = arith.constant 32 : index
      %get3A_392 = tpu.vector_load %arg20[%get3A_390, %get3A_391] {strides = array<i32>} : memref<256x128xf32, #tpu.memory_space<vmem>>, vector<16xf32>,
      %get3A_393 = arith.index_cast %scan3A_317 : i32 to index
      %get3A_394 = arith.constant 96 : index
      %get3A_395 = tpu.vector_load %arg20[%get3A_393, %get3A_394] {strides = array<i32>} : memref<256x128xf32, #tpu.memory_space<vmem>>, vector<16xf32>,
      %select_n3A_396 = arith.select %eq3A_323, %get3A_395, %get3A_392 : vector<16xi1>, vector<16xf32>
      %get3A_397 = arith.constant 96 : index
      %get3A_398 = tpu.vector_load %arg22[%get3A_397] {strides = array<i32>} : memref<576xf32, #tpu.memory_space<vmem>>, vector<16xf32>,
      %get3A_399 = arith.constant 160 : index
      %get3A_400 = tpu.vector_load %arg22[%get3A_399] {strides = array<i32>} : memref<576xf32, #tpu.memory_space<vmem>>, vector<16xf32>,
      %sub3A_401 = arith.subf %select_n3A_396, %get3A_398 : vector<16xf32>
      %mul3A_402 = arith.mulf %sub3A_401, %sub3A_401 : vector<16xf32>
      %neg3A_403 = arith.constant 0.000000e+00 : f32
      %neg3A_404 = vector.broadcast %neg3A_403 : f32 to vector<16xf32>
      %neg3A_405 = arith.subf %neg3A_404, %mul3A_402 : vector<16xf32>
      %mul3A_406 = arith.constant 2.000000e+00 : f32
      %mul3A_407 = vector.broadcast %mul3A_406 : f32 to vector<16xf32>
      %mul3A_408 = arith.mulf %mul3A_407, %get3A_400 : vector<16xf32>
      %div3A_409 = arith.divf %neg3A_405, %mul3A_408 : vector<16xf32>
      %exp3A_410 = math.exp %div3A_409 : vector<16xf32>
      %swap3A_411 = arith.index_cast %scan3A_317 : i32 to index
      %swap3A_412 = arith.constant 32 : index
      %swap3A_413 = tpu.vector_load %arg21[%swap3A_411, %swap3A_412] {strides = array<i32>} : memref<256x64xf32, #tpu.memory_space<vmem>>, vector<16xf32>,
      tpu.vector_store %arg21[%swap3A_411, %swap3A_412], %exp3A_410 {strides = array<i32>} : memref<256x64xf32, #tpu.memory_space<vmem>>, vector<16xf32>,
      %get3A_414 = arith.constant 224 : index
      %get3A_415 = tpu.vector_load %arg22[%get3A_414] {strides = array<i32>} : memref<576xf32, #tpu.memory_space<vmem>>, vector<16xf32>,
      %get3A_416 = arith.constant 288 : index
      %get3A_417 = tpu.vector_load %arg22[%get3A_416] {strides = array<i32>} : memref<576xf32, #tpu.memory_space<vmem>>, vector<16xf32>,
      %add3A_418 = arith.addf %get3A_415, %exp3A_410 : vector<16xf32>
      %swap3A_419 = arith.constant 224 : index
      %swap3A_420 = tpu.vector_load %arg22[%swap3A_419] {strides = array<i32>} : memref<576xf32, #tpu.memory_space<vmem>>, vector<16xf32>,
      tpu.vector_store %arg22[%swap3A_419], %add3A_418 {strides = array<i32>} : memref<576xf32, #tpu.memory_space<vmem>>, vector<16xf32>,
      %max3A_421 = arith.maximumf %get3A_417, %exp3A_410 : vector<16xf32>
      %swap3A_422 = arith.constant 288 : index
      %swap3A_423 = tpu.vector_load %arg22[%swap3A_422] {strides = array<i32>} : memref<576xf32, #tpu.memory_space<vmem>>, vector<16xf32>,
      tpu.vector_store %arg22[%swap3A_422], %max3A_421 {strides = array<i32>} : memref<576xf32, #tpu.memory_space<vmem>>, vector<16xf32>,
      %get3A_424 = arith.index_cast %scan3A_317 : i32 to index
      %get3A_425 = arith.constant 48 : index
      %get3A_426 = tpu.vector_load %arg20[%get3A_424, %get3A_425] {strides = array<i32>} : memref<256x128xf32, #tpu.memory_space<vmem>>, vector<16xf32>,
      %get3A_427 = arith.index_cast %scan3A_317 : i32 to index
      %get3A_428 = arith.constant 112 : index
      %get3A_429 = tpu.vector_load %arg20[%get3A_427, %get3A_428] {strides = array<i32>} : memref<256x128xf32, #tpu.memory_space<vmem>>, vector<16xf32>,
      %select_n3A_430 = arith.select %eq3A_323, %get3A_429, %get3A_426 : vector<16xi1>, vector<16xf32>
      %get3A_431 = arith.constant 112 : index
      %get3A_432 = tpu.vector_load %arg22[%get3A_431] {strides = array<i32>} : memref<576xf32, #tpu.memory_space<vmem>>, vector<16xf32>,
      %get3A_433 = arith.constant 176 : index
      %get3A_434 = tpu.vector_load %arg22[%get3A_433] {strides = array<i32>} : memref<576xf32, #tpu.memory_space<vmem>>, vector<16xf32>,
      %sub3A_435 = arith.subf %select_n3A_430, %get3A_432 : vector<16xf32>
      %mul3A_436 = arith.mulf %sub3A_435, %sub3A_435 : vector<16xf32>
      %neg3A_437 = arith.constant 0.000000e+00 : f32
      %neg3A_438 = vector.broadcast %neg3A_437 : f32 to vector<16xf32>
      %neg3A_439 = arith.subf %neg3A_438, %mul3A_436 : vector<16xf32>
      %mul3A_440 = arith.constant 2.000000e+00 : f32
      %mul3A_441 = vector.broadcast %mul3A_440 : f32 to vector<16xf32>
      %mul3A_442 = arith.mulf %mul3A_441, %get3A_434 : vector<16xf32>
      %div3A_443 = arith.divf %neg3A_439, %mul3A_442 : vector<16xf32>
      %exp3A_444 = math.exp %div3A_443 : vector<16xf32>
      %swap3A_445 = arith.index_cast %scan3A_317 : i32 to index
      %swap3A_446 = arith.constant 48 : index
      %swap3A_447 = tpu.vector_load %arg21[%swap3A_445, %swap3A_446] {strides = array<i32>} : memref<256x64xf32, #tpu.memory_space<vmem>>, vector<16xf32>,
      tpu.vector_store %arg21[%swap3A_445, %swap3A_446], %exp3A_444 {strides = array<i32>} : memref<256x64xf32, #tpu.memory_space<vmem>>, vector<16xf32>,
      %get3A_448 = arith.constant 240 : index
      %get3A_449 = tpu.vector_load %arg22[%get3A_448] {strides = array<i32>} : memref<576xf32, #tpu.memory_space<vmem>>, vector<16xf32>,
      %get3A_450 = arith.constant 304 : index
      %get3A_451 = tpu.vector_load %arg22[%get3A_450] {strides = array<i32>} : memref<576xf32, #tpu.memory_space<vmem>>, vector<16xf32>,
      %add3A_452 = arith.addf %get3A_449, %exp3A_444 : vector<16xf32>
      %swap3A_453 = arith.constant 240 : index
      %swap3A_454 = tpu.vector_load %arg22[%swap3A_453] {strides = array<i32>} : memref<576xf32, #tpu.memory_space<vmem>>, vector<16xf32>,
      tpu.vector_store %arg22[%swap3A_453], %add3A_452 {strides = array<i32>} : memref<576xf32, #tpu.memory_space<vmem>>, vector<16xf32>,
      %max3A_455 = arith.maximumf %get3A_451, %exp3A_444 : vector<16xf32>
      %swap3A_456 = arith.constant 304 : index
      %swap3A_457 = tpu.vector_load %arg22[%swap3A_456] {strides = array<i32>} : memref<576xf32, #tpu.memory_space<vmem>>, vector<16xf32>,
      tpu.vector_store %arg22[%swap3A_456], %max3A_455 {strides = array<i32>} : memref<576xf32, #tpu.memory_space<vmem>>, vector<16xf32>,
    }
    %scan3A_240 = arith.constant 256 : i32
    %get3A_241 = arith.constant 192 : index
    %get3A_242 = tpu.vector_load %arg22[%get3A_241] {strides = array<i32>} : memref<576xf32, #tpu.memory_space<vmem>>, vector<16xf32>,
    %get3A_243 = arith.constant 256 : index
    %get3A_244 = tpu.vector_load %arg22[%get3A_243] {strides = array<i32>} : memref<576xf32, #tpu.memory_space<vmem>>, vector<16xf32>,
    %max3A = arith.constant 9.99999993E-9 : f32
    %max3A_245 = vector.broadcast %max3A : f32 to vector<16xf32>
    %max3A_246 = arith.maximumf %get3A_242, %max3A_245 : vector<16xf32>
    %div3A_247 = arith.divf %get3A_244, %max3A_246 : vector<16xf32>
    %mul3A_248 = arith.constant 5.000000e-01 : f32
    %mul3A_249 = vector.broadcast %mul3A_248 : f32 to vector<16xf32>
    %mul3A_250 = arith.mulf %div3A_247, %mul3A_249 : vector<16xf32>
    %min3A = arith.constant 1.000000e-01 : f32
    %min3A_251 = vector.broadcast %min3A : f32 to vector<16xf32>
    %min3A_252 = arith.minimumf %mul3A_250, %min3A_251 : vector<16xf32>
    %mul3A_253 = arith.mulf %min3A_252, %max3A_246 : vector<16xf32>
    %swap3A_254 = arith.constant 192 : index
    %swap3A_255 = tpu.vector_load %arg22[%swap3A_254] {strides = array<i32>} : memref<576xf32, #tpu.memory_space<vmem>>, vector<16xf32>,
    tpu.vector_store %arg22[%swap3A_254], %mul3A_253 {strides = array<i32>} : memref<576xf32, #tpu.memory_space<vmem>>, vector<16xf32>,
    %get3A_256 = arith.constant 208 : index
    %get3A_257 = tpu.vector_load %arg22[%get3A_256] {strides = array<i32>} : memref<576xf32, #tpu.memory_space<vmem>>, vector<16xf32>,
    %get3A_258 = arith.constant 272 : index
    %get3A_259 = tpu.vector_load %arg22[%get3A_258] {strides = array<i32>} : memref<576xf32, #tpu.memory_space<vmem>>, vector<16xf32>,
    %max3A_260 = arith.constant 9.99999993E-9 : f32
    %max3A_261 = vector.broadcast %max3A_260 : f32 to vector<16xf32>
    %max3A_262 = arith.maximumf %get3A_257, %max3A_261 : vector<16xf32>
    %div3A_263 = arith.divf %get3A_259, %max3A_262 : vector<16xf32>
    %mul3A_264 = arith.constant 5.000000e-01 : f32
    %mul3A_265 = vector.broadcast %mul3A_264 : f32 to vector<16xf32>
    %mul3A_266 = arith.mulf %div3A_263, %mul3A_265 : vector<16xf32>
    %min3A_267 = arith.constant 1.000000e-01 : f32
    %min3A_268 = vector.broadcast %min3A_267 : f32 to vector<16xf32>
    %min3A_269 = arith.minimumf %mul3A_266, %min3A_268 : vector<16xf32>
    %mul3A_270 = arith.mulf %min3A_269, %max3A_262 : vector<16xf32>
    %swap3A_271 = arith.constant 208 : index
    %swap3A_272 = tpu.vector_load %arg22[%swap3A_271] {strides = array<i32>} : memref<576xf32, #tpu.memory_space<vmem>>, vector<16xf32>,
    tpu.vector_store %arg22[%swap3A_271], %mul3A_270 {strides = array<i32>} : memref<576xf32, #tpu.memory_space<vmem>>, vector<16xf32>,
    %get3A_273 = arith.constant 224 : index
    %get3A_274 = tpu.vector_load %arg22[%get3A_273] {strides = array<i32>} : memref<576xf32, #tpu.memory_space<vmem>>, vector<16xf32>,
    %get3A_275 = arith.constant 288 : index
    %get3A_276 = tpu.vector_load %arg22[%get3A_275] {strides = array<i32>} : memref<576xf32, #tpu.memory_space<vmem>>, vector<16xf32>,
    %max3A_277 = arith.constant 9.99999993E-9 : f32
    %max3A_278 = vector.broadcast %max3A_277 : f32 to vector<16xf32>
    %max3A_279 = arith.maximumf %get3A_274, %max3A_278 : vector<16xf32>
    %div3A_280 = arith.divf %get3A_276, %max3A_279 : vector<16xf32>
    %mul3A_281 = arith.constant 5.000000e-01 : f32
    %mul3A_282 = vector.broadcast %mul3A_281 : f32 to vector<16xf32>
    %mul3A_283 = arith.mulf %div3A_280, %mul3A_282 : vector<16xf32>
    %min3A_284 = arith.constant 1.000000e-01 : f32
    %min3A_285 = vector.broadcast %min3A_284 : f32 to vector<16xf32>
    %min3A_286 = arith.minimumf %mul3A_283, %min3A_285 : vector<16xf32>
    %mul3A_287 = arith.mulf %min3A_286, %max3A_279 : vector<16xf32>
    %swap3A_288 = arith.constant 224 : index
    %swap3A_289 = tpu.vector_load %arg22[%swap3A_288] {strides = array<i32>} : memref<576xf32, #tpu.memory_space<vmem>>, vector<16xf32>,
    tpu.vector_store %arg22[%swap3A_288], %mul3A_287 {strides = array<i32>} : memref<576xf32, #tpu.memory_space<vmem>>, vector<16xf32>,
    %get3A_290 = arith.constant 240 : index
    %get3A_291 = tpu.vector_load %arg22[%get3A_290] {strides = array<i32>} : memref<576xf32, #tpu.memory_space<vmem>>, vector<16xf32>,
    %get3A_292 = arith.constant 304 : index
    %get3A_293 = tpu.vector_load %arg22[%get3A_292] {strides = array<i32>} : memref<576xf32, #tpu.memory_space<vmem>>, vector<16xf32>,
    %max3A_294 = arith.constant 9.99999993E-9 : f32
    %max3A_295 = vector.broadcast %max3A_294 : f32 to vector<16xf32>
    %max3A_296 = arith.maximumf %get3A_291, %max3A_295 : vector<16xf32>
    %div3A_297 = arith.divf %get3A_293, %max3A_296 : vector<16xf32>
    %mul3A_298 = arith.constant 5.000000e-01 : f32
    %mul3A_299 = vector.broadcast %mul3A_298 : f32 to vector<16xf32>
    %mul3A_300 = arith.mulf %div3A_297, %mul3A_299 : vector<16xf32>
    %min3A_301 = arith.constant 1.000000e-01 : f32
    %min3A_302 = vector.broadcast %min3A_301 : f32 to vector<16xf32>
    %min3A_303 = arith.minimumf %mul3A_300, %min3A_302 : vector<16xf32>
    %mul3A_304 = arith.mulf %min3A_303, %max3A_296 : vector<16xf32>
    %swap3A_305 = arith.constant 240 : index
    %swap3A_306 = tpu.vector_load %arg22[%swap3A_305] {strides = array<i32>} : memref<576xf32, #tpu.memory_space<vmem>>, vector<16xf32>,
    tpu.vector_store %arg22[%swap3A_305], %mul3A_304 {strides = array<i32>} : memref<576xf32, #tpu.memory_space<vmem>>, vector<16xf32>,
    %scan3A_307 = arith.constant 0 : i32
    %scan3A_308 = arith.constant 0 : i32
    %scan3A_309 = arith.constant 256 : i32
    %scan3A_310 = arith.addi %scan3A_308, %scan3A_309 : i32
    %scan3A_311 = arith.constant 1 : i32
    scf.for %scan3A_317 = %scan3A_308 to %scan3A_310 step %scan3A_311  : i32 {
      %broadcast_in_dim3A_318 = vector.broadcast %scan3A_317 : i32 to vector<16xi32>
      %gather3A = tpu.vector_load_idx %arg19[%broadcast_in_dim3A_318] : memref<256xi32, #tpu.memory_space<vmem>>[vector<16xi32>], vector<16xi32>,
      %and3A_319 = arith.constant 1 : i32
      %and3A_320 = vector.broadcast %and3A_319 : i32 to vector<16xi32>
      %and3A_321 = arith.andi %gather3A, %and3A_320 : vector<16xi32>
      %eq3A = arith.constant 1 : i32
      %eq3A_322 = vector.broadcast %eq3A : i32 to vector<16xi32>
      %eq3A_323 = arith.cmpi eq, %and3A_321, %eq3A_322 : vector<16xi32>
      %broadcast_in_dim3A_324 = arith.constant 0.000000e+00 : f32
      %broadcast_in_dim3A_325 = vector.broadcast %broadcast_in_dim3A_324 : f32 to vector<16xf32>
      %get3A_326 = arith.index_cast %scan3A_317 : i32 to index
      %get3A_327 = arith.constant 0 : index
      %get3A_328 = tpu.vector_load %arg20[%get3A_326, %get3A_327] {strides = array<i32>} : memref<256x128xf32, #tpu.memory_space<vmem>>, vector<16xf32>,
      %get3A_329 = arith.index_cast %scan3A_317 : i32 to index
      %get3A_330 = arith.constant 64 : index
      %get3A_331 = tpu.vector_load %arg20[%get3A_329, %get3A_330] {strides = array<i32>} : memref<256x128xf32, #tpu.memory_space<vmem>>, vector<16xf32>,
      %select_n3A_332 = arith.select %eq3A_323, %get3A_331, %get3A_328 : vector<16xi1>, vector<16xf32>
      %get3A_333 = arith.index_cast %scan3A_317 : i32 to index
      %get3A_334 = arith.constant 0 : index
      %get3A_335 = tpu.vector_load %arg21[%get3A_333, %get3A_334] {strides = array<i32>} : memref<256x64xf32, #tpu.memory_space<vmem>>, vector<16xf32>,
      %get3A_336 = arith.constant 192 : index
      %get3A_337 = tpu.vector_load %arg22[%get3A_336] {strides = array<i32>} : memref<576xf32, #tpu.memory_space<vmem>>, vector<16xf32>,
      %get3A_338 = arith.constant 0 : index
      %get3A_339 = tpu.vector_load %arg22[%get3A_338] {strides = array<i32>} : memref<576xf32, #tpu.memory_space<vmem>>, vector<16xf32>,
      %ge3A = arith.cmpf oge, %get3A_335, %get3A_337 : vector<16xf32>
      %mul3A_340 = arith.mulf %get3A_339, %select_n3A_332 : vector<16xf32>
      %jit3A_341 = arith.constant 0.000000e+00 : f32
      %broadcast_in_dim3A_342 = vector.broadcast %jit3A_341 : f32 to vector<16xf32>
      %select_n3A_343 = arith.select %ge3A, %mul3A_340, %broadcast_in_dim3A_342 : vector<16xi1>, vector<16xf32>
      %add3A_344 = arith.addf %broadcast_in_dim3A_325, %select_n3A_343 : vector<16xf32>
      %get3A_345 = arith.index_cast %scan3A_317 : i32 to index
      %get3A_346 = arith.constant 16 : index
      %get3A_347 = tpu.vector_load %arg20[%get3A_345, %get3A_346] {strides = array<i32>} : memref<256x128xf32, #tpu.memory_space<vmem>>, vector<16xf32>,
      %get3A_348 = arith.index_cast %scan3A_317 : i32 to index
      %get3A_349 = arith.constant 80 : index
      %get3A_350 = tpu.vector_load %arg20[%get3A_348, %get3A_349] {strides = array<i32>} : memref<256x128xf32, #tpu.memory_space<vmem>>, vector<16xf32>,
      %select_n3A_351 = arith.select %eq3A_323, %get3A_350, %get3A_347 : vector<16xi1>, vector<16xf32>
      %get3A_352 = arith.index_cast %scan3A_317 : i32 to index
      %get3A_353 = arith.constant 16 : index
      %get3A_354 = tpu.vector_load %arg21[%get3A_352, %get3A_353] {strides = array<i32>} : memref<256x64xf32, #tpu.memory_space<vmem>>, vector<16xf32>,
      %get3A_355 = arith.constant 208 : index
      %get3A_356 = tpu.vector_load %arg22[%get3A_355] {strides = array<i32>} : memref<576xf32, #tpu.memory_space<vmem>>, vector<16xf32>,
      %get3A_357 = arith.constant 16 : index
      %get3A_358 = tpu.vector_load %arg22[%get3A_357] {strides = array<i32>} : memref<576xf32, #tpu.memory_space<vmem>>, vector<16xf32>,
      %ge3A_359 = arith.cmpf oge, %get3A_354, %get3A_356 : vector<16xf32>
      %mul3A_360 = arith.mulf %get3A_358, %select_n3A_351 : vector<16xf32>
      %jit3A_361 = arith.constant 0.000000e+00 : f32
      %broadcast_in_dim3A_362 = vector.broadcast %jit3A_361 : f32 to vector<16xf32>
      %select_n3A_363 = arith.select %ge3A_359, %mul3A_360, %broadcast_in_dim3A_362 : vector<16xi1>, vector<16xf32>
      %add3A_364 = arith.addf %add3A_344, %select_n3A_363 : vector<16xf32>
      %get3A_365 = arith.index_cast %scan3A_317 : i32 to index
      %get3A_366 = arith.constant 32 : index
      %get3A_367 = tpu.vector_load %arg20[%get3A_365, %get3A_366] {strides = array<i32>} : memref<256x128xf32, #tpu.memory_space<vmem>>, vector<16xf32>,
      %get3A_368 = arith.index_cast %scan3A_317 : i32 to index
      %get3A_369 = arith.constant 96 : index
      %get3A_370 = tpu.vector_load %arg20[%get3A_368, %get3A_369] {strides = array<i32>} : memref<256x128xf32, #tpu.memory_space<vmem>>, vector<16xf32>,
      %select_n3A_371 = arith.select %eq3A_323, %get3A_370, %get3A_367 : vector<16xi1>, vector<16xf32>
      %get3A_372 = arith.index_cast %scan3A_317 : i32 to index
      %get3A_373 = arith.constant 32 : index
      %get3A_374 = tpu.vector_load %arg21[%get3A_372, %get3A_373] {strides = array<i32>} : memref<256x64xf32, #tpu.memory_space<vmem>>, vector<16xf32>,
      %get3A_375 = arith.constant 224 : index
      %get3A_376 = tpu.vector_load %arg22[%get3A_375] {strides = array<i32>} : memref<576xf32, #tpu.memory_space<vmem>>, vector<16xf32>,
      %get3A_377 = arith.constant 32 : index
      %get3A_378 = tpu.vector_load %arg22[%get3A_377] {strides = array<i32>} : memref<576xf32, #tpu.memory_space<vmem>>, vector<16xf32>,
      %ge3A_379 = arith.cmpf oge, %get3A_374, %get3A_376 : vector<16xf32>
      %mul3A_380 = arith.mulf %get3A_378, %select_n3A_371 : vector<16xf32>
      %jit3A_381 = arith.constant 0.000000e+00 : f32
      %broadcast_in_dim3A_382 = vector.broadcast %jit3A_381 : f32 to vector<16xf32>
      %select_n3A_383 = arith.select %ge3A_379, %mul3A_380, %broadcast_in_dim3A_382 : vector<16xi1>, vector<16xf32>
      %add3A_384 = arith.addf %add3A_364, %select_n3A_383 : vector<16xf32>
      %get3A_385 = arith.index_cast %scan3A_317 : i32 to index
      %get3A_386 = arith.constant 48 : index
      %get3A_387 = tpu.vector_load %arg20[%get3A_385, %get3A_386] {strides = array<i32>} : memref<256x128xf32, #tpu.memory_space<vmem>>, vector<16xf32>,
      %get3A_388 = arith.index_cast %scan3A_317 : i32 to index
      %get3A_389 = arith.constant 112 : index
      %get3A_390 = tpu.vector_load %arg20[%get3A_388, %get3A_389] {strides = array<i32>} : memref<256x128xf32, #tpu.memory_space<vmem>>, vector<16xf32>,
      %select_n3A_391 = arith.select %eq3A_323, %get3A_390, %get3A_387 : vector<16xi1>, vector<16xf32>
      %get3A_392 = arith.index_cast %scan3A_317 : i32 to index
      %get3A_393 = arith.constant 48 : index
      %get3A_394 = tpu.vector_load %arg21[%get3A_392, %get3A_393] {strides = array<i32>} : memref<256x64xf32, #tpu.memory_space<vmem>>, vector<16xf32>,
      %get3A_395 = arith.constant 240 : index
      %get3A_396 = tpu.vector_load %arg22[%get3A_395] {strides = array<i32>} : memref<576xf32, #tpu.memory_space<vmem>>, vector<16xf32>,
      %get3A_397 = arith.constant 48 : index
      %get3A_398 = tpu.vector_load %arg22[%get3A_397] {strides = array<i32>} : memref<576xf32, #tpu.memory_space<vmem>>, vector<16xf32>,
      %ge3A_399 = arith.cmpf oge, %get3A_394, %get3A_396 : vector<16xf32>
      %mul3A_400 = arith.mulf %get3A_398, %select_n3A_391 : vector<16xf32>
      %jit3A_401 = arith.constant 0.000000e+00 : f32
      %broadcast_in_dim3A_402 = vector.broadcast %jit3A_401 : f32 to vector<16xf32>
      %select_n3A_403 = arith.select %ge3A_399, %mul3A_400, %broadcast_in_dim3A_402 : vector<16xi1>, vector<16xf32>
      %add3A_404 = arith.addf %add3A_384, %select_n3A_403 : vector<16xf32>
      %reduce_sum3A = arith.constant true
      %reduce_sum3A_405 = vector.broadcast %reduce_sum3A : i1 to vector<16xi1>
      %reduce_sum3A_406 = tpu.scan <sum>, %add3A_404 masked %reduce_sum3A_405 : vector<16xf32>, vector<16xi1> -> vector<16xf32>
      %reduce_sum3A_407 = vector.extract %reduce_sum3A_406[15] : f32 from vector<16xf32>
      %iota3A = tpu.iota {dimensions = array<i32: 0>} : vector<16xi32>
      %eq3A_408 = arith.constant 0 : i32
      %eq3A_409 = vector.broadcast %eq3A_408 : i32 to vector<16xi32>
      %eq3A_410 = arith.cmpi eq, %iota3A, %eq3A_409 : vector<16xi32>
      %add3A_411 = arith.constant 320 : i32
      %add3A_412 = arith.addi %add3A_411, %scan3A_317 : i32
      %broadcast_in_dim3A_413 = vector.broadcast %add3A_412 : i32 to vector<16xi32>
      %broadcast_in_dim3A_414 = vector.broadcast %reduce_sum3A_407 : f32 to vector<16xf32>
      tpu.vector_store_idx %arg22[%broadcast_in_dim3A_413], %broadcast_in_dim3A_414 masked %eq3A_410 : memref<576xf32, #tpu.memory_space<vmem>>[vector<16xi32>], vector<16xf32>, vector<16xi1>
    }
    %scan3A_312 = arith.constant 256 : i32
    %mul3A_313 = arith.constant 256 : i32
    %mul3A_314 = arith.muli %add3A, %mul3A_313 : i32
    "tpu.region"() ({
      %run_scoped3A = tpu.sem_alloc : memref<!tpu.dma_semaphore, #tpu.memory_space<semaphore_mem>>
      %dma_start3A_317 = arith.constant 320 : i32
      %dma_start3A_318 = tpu.memref_slice %arg22[%dma_start3A_317] : memref<576xf32, #tpu.memory_space<vmem>> -> memref<256xf32, #tpu.memory_space<vmem>>
      %dma_start3A_319 = tpu.memref_slice %arg9[%mul3A_314] : memref<8192xf32, #tpu.memory_space<hbm>> -> memref<256xf32, #tpu.memory_space<hbm>>
      %dma_start3A_320 = tpu.memref_slice %arg9[%mul3A_314] : memref<8192xf32, #tpu.memory_space<hbm>> -> memref<256xf32, #tpu.memory_space<hbm>>
      %dma_start3A_321 = arith.constant 320 : i32
      %dma_start3A_322 = tpu.memref_slice %arg22[%dma_start3A_321] : memref<576xf32, #tpu.memory_space<vmem>> -> memref<256xf32, #tpu.memory_space<vmem>>
      tpu.enqueue_dma source(%dma_start3A_322 : memref<256xf32, #tpu.memory_space<vmem>>) target(%dma_start3A_320 : memref<256xf32, #tpu.memory_space<hbm>>) target_semaphore(%run_scoped3A : memref<!tpu.dma_semaphore, #tpu.memory_space<semaphore_mem>>)
      %dma_wait3A_323 = arith.constant 320 : i32
      %dma_wait3A_324 = tpu.memref_slice %arg22[%dma_wait3A_323] : memref<576xf32, #tpu.memory_space<vmem>> -> memref<256xf32, #tpu.memory_space<vmem>>
      %dma_wait3A_325 = tpu.memref_slice %arg9[%mul3A_314] : memref<8192xf32, #tpu.memory_space<hbm>> -> memref<256xf32, #tpu.memory_space<hbm>>
      %dma_wait3A_326 = tpu.memref_slice %arg9[%mul3A_314] : memref<8192xf32, #tpu.memory_space<hbm>> -> memref<256xf32, #tpu.memory_space<hbm>>
      %dma_wait3A_327 = arith.constant 320 : i32
      %dma_wait3A_328 = tpu.memref_slice %arg22[%dma_wait3A_327] : memref<576xf32, #tpu.memory_space<vmem>> -> memref<256xf32, #tpu.memory_space<vmem>>
      tpu.wait_dma2 semaphore(%run_scoped3A : memref<!tpu.dma_semaphore, #tpu.memory_space<semaphore_mem>>) src(%dma_wait3A_328 : memref<256xf32, #tpu.memory_space<vmem>>) dst(%dma_wait3A_326 : memref<256xf32, #tpu.memory_space<hbm>>)
      tpu.yield
    }) : () -> ()
    %mul3A_315 = arith.constant 256 : i32
    %mul3A_316 = arith.muli %add3A, %mul3A_315 : i32
    "tpu.region"() ({
      %run_scoped3A = tpu.sem_alloc : memref<!tpu.dma_semaphore, #tpu.memory_space<semaphore_mem>>
      %dma_start3A_317 = tpu.memref_slice %arg10[%mul3A_316] : memref<8192xi32, #tpu.memory_space<hbm>> -> memref<256xi32, #tpu.memory_space<hbm>>
      %dma_start3A_318 = tpu.memref_slice %arg10[%mul3A_316] : memref<8192xi32, #tpu.memory_space<hbm>> -> memref<256xi32, #tpu.memory_space<hbm>>
      tpu.enqueue_dma source(%arg19 : memref<256xi32, #tpu.memory_space<vmem>>) target(%dma_start3A_318 : memref<256xi32, #tpu.memory_space<hbm>>) target_semaphore(%run_scoped3A : memref<!tpu.dma_semaphore, #tpu.memory_space<semaphore_mem>>)
      %dma_wait3A_319 = tpu.memref_slice %arg10[%mul3A_316] : memref<8192xi32, #tpu.memory_space<hbm>> -> memref<256xi32, #tpu.memory_space<hbm>>
      %dma_wait3A_320 = tpu.memref_slice %arg10[%mul3A_316] : memref<8192xi32, #tpu.memory_space<hbm>> -> memref<256xi32, #tpu.memory_space<hbm>>
      tpu.wait_dma2 semaphore(%run_scoped3A : memref<!tpu.dma_semaphore, #tpu.memory_space<semaphore_mem>>) src(%arg19 : memref<256xi32, #tpu.memory_space<vmem>>) dst(%dma_wait3A_320 : memref<256xi32, #tpu.memory_space<hbm>>)
      tpu.yield
    }) : () -> ()
    return
  }
}

module attributes {stable_mosaic.version = 14 : i64} {
  func.func @_p1_body(%arg0: i32, %arg1: memref<32x64xf32, #tpu.memory_space<vmem>>, %arg2: memref<32x1xf32, #tpu.memory_space<vmem>>, %arg3: memref<64x16384xf32, #tpu.memory_space<vmem>>, %arg4: memref<1x16384xf32, #tpu.memory_space<vmem>>, %arg5: memref<32x16384xf32, #tpu.memory_space<vmem>>, %arg6: memref<32x7936xf32, #tpu.memory_space<vmem>>, %arg7: memref<32x16xf32, #tpu.memory_space<vmem>>) attributes {dimension_semantics = [#tpu.dimension_semantics<arbitrary>], iteration_bounds = array<i64: 62>, scalar_prefetch = 0 : i64, scratch_operands = 0 : i64, tpu.core_type = #tpu.core_type<tc>, window_params = [{pipeline_mode = #tpu.pipeline_mode<synchronous>, transform_indices = @transform_0, window_bounds = array<i64: 32, 64>}, {pipeline_mode = #tpu.pipeline_mode<synchronous>, transform_indices = @transform_1, window_bounds = array<i64: 32, 1>}, {transform_indices = @transform_2, window_bounds = array<i64: 64, 16384>}, {transform_indices = @transform_3, window_bounds = array<i64: 1, 16384>}, {transform_indices = @transform_4, window_bounds = array<i64: 32, 16384>}, {pipeline_mode = #tpu.pipeline_mode<synchronous>, transform_indices = @transform_5, window_bounds = array<i64: 32, 7936>}, {pipeline_mode = #tpu.pipeline_mode<synchronous>, transform_indices = @transform_6, window_bounds = array<i64: 32, 16>}]} {
    %get3A = arith.constant 0 : index
    %get3A_0 = arith.constant 0 : index
    %get3A_1 = vector.load %arg1[%get3A, %get3A_0] : memref<32x64xf32, #tpu.memory_space<vmem>>, vector<32x64xf32>
    %get3A_2 = arith.constant 0 : index
    %get3A_3 = arith.constant 0 : index
    %get3A_4 = vector.load %arg3[%get3A_2, %get3A_3] : memref<64x16384xf32, #tpu.memory_space<vmem>>, vector<64x16384xf32>
    %dot_general3A = arith.constant dense<0.000000e+00> : vector<32x16384xf32>
    %dot_general3A_5 = tpu.matmul %get3A_1, %get3A_4, %dot_general3A {dimension_numbers = #tpu.dot_dimension_numbers<[1], [0], [0], [1], [0, 0, 1, 1], [], []>, transpose_lhs_hint = false} : vector<32x64xf32>, vector<64x16384xf32>, vector<32x16384xf32> -> vector<32x16384xf32>
    %mul3A = arith.constant 2.000000e+00 : f32
    %mul3A_6 = vector.broadcast %mul3A : f32 to vector<32x16384xf32>
    %mul3A_7 = arith.mulf %mul3A_6, %dot_general3A_5 : vector<32x16384xf32>
    %get3A_8 = arith.constant 0 : index
    %get3A_9 = arith.constant 0 : index
    %get3A_10 = vector.load %arg2[%get3A_8, %get3A_9] : memref<32x1xf32, #tpu.memory_space<vmem>>, vector<32x1xf32>
    %sub3A = vector.broadcast %get3A_10 : vector<32x1xf32> to vector<32x16384xf32>
    %sub3A_11 = arith.subf %sub3A, %mul3A_7 : vector<32x16384xf32>
    %get3A_12 = arith.constant 0 : index
    %get3A_13 = arith.constant 0 : index
    %get3A_14 = vector.load %arg4[%get3A_12, %get3A_13] : memref<1x16384xf32, #tpu.memory_space<vmem>>, vector<1x16384xf32>
    %add3A = vector.broadcast %get3A_14 : vector<1x16384xf32> to vector<32x16384xf32>
    %add3A_15 = arith.addf %sub3A_11, %add3A : vector<32x16384xf32>
    %iota3A = tpu.iota {dimensions = array<i32: 1>} : vector<32x16384xi32>
    %mul3A_16 = arith.constant 16384 : i32
    %mul3A_17 = arith.muli %arg0, %mul3A_16 : i32
    %add3A_18 = vector.broadcast %mul3A_17 : i32 to vector<32x16384xi32>
    %add3A_19 = arith.addi %iota3A, %add3A_18 : vector<32x16384xi32>
    %lt3A = arith.constant 1000000 : i32
    %lt3A_20 = vector.broadcast %lt3A : i32 to vector<32x16384xi32>
    %lt3A_21 = arith.cmpi slt, %add3A_19, %lt3A_20 : vector<32x16384xi32>
    %jit3A = arith.constant -3.000000e+38 : f32
    %broadcast_in_dim3A = vector.broadcast %jit3A : f32 to vector<32x16384xf32>
    %select_n3A = arith.select %lt3A_21, %add3A_15, %broadcast_in_dim3A : vector<32x16384xi1>, vector<32x16384xf32>
    %swap3A = arith.constant 0 : index
    %swap3A_22 = arith.constant 0 : index
    %swap3A_23 = vector.load %arg5[%swap3A, %swap3A_22] : memref<32x16384xf32, #tpu.memory_space<vmem>>, vector<32x16384xf32>
    tpu.vector_store %arg5[%swap3A, %swap3A_22], %select_n3A {strides = array<i32>} : memref<32x16384xf32, #tpu.memory_space<vmem>>, vector<32x16384xf32>,
    %reshape3A = vector.shape_cast %select_n3A : vector<32x16384xf32> to vector<32x128x128xf32>
    %reduce_max3A = arith.constant dense<0xFF800000> : vector<32x128xf32>
    %reduce_max3A_24 = vector.multi_reduction <maximumf>, %reshape3A, %reduce_max3A [2] : vector<32x128x128xf32> to vector<32x128xf32>
    %mul3A_25 = arith.constant 128 : i32
    %mul3A_26 = arith.muli %arg0, %mul3A_25 : i32
    %swap3A_27 = arith.constant 0 : index
    %swap3A_28 = arith.index_cast %mul3A_26 : i32 to index
    %swap3A_29 = vector.load %arg6[%swap3A_27, %swap3A_28] : memref<32x7936xf32, #tpu.memory_space<vmem>>, vector<32x128xf32>
    tpu.vector_store %arg6[%swap3A_27, %swap3A_28], %reduce_max3A_24 {strides = array<i32>} : memref<32x7936xf32, #tpu.memory_space<vmem>>, vector<32x128xf32>,
    %eq3A = arith.constant 61 : i32
    %eq3A_30 = arith.cmpi eq, %arg0, %eq3A : i32
    %convert_element_type3A = arith.extui %eq3A_30 : i1 to i32
    %cond3A = arith.constant 0 : i32
    %cond3A_31 = arith.cmpi ne, %convert_element_type3A, %cond3A : i32
    scf.if %cond3A_31 {
      %get3A_32 = arith.constant 0 : index
      %get3A_33 = arith.constant 0 : index
      %get3A_34 = vector.load %arg6[%get3A_32, %get3A_33] : memref<32x7936xf32, #tpu.memory_space<vmem>>, vector<32x7936xf32>
      %gt3A = arith.constant -9.99999968E+37 : f32
      %gt3A_35 = vector.broadcast %gt3A : f32 to vector<32x7936xf32>
      %gt3A_36 = arith.cmpf ogt, %get3A_34, %gt3A_35 : vector<32x7936xf32>
      %jit3A_37 = arith.constant 1.000000e+30 : f32
      %broadcast_in_dim3A_38 = vector.broadcast %jit3A_37 : f32 to vector<32x7936xf32>
      %select_n3A_39 = arith.select %gt3A_36, %get3A_34, %broadcast_in_dim3A_38 : vector<32x7936xi1>, vector<32x7936xf32>
      %reduce_min3A = arith.constant dense<0x7F800000> : vector<32xf32>
      %reduce_min3A_40 = vector.multi_reduction <minimumf>, %select_n3A_39, %reduce_min3A [1] : vector<32x7936xf32> to vector<32xf32>
      %broadcast_in_dim3A_41 = vector.shape_cast %reduce_min3A_40 : vector<32xf32> to vector<32x1xf32>
      %reduce_max3A_42 = arith.constant dense<0xFF800000> : vector<32xf32>
      %reduce_max3A_43 = vector.multi_reduction <maximumf>, %get3A_34, %reduce_max3A_42 [1] : vector<32x7936xf32> to vector<32xf32>
      %broadcast_in_dim3A_44 = vector.shape_cast %reduce_max3A_43 : vector<32xf32> to vector<32x1xf32>
      %add3A_45 = arith.constant 1.000000e+00 : f32
      %add3A_46 = vector.broadcast %add3A_45 : f32 to vector<32x1xf32>
      %add3A_47 = arith.addf %broadcast_in_dim3A_44, %add3A_46 : vector<32x1xf32>
      %scan3A = arith.constant 0 : i32
      %scan3A_48 = arith.constant 48 : i32
      %scan3A_49 = arith.addi %scan3A, %scan3A_48 : i32
      %scan3A_50 = arith.constant 1 : i32
      %scan3A_51:2 = scf.for %scan3A_57 = %scan3A to %scan3A_49 step %scan3A_50 iter_args(%scan3A_58 = %broadcast_in_dim3A_41, %scan3A_59 = %add3A_47) -> (vector<32x1xf32>, vector<32x1xf32>)  : i32 {
        %add3A_60 = arith.addf %scan3A_58, %scan3A_59 : vector<32x1xf32>
        %mul3A_61 = arith.constant 5.000000e-01 : f32
        %mul3A_62 = vector.broadcast %mul3A_61 : f32 to vector<32x1xf32>
        %mul3A_63 = arith.mulf %mul3A_62, %add3A_60 : vector<32x1xf32>
        %ge3A = vector.broadcast %mul3A_63 : vector<32x1xf32> to vector<32x7936xf32>
        %ge3A_64 = arith.cmpf oge, %get3A_34, %ge3A : vector<32x7936xf32>
        %convert_element_type3A_65 = arith.extui %ge3A_64 : vector<32x7936xi1> to vector<32x7936xi32>
        %convert_element_type3A_66 = arith.sitofp %convert_element_type3A_65 : vector<32x7936xi32> to vector<32x7936xf32>
        %reduce_sum3A = arith.constant dense<0.000000e+00> : vector<32xf32>
        %reduce_sum3A_67 = vector.multi_reduction <add>, %convert_element_type3A_66, %reduce_sum3A [1] : vector<32x7936xf32> to vector<32xf32>
        %broadcast_in_dim3A_68 = vector.shape_cast %reduce_sum3A_67 : vector<32xf32> to vector<32x1xf32>
        %ge3A_69 = arith.constant 2.560000e+02 : f32
        %ge3A_70 = vector.broadcast %ge3A_69 : f32 to vector<32x1xf32>
        %ge3A_71 = arith.cmpf oge, %broadcast_in_dim3A_68, %ge3A_70 : vector<32x1xf32>
        %select_n3A_72 = arith.select %ge3A_71, %mul3A_63, %scan3A_58 : vector<32x1xi1>, vector<32x1xf32>
        %select_n3A_73 = arith.select %ge3A_71, %scan3A_59, %mul3A_63 : vector<32x1xi1>, vector<32x1xf32>
        scf.yield %select_n3A_72, %select_n3A_73 : vector<32x1xf32>, vector<32x1xf32>
      }
      %broadcast_in_dim3A_52 = vector.shape_cast %scan3A_51#0 : vector<32x1xf32> to vector<32x1xf32>
      %broadcast_in_dim3A_53 = vector.broadcast %broadcast_in_dim3A_52 : vector<32x1xf32> to vector<32x16xf32>
      %swap3A_54 = arith.constant 0 : index
      %swap3A_55 = arith.constant 0 : index
      %swap3A_56 = vector.load %arg7[%swap3A_54, %swap3A_55] : memref<32x16xf32, #tpu.memory_space<vmem>>, vector<32x16xf32>
      tpu.vector_store %arg7[%swap3A_54, %swap3A_55], %broadcast_in_dim3A_53 {strides = array<i32>} : memref<32x16xf32, #tpu.memory_space<vmem>>, vector<32x16xf32>,
    } else {
    }
    return
  }
  func.func @transform_0(%arg0: i32) -> (i32, i32) {
    %c0_i32 = arith.constant 0 : i32
    %c0_i32_0 = arith.constant 0 : i32
    %c0_i32_1 = arith.constant 0 : i32
    return %c0_i32, %c0_i32_0 : i32, i32
  }
  func.func @transform_1(%arg0: i32) -> (i32, i32) {
    %c0_i32 = arith.constant 0 : i32
    %c0_i32_0 = arith.constant 0 : i32
    %c0_i32_1 = arith.constant 0 : i32
    return %c0_i32, %c0_i32_0 : i32, i32
  }
  func.func @transform_2(%arg0: i32) -> (i32, i32) {
    %c0_i32 = arith.constant 0 : i32
    %c0_i32_0 = arith.constant 0 : i32
    return %c0_i32, %arg0 : i32, i32
  }
  func.func @transform_3(%arg0: i32) -> (i32, i32) {
    %c0_i32 = arith.constant 0 : i32
    %c0_i32_0 = arith.constant 0 : i32
    return %c0_i32, %arg0 : i32, i32
  }
  func.func @transform_4(%arg0: i32) -> (i32, i32) {
    %c0_i32 = arith.constant 0 : i32
    %c0_i32_0 = arith.constant 0 : i32
    return %c0_i32, %arg0 : i32, i32
  }
  func.func @transform_5(%arg0: i32) -> (i32, i32) {
    %c0_i32 = arith.constant 0 : i32
    %c0_i32_0 = arith.constant 0 : i32
    %c0_i32_1 = arith.constant 0 : i32
    return %c0_i32, %c0_i32_0 : i32, i32
  }
  func.func @transform_6(%arg0: i32) -> (i32, i32) {
    %c0_i32 = arith.constant 0 : i32
    %c0_i32_0 = arith.constant 0 : i32
    %c0_i32_1 = arith.constant 0 : i32
    return %c0_i32, %c0_i32_0 : i32, i32
  }
}

</mosaic_0001>

<sc_bundles>
// kernel: gather_offload_async_start
scs
__scs_entry_jumppad:
0x0: {  	(pc) =	sbr.rel $0x88, $3  }
0x1: {  	(tag) =	ssettag $0x0;
	lr =	simm.s32 $0x1  }
0x2: {  	[smem:$0x3F9B] =	sst lr;
	_ =	strace $0xD0000000  }
0x3: {  	_ = 	snop  }
0x4: {  	_ = 	snop  }
0x5: {  	_ = 	snop  }
0x6: {  	_ = 	snop  }
0x7: {  	_ = 	snop  }
__scs_overlays_trampoline_lowered:
0x8: {  	[smem:$0x3FAA] =	sst s0  }
0x9: {  	[smem:$0x3FAB] =	sst s1  }
0xa: {  	[smem:$0x3FAC] =	sst s2  }
0xb: {  	[smem:$0x3FAD] =	sst s3  }
0xc: {  	[smem:$0x3FAE] =	sst s4  }
0xd: {  	[smem:$0x3FAF] =	sst s5  }
0xe: {  	[smem:$0x3FB0] =	sst s6  }
0xf: {  	[smem:$0x3FB1] =	sst s7  }
0x10: {  	[smem:$0x3FB2] =	sst s8  }
0x11: {  	[smem:$0x3FB3] =	sst s9;
	s0 =	simm.s32 @!p0 $0x0  }
0x12: {  	s1 =	sld [smem:$0x3F99];
	s0 =	simm.s32 @p0 $0x1  }
0x13: {  	[smem:$0x3FB4] =	sst s0;
	s0 =	simm.s32 @!p1 $0x0  }
0x14: {  	s2 =	sld [smem:$0x3F98];
	s0 =	simm.s32 @p1 $0x1  }
0x15: {  	[smem:$0x3FB5] =	sst s0;
	s0 =	simm.s32 @!p2 $0x0  }
0x16: {  	s3 =	sld [smem:$0x3FDB];
	s0 =	simm.s32 @p2 $0x1  }
0x17: {  	s4 =	simm.s32 $0x1BF5;
	[smem:$0x3FB7] =	sst s0  }
0x18: {  	s0 =	sld [smem:$0x3F9A];
	_ =	swait.ge [sflag:s4], $0x0  }
0x19: {  	s7 =	sld [smem:$0x3F9B]  }
0x1a: {  	s8 =	sadd.s32 $0xFFFFE003, lr  }
0x1b: {  	s9 =	sadd.s32 $0xFFFFFEF7, lr;
	s5 =	simm.s32 $0xFFFFFFFF;
	p2 =	slt.u32 s8, $0xFFFFF086  }
0x1c: {  	p1 =	slt.u32 s9, $0xF7A;
	s5 =	simm.s32 @!p2 $0x0  }
0x1d: {  	s5 =	simm.s32 @p1 $0x1;
	p0 =	seq.s32 s7, s2  }
0x1e: {  	s7 =	smul.u32 @!p0 $0xF7A, s2;
	p2 =	seq.s32 @!p0 s5, $0x0  }
0x1f: {  	s9 =	smul.u32 $0xF7A, s1;
	s8 =	simm.s32 @!p0 $0x1BF5;
	p2 =	por !p2, p0  }
0x20: {  	[sflag:s8] =	ssyncset.s32 @!p0 $0xFFFFF086;
	s6 =	sadd.s32 @!p0 s3, s7;
	s7 =	simm.s32 @!p0 $0x108  }
0x21: {  	s3 =	sadd.s32 s3, s9;
	s6 =	sadd.s32 @!p0 $0x88, s6;
	s7 =	simm.s32 @p2 $0x1082  }
0x22: {  	[simem:s7], [sflag:s8] =	dma.local @!p0 [hbm:s6], $0xF7A  }
0x23: {  	s9 =	sor.u32 $0xD0000000, s2;
	s6 =	simm.s32 $0x108;
	_ =	swait.ge @!p0 [sflag:s8], $0x0  }
0x24: {  	s3 =	sadd.s32 $0x88, s3;
	s6 =	simm.s32 @!p1 $0x1082;
	[sflag:s4] =	ssyncset.s32 $0xFFFFF086  }
0x25: {  	[simem:s6], [sflag:s4] =	dma.local [hbm:s3], $0xF7A  }
0x26: {  	[smem:$0x3F9B] =	sst s1;
	(tag) =	ssettag s2;
	_ =	strace s9  }
0x27: {  	s1 =	sld [smem:$0x3FAB]  }
0x28: {  	s2 =	sld [smem:$0x3FAC]  }
0x29: {  	s4 =	sld [smem:$0x3FAE]  }
0x2a: {  	p0 =	seq.s32 s5, $0x0;
	s5 =	sld [smem:$0x3FAF]  }
0x2b: {  	s6 =	sld [smem:$0x3FB0]  }
0x2c: {  	s7 =	sld [smem:$0x3FB1]  }
0x2d: {  	s3 =	simm.s32 $0x108;
	s8 =	sld [smem:$0x3FB2]  }
0x2e: {  	s3 =	simm.s32 @!p0 $0x1082;
	s9 =	sld [smem:$0x3FB3]  }
0x2f: {  	lr =	sadd.s32 s0, s3;
	s0 =	sld [smem:$0x3FAA]  }
0x30: {  	s3 =	sld [smem:$0x3FAD]  }
0x31: {  	[smem:$0x3FB6] =	sst s10  }
0x32: {  	s10 =	sld [smem:$0x3FB4];
	_ =	sdelay $0x3  }
0x33: {  	p0 =	seq.s32 s10, $0x1;
	s10 =	sld [smem:$0x3FB6];
	_ =	sdelay $0x3  }
0x34: {  	[smem:$0x3FB6] =	sst s10  }
0x35: {  	s10 =	sld [smem:$0x3FB5];
	_ =	sdelay $0x3  }
0x36: {  	p1 =	seq.s32 s10, $0x1;
	s10 =	sld [smem:$0x3FB6];
	_ =	sdelay $0x3  }
0x37: {  	[smem:$0x3FB6] =	sst s10  }
0x38: {  	s10 =	sld [smem:$0x3FB7]  }
0x39: {  	_ = 	snop;
	(pc) =	sbr.ind lr, $3  }
0x3a: {  	_ = 	snop  }
0x3b: {  	_ = 	snop  }
0x3c: {  	p2 =	seq.s32 s10, $0x1;
	s10 =	sld [smem:$0x3FB6]  }
0x3d: {  	_ =	shalt  }
0x3e: {  	_ =	shalt  }
0x3f: {  	_ =	shalt  }
0x40: {  	_ =	shalt  }
0x41: {  	_ =	shalt  }
0x42: {  	_ =	shalt  }
0x43: {  	_ =	shalt  }
0x44: {  	_ =	shalt  }
0x45: {  	_ =	shalt  }
0x46: {  	_ =	shalt  }
0x47: {  	_ =	shalt  }
0x48: {  	_ =	shalt  }
0x49: {  	_ =	shalt  }
0x4a: {  	_ =	shalt  }
0x4b: {  	_ =	shalt  }
0x4c: {  	_ =	shalt  }
0x4d: {  	_ =	shalt  }
0x4e: {  	_ =	shalt  }
0x4f: {  	_ =	shalt  }
0x50: {  	_ =	shalt  }
0x51: {  	_ =	shalt  }
0x52: {  	_ =	shalt  }
0x53: {  	_ =	shalt  }
0x54: {  	_ =	shalt  }
0x55: {  	_ =	shalt  }
0x56: {  	_ =	shalt  }
0x57: {  	_ =	shalt  }
0x58: {  	_ =	shalt  }
0x59: {  	_ =	shalt  }
0x5a: {  	_ =	shalt  }
0x5b: {  	_ =	shalt  }
0x5c: {  	_ =	shalt  }
0x5d: {  	_ =	shalt  }
0x5e: {  	_ =	shalt  }
0x5f: {  	_ =	shalt  }
0x60: {  	_ =	shalt  }
0x61: {  	_ =	shalt  }
0x62: {  	_ =	shalt  }
0x63: {  	_ =	shalt  }
0x64: {  	_ =	shalt  }
0x65: {  	_ =	shalt  }
0x66: {  	_ =	shalt  }
0x67: {  	_ =	shalt  }
0x68: {  	_ =	shalt  }
0x69: {  	_ =	shalt  }
0x6a: {  	_ =	shalt  }
0x6b: {  	_ =	shalt  }
0x6c: {  	_ =	shalt  }
0x6d: {  	_ =	shalt  }
0x6e: {  	_ =	shalt  }
0x6f: {  	_ =	shalt  }
0x70: {  	_ =	shalt  }
0x71: {  	_ =	shalt  }
0x72: {  	_ =	shalt  }
0x73: {  	_ =	shalt  }
0x74: {  	_ =	shalt  }
0x75: {  	_ =	shalt  }
0x76: {  	_ =	shalt  }
0x77: {  	_ =	shalt  }
0x78: {  	_ =	shalt  }
0x79: {  	_ =	shalt  }
0x7a: {  	_ =	shalt  }
0x7b: {  	_ =	shalt  }
0x7c: {  	_ =	shalt  }
0x7d: {  	_ =	shalt  }
0x7e: {  	_ =	shalt  }
0x7f: {  	_ =	shalt  }
0x80: {  	_ =	shalt  }
0x81: {  	_ =	shalt  }
0x82: {  	_ =	shalt  }
0x83: {  	_ =	shalt  }
0x84: {  	_ =	shalt  }
0x85: {  	_ =	shalt  }
0x86: {  	_ =	shalt  }
0x87: {  	_ =	shalt  }
.Lfunc_end0:
.L_simem_size_0:
called_computation_lowered:
.L_overlay_start_0:
0x88: {  	s2 =	sld [smem:$0x3FD9]  }
0x89: {  	s3 =	sld [smem:$0x3FFE];
	_ =	sdelay $0x1  }
0x8a: {  	s1 =	srdreg.scid  }
0x8b: {  	s0 =	sand.u32 $0x1, s1  }
0x8c: {  	s17 =	sshll.u32 s0, $0xA;
	s2 =	sadd.s32 s3, s2  }
0x8d: {  	s2 =	sadd.s32 s2, s17  }
0x8e: {  	[smem:$0x3FC2] =	sst s2  }
0x8f: {  	_ = 	snop  }
0x90: {  	s2 =	sld [smem:$0x3FC4]  }
0x91: {  	s18 =	sld [smem:$0x3FD0];
	(tm) =	ssettm $0x1  }
0x92: {  	s4 =	sld [smem:$0x3FFB];
	_ =	sdelay $0x3  }
0x93: {  	_ =	strace s4  }
0x94: {  	s4 =	sld [smem:$0x3FFC];
	_ =	sdelay $0x3  }
0x95: {  	_ =	strace s4  }
0x96: {  	s4 =	sld [smem:$0x3FFD];
	_ =	sdelay $0x3  }
0x97: {  	_ =	strace s4  }
0x98: {  	_ =	strace $0x8FFFFFFF  }
0x99: {  	s19 =	sld [smem:$0x3FDB];
	_ =	sdelay $0x1  }
0x9a: {  	s5 =	simm.s32 $_scs_section_size  }
0x9b: {  	s6 =	simm.s32 $_size__tile_overlayer_lowered;
	s7 =	simm.s32 $_tile_overlayer_lowered  }
0x9c: {  	s22 =	simm.s32 $0x1BFF;
	s21 =	sshll.u32 s7, $0x1;
	s4 =	sadd.s32 s5, s19  }
0x9d: {  	s8 =	simm.s32 $0x0;
	s20 =	sshll.u32 s6, $0x1;
	s6 =	sadd.s32 s21, s4  }
0x9e: {  	[timem:s8], [sflag:s22] =	dma.local [hbm:s6], s20  }
0x9f: {  	_ =	swait.ge [sflag:s22], s20  }
0xa0: {  	s5 =	ssub.s32 $0x0, s20;
	[sflag:s22] =	ssyncset.done $0x0  }
0xa1: {  	[sflag:s22] =	ssyncadd.s32 s5;
	_ =	sdelay $0x1  }
0xa2: {  	s23 =	simm.s32 $0x1B8B  }
0xa3: {  	_ =	swait.ge [sflag:s23], $0x1  }
0xa4: {  	[sflag:s23] =	ssyncset.done $0x0  }
0xa5: {  	s25 =	simm.s32 $0x1B8E;
	s24 =	sld [smem:$0x3FFE];
	[sflag:s23] =	ssyncadd.s32 $0xFFFFFFFF  }
0xa6: {  	s26 =	simm.s32 $execute0_lowered;
	[smem:$0x3FD2] =	sst s25  }
0xa7: {  	s6 =	sshll.u32 s26, $0x1;
	_ =	strace $0x80000049;
	[dreg:$0x1] =	wrdreg $0xFFFFFFFF  }
0xa8: {  	s28 =	simm.s32 $_size_execute0_lowered;
	s4 =	sadd.s32 s4, s6;
	[dreg:$0x0] =	wrdreg $0x0  }
0xa9: {  	s6 =	sshll.u32 s28, $0x1;
	[dreg:$0x2] =	wrdreg s4  }
0xaa: {  	[dreg:$0x3] =	wrdreg s6  }
0xab: {  	[dreg:$0x4] =	wrdreg $0xC0  }
0xac: {  	_ =	task [dreg:s8], $0x5FFFF  }
0xad: {  	[dreg:$0x1] =	wrdreg $0xFFFFFFFF  }
0xae: {  	[dreg:$0x0] =	wrdreg $0x60  }
0xaf: {  	[dreg:$0x2] =	wrdreg s2  }
0xb0: {  	[dreg:$0x3] =	wrdreg s18  }
0xb1: {  	[dreg:$0x4] =	wrdreg s24  }
0xb2: {  	[dreg:$0x5] =	wrdreg $0x9  }
0xb3: {  	_ =	task.clear_ibuf [dreg:s8], $0x6FFFF;
	_ =	strace $0x90000049  }
0xb4: {  	s29 =	simm.s32 $0x9;
	_ =	strace $0x8000004B  }
0xb5: {  	_ =	swait.ge [sflag:s29], $0x1  }
0xb6: {  	[sflag:s29] =	ssyncadd.s32 $0xFFFFFFFF  }
0xb7: {  	_ =	strace $0x9000004B  }
0xb8: {  	_ =	sfence  }
0xb9: {  	s30 =	sld [smem:$0x0];
	_ =	sdelay $0x2  }
0xba: {  	s31 =	sshll.u32 s1, $0xD;
	s1 =	sshrl.u32 s1, $0x2  }
0xbb: {  	s3 =	sand.u32 $0x4000, s31;
	s1 =	sadd.s32 s1, s30  }
0xbc: {  	s0 =	sor.u32 s3, s0;
	s1 =	sshll.u32 s1, $0x11  }
0xbd: {  	s0 =	sor.u32 s1, s0  }
0xbe: {  	s0 =	sadd.s32 $0x8F2B, s0  }
0xbf: {  	[sflag:s0] =	ssyncadd.remote.s32 $0x1  }
0xc0: {  	_ =	sfence.sel $0xFFFF  }
0xc1: {  	[dreg:$0x0] =	wrdreg $0xFFFFFFFF;
	(pc) =	sbr.abs _section_cstart, $3  }
0xc2: {  	[dreg:$0x1] =	wrdreg $0xFFFFFFFF  }
0xc3: {  	_ =	task.clear_ibuf [dreg:s8], $0x2FFFF;
	_ =	strace $0x9FFFFFFF  }
0xc4: {  	(tm) =	ssettm $0x7FFFFFFF  }
0xc5: {  	_ =	shalt  }
tec
execute0_lowered:
.L_overlay_start_1:
0x0: {  	(tag) =	ssettag $0x1  }
0x1: {  	s2 =	rddreg [dreg:$0x0]  }
0x2: {  	s1 =	srdreg.scid;
	s3 =	rddreg [dreg:$0x1]  }
0x3: {  	s0 =	stileid.u32;
	s5 =	rddreg [dreg:$0x2]  }
0x4: {  	s9 =	simm.s32 $0x1;
	s10 =	simm.s32 $0x3;
	s1 =	sshll.u32 s1, $0x7  }
0x5: {  	s13 =	simm.s32 $0x0;
	s4 =	sshll.u32 s0, $0x8;
	s6 =	sand.u32 $0x80, s1  }
0x6: {  	s12 =	simm.s32 $0x0;
	s5 =	sadd.s32 $0x1000, s5;
	s4 =	sor.u32 s4, s6  }
0x7: {  	s1 =	rddreg [dreg:$0x3];
	_ =	strace $0x8000004A;
	s8 =	ssub.s32 $0x2000, s4  }
.Ltmp0:
0x8: {  	s6 =	simm.s32 $0x1;
	s7 =	sand.u32 $0xF80, s8;
	(pc) =	sbr.rel .LBB2_1-.Ltmp0, $4  }
0x9: {  	[sflag:s6] =	ssyncpa.u1 $0x0;
	s11 =	smov.u32 s4;
	p0 =	sne.s32 s7, $0x0  }
0xa: {  	s8 =	sshrl.u32 s8, $0xC;
	s7 =	simm.s32 $0x2;
	s9 =	simm.s32 @!p0 $0x0  }
0xb: {  	[sflag:s7] =	ssyncpa.u1 $0x0;
	p0 =	por $0x0, $0x0;
	s8 =	sadd.s32 s9, s8  }
0xc: {  	vm0 =	vmmov $0xffff;
	[sflag:s10] =	ssyncpa.u1 $0x0;
	s10 =	simm.s32 $0x0;
	s9 =	sadd.s32 $0x1, s8  }
.LBB2_4:
0xd: {  	v2 =	vnsel vm1, $0x0, v2  }
0xe: {  	vm1 =	vgt.s32 v0, $0x0;
	v2 =	vmin.u32 v2, $0xF423F  }
0xf: {  	v0 =	vnsel vm1, $0x0, v0  }
0x10: {  	v0 =	vmin.u32 v0, $0xF423F  }
0x11: {  	[tilespmem:s15], [sflag:$0x1] =	stream.indirect_vreg.gather [hbm4b:s2+s10], $0x1, v1, vm0, $0x4038;
	[tilespmem:$0x200] =	vst v63  }
0x12: {  	(ifvalue) =	ssetifvalue $0x7FFFFFFF  }
0x13: {  	[tilespmem:s16], [sflag:$0x1] =	stream.indirect_vreg.gather [hbm4b:s2+s10], $0x1, v2, vm0, $0x4038;
	[tilespmem:$0x200] =	vst v63  }
0x14: {  	s29 =	sadd.s32 $0x10, s16;
	(ifvalue) =	ssetifvalue $0x7FFFFFFF  }
0x15: {  	[tilespmem:s29], [sflag:$0x1] =	stream.indirect_vreg.gather [hbm4b:s2+s10], $0x1, v0, vm0, $0x4038;
	[tilespmem:$0x200] =	vst v63  }
0x16: {  	_ =	swait.ge [sflag:s6], $0x80  }
0x17: {  	s30 =	sshrl.u32 s13, $0x3;
	[sflag:s6] =	ssyncset.done $0x0  }
0x18: {  	s31 =	sand.u32 $0x7, s13;
	s15 =	sadd.s32 s5, s30;
	[sflag:s6] =	ssyncadd.s32 $0xFFFFFF80  }
0x19: {  	[hbm4b:s15+s31] =	stream.linear.scatter [tilespmem:s14], [sflag:$0x3], $0x80, $0x38;
	[tilespmem:$0x200] =	vst v63  }
.LBB2_5:
0x1a: {  	s15 =	sadd.s32 $0x1000, s11  }
0x1b: {  	p2 =	sgt.s32 s15, $0x1FFF  }
0x1c: {  	s15 =	smov.u32 @p2 s4;
	p2 =	sne.s32 s12, s9  }
.Ltmp1:
0x1d: {  	p1 =	slt.u32 s12, $0x2;
	(pc) =	sbr.rel @!p2 .LBB2_6-.Ltmp1, $4  }
0x1e: {  	s14 =	simm.s32 @!p1 $0x3  }
0x1f: {  	s16 =	sadd.s32 $0x1, s12;
	_ =	swait.ge @!p1 [sflag:s14], $0x80  }
0x20: {  	s13 =	smov.u32 s11;
	p0 =	por !p0, !p0;
	[sflag:s14] =	ssyncset.done @!p1 $0x0  }
0x21: {  	s12 =	smov.u32 s16;
	s11 =	smov.u32 s15;
	[sflag:s14] =	ssyncadd.s32 @!p1 $0xFFFFFF80  }
.LBB2_1:
0x22: {  	p1 =	sge.u32 s12, s8  }
0x23: {  	s14 =	sxor.u32 @!p1 $0xFFFFFFFF, s12  }
0x24: {  	s31 =	sadd.s32 $0xFFFFFFFF, s12;
	s15 =	sshrl.u32 @!p1 s11, $0x3;
	s14 =	sshll.u32 @!p1 s14, $0x7  }
0x25: {  	s16 =	sand.u32 @!p1 $0x7, s11;
	s15 =	sadd.s32 @!p1 s3, s15;
	s14 =	sand.u32 @!p1 $0x80, s14  }
0x26: {  	[tilespmem:s14], [sflag:$0x2] =	stream.linear.gather @!p1 [hbm4b:s15+s16], $0x80, $0x38;
	[tilespmem:$0x200] =	vst v63  }
0x27: {  	p1 =	sge.u32 s31, s8  }
.Ltmp2:
0x28: {  	_ = 	snop;
	(pc) =	sbr.rel @p1 .LBB2_5-.Ltmp2, $1  }
0x29: {  	_ =	sdelay $0x3  }
0x2a: {  	s14 =	simm.s32 $0x1  }
0x2b: {  	_ =	swait.ge [sflag:s7], $0x80;
	s14 =	simm.s32 @!p0 $0x0  }
0x2c: {  	[sflag:s7] =	ssyncset.done $0x0;
	s14 =	sshll.u32 s14, $0x7  }
0x2d: {  	[sflag:s7] =	ssyncadd.s32 $0xFFFFFF80;
	(ifvalue) =	ssetifvalue $0x7FFFFFFF;
	v0 =	vld.msk [tilespmem:s14+$0x0 ss:$0x1], $0xffff;
	_ =	sdelay $0x4  }
0x2e: {  	s15 =	sadd.s32 $0x10, s14;
	vm1 =	vgt.s32 v0, $0x0  }
0x2f: {  	v2 =	vld.msk [tilespmem:s15+$0x0 ss:$0x1], $0xffff;
	v1 =	vnsel vm1, $0x0, v0  }
0x30: {  	v1 =	vmin.u32 v1, $0xF423F;
	_ =	sdelay $0x1  }
0x31: {  	s16 =	sshll.u32 s12, $0x7;
	s18 =	simm.s32 $0x20  }
0x32: {  	s16 =	sand.u32 $0x80, s16;
	s17 =	sadd.s32 $0x10, s15;
	s15 =	sor.u32 $0x100, s14  }
0x33: {  	s14 =	sor.u32 $0x100, s16;
	s16 =	sadd.s32 $0x10, s15;
	v0 =	vld.msk [tilespmem:s17+$0x0 ss:$0x1], $0xffff;
	vm1 =	vgt.s32 v2, $0x0;
	(ifvalue) =	ssetifvalue $0x7FFFFFFF  }
.LBB2_3:
0x34: {  	[tilespmem:s15], [sflag:$0x1] =	stream.indirect_vreg.gather [hbm4b:s2+s10], $0x1, v1, vm0, $0x4038;
	[tilespmem:$0x200] =	vst v63  }
0x35: {  	s18 =	sadd.s32 $0x10, s18  }
0x36: {  	v2 =	vnsel vm1, $0x0, v2;
	p1 =	slt.u32 s18, $0x70  }
.Ltmp3:
0x37: {  	s15 =	smov.u32 s16;
	v1 =	vmin.u32 v2, $0xF423F;
	(pc) =	sbr.rel @p1 .LBB2_3-.Ltmp3, $3  }
0x38: {  	_ =	sdelay $0x1  }
0x39: {  	s17 =	sadd.s32 $0x10, s17  }
0x3a: {  	vm1 =	vgt.s32 v0, $0x0;
	s16 =	sadd.s32 $0x10, s16;
	v2 =	vmov v0;
	(ifvalue) =	ssetifvalue $0x7FFFFFFF;
	v0 =	vld.msk [tilespmem:s17+$0x0 ss:$0x1], $0xffff  }
.Ltmp4:
0x3b: {  	_ = 	snop;
	(pc) =	sbr.rel .LBB2_4-.Ltmp4, $1  }
0x3c: {  	_ =	sdelay $0x3  }
.LBB2_6:
0x3d: {  	_ =	sfence.sel $0x180000  }
0x3e: {  	s2 =	simm.s32 $0x2;
	[bflag:$0x0] =	sbarrier.arrive $0xFFFF  }
0x3f: {  	s30 =	simm.s32 $0x3;
	[sflag:s2] =	ssyncpa.u1 $0x1  }
0x40: {  	s31 =	simm.s32 $0x1;
	[sflag:s30] =	ssyncpa.u1 $0x1  }
0x41: {  	[sflag:s31] =	ssyncpa.u1 $0x1  }
0x42: {  	p0 =	sne.s32 s0, $0x0;
	_ =	strace $0x9000004A  }
0x43: {  	s0 =	sadd.s32 @!p0 $0x100000, s1;
	[bflag:$0x2] =	sbarrier.arrive $0xFFFF  }
0x44: {  	[sflag:s0] =	ssyncadd.tile.s32 @!p0 $0x1;
	_ =	shalt  }
.Lfunc_end2:
_tile_overlayer_lowered:
.L_overlay_start_2:
0x45: {  	(tag) =	ssettag $0x2  }
0x46: {  	s0 =	rddreg [dreg:$0x0];
	s2 =	stileid.u32  }
0x47: {  	s1 =	rddreg [dreg:$0x1];
	p0 =	sne.s32 s2, $0x0  }
0x48: {  	s3 =	rddreg [dreg:$0x2];
	[bflag:$0x3] =	sbarrier.arrive $0xFFFF;
	s2 =	simm.s32 @!p0 $0x1C01  }
0x49: {  	[timem:s3], [sflag:s2] =	dma.local @!p0 [hbm:s0], s1  }
0x4a: {  	s0 =	simm.s32 @!p0 $0x1  }
0x4b: {  	_ =	swait.ge @!p0 [sflag:s0], s1  }
0x4c: {  	s1 =	ssub.s32 @!p0 $0x0, s1;
	[sflag:s0] =	ssyncset.done @!p0 $0x0  }
0x4d: {  	[sflag:s0] =	ssyncadd.s32 @!p0 s1  }
0x4e: {  	[bflag:$0x3] =	sbarrier.arrive $0xFFFF  }
0x4f: {  	_ =	shalt  }

// kernel: kernel.4.cloned.1.call-start
scs
__scs_entry_jumppad:
0x0: {  	(pc) =	sbr.rel $0x88, $3  }
0x1: {  	(tag) =	ssettag $0x0;
	lr =	simm.s32 $0x1  }
0x2: {  	[smem:$0x3F9B] =	sst lr;
	_ =	strace $0xD0000000  }
0x3: {  	_ = 	snop  }
0x4: {  	_ = 	snop  }
0x5: {  	_ = 	snop  }
0x6: {  	_ = 	snop  }
0x7: {  	_ = 	snop  }
__scs_overlays_trampoline_lowered:
0x8: {  	[smem:$0x3FAA] =	sst s0  }
0x9: {  	[smem:$0x3FAB] =	sst s1  }
0xa: {  	[smem:$0x3FAC] =	sst s2  }
0xb: {  	[smem:$0x3FAD] =	sst s3  }
0xc: {  	[smem:$0x3FAE] =	sst s4  }
0xd: {  	[smem:$0x3FAF] =	sst s5  }
0xe: {  	[smem:$0x3FB0] =	sst s6  }
0xf: {  	[smem:$0x3FB1] =	sst s7  }
0x10: {  	[smem:$0x3FB2] =	sst s8  }
0x11: {  	[smem:$0x3FB3] =	sst s9;
	s0 =	simm.s32 @!p0 $0x0  }
0x12: {  	s1 =	sld [smem:$0x3F99];
	s0 =	simm.s32 @p0 $0x1  }
0x13: {  	[smem:$0x3FB4] =	sst s0;
	s0 =	simm.s32 @!p1 $0x0  }
0x14: {  	s2 =	sld [smem:$0x3F98];
	s0 =	simm.s32 @p1 $0x1  }
0x15: {  	[smem:$0x3FB5] =	sst s0;
	s0 =	simm.s32 @!p2 $0x0  }
0x16: {  	s3 =	sld [smem:$0x3FDB];
	s0 =	simm.s32 @p2 $0x1  }
0x17: {  	s4 =	simm.s32 $0x1BF5;
	[smem:$0x3FB7] =	sst s0  }
0x18: {  	s0 =	sld [smem:$0x3F9A];
	_ =	swait.ge [sflag:s4], $0x0  }
0x19: {  	s7 =	sld [smem:$0x3F9B]  }
0x1a: {  	s8 =	sadd.s32 $0xFFFFE003, lr  }
0x1b: {  	s9 =	sadd.s32 $0xFFFFFEF7, lr;
	s5 =	simm.s32 $0xFFFFFFFF;
	p2 =	slt.u32 s8, $0xFFFFF086  }
0x1c: {  	p1 =	slt.u32 s9, $0xF7A;
	s5 =	simm.s32 @!p2 $0x0  }
0x1d: {  	s5 =	simm.s32 @p1 $0x1;
	p0 =	seq.s32 s7, s2  }
0x1e: {  	s7 =	smul.u32 @!p0 $0xF7A, s2;
	p2 =	seq.s32 @!p0 s5, $0x0  }
0x1f: {  	s9 =	smul.u32 $0xF7A, s1;
	s8 =	simm.s32 @!p0 $0x1BF5;
	p2 =	por !p2, p0  }
0x20: {  	[sflag:s8] =	ssyncset.s32 @!p0 $0xFFFFF086;
	s6 =	sadd.s32 @!p0 s3, s7;
	s7 =	simm.s32 @!p0 $0x108  }
0x21: {  	s3 =	sadd.s32 s3, s9;
	s6 =	sadd.s32 @!p0 $0x88, s6;
	s7 =	simm.s32 @p2 $0x1082  }
0x22: {  	[simem:s7], [sflag:s8] =	dma.local @!p0 [hbm:s6], $0xF7A  }
0x23: {  	s9 =	sor.u32 $0xD0000000, s2;
	s6 =	simm.s32 $0x108;
	_ =	swait.ge @!p0 [sflag:s8], $0x0  }
0x24: {  	s3 =	sadd.s32 $0x88, s3;
	s6 =	simm.s32 @!p1 $0x1082;
	[sflag:s4] =	ssyncset.s32 $0xFFFFF086  }
0x25: {  	[simem:s6], [sflag:s4] =	dma.local [hbm:s3], $0xF7A  }
0x26: {  	[smem:$0x3F9B] =	sst s1;
	(tag) =	ssettag s2;
	_ =	strace s9  }
0x27: {  	s1 =	sld [smem:$0x3FAB]  }
0x28: {  	s2 =	sld [smem:$0x3FAC]  }
0x29: {  	s4 =	sld [smem:$0x3FAE]  }
0x2a: {  	p0 =	seq.s32 s5, $0x0;
	s5 =	sld [smem:$0x3FAF]  }
0x2b: {  	s6 =	sld [smem:$0x3FB0]  }
0x2c: {  	s7 =	sld [smem:$0x3FB1]  }
0x2d: {  	s3 =	simm.s32 $0x108;
	s8 =	sld [smem:$0x3FB2]  }
0x2e: {  	s3 =	simm.s32 @!p0 $0x1082;
	s9 =	sld [smem:$0x3FB3]  }
0x2f: {  	lr =	sadd.s32 s0, s3;
	s0 =	sld [smem:$0x3FAA]  }
0x30: {  	s3 =	sld [smem:$0x3FAD]  }
0x31: {  	[smem:$0x3FB6] =	sst s10  }
0x32: {  	s10 =	sld [smem:$0x3FB4];
	_ =	sdelay $0x3  }
0x33: {  	p0 =	seq.s32 s10, $0x1;
	s10 =	sld [smem:$0x3FB6];
	_ =	sdelay $0x3  }
0x34: {  	[smem:$0x3FB6] =	sst s10  }
0x35: {  	s10 =	sld [smem:$0x3FB5];
	_ =	sdelay $0x3  }
0x36: {  	p1 =	seq.s32 s10, $0x1;
	s10 =	sld [smem:$0x3FB6];
	_ =	sdelay $0x3  }
0x37: {  	[smem:$0x3FB6] =	sst s10  }
0x38: {  	s10 =	sld [smem:$0x3FB7]  }
0x39: {  	_ = 	snop;
	(pc) =	sbr.ind lr, $3  }
0x3a: {  	_ = 	snop  }
0x3b: {  	_ = 	snop  }
0x3c: {  	p2 =	seq.s32 s10, $0x1;
	s10 =	sld [smem:$0x3FB6]  }
0x3d: {  	_ =	shalt  }
0x3e: {  	_ =	shalt  }
0x3f: {  	_ =	shalt  }
0x40: {  	_ =	shalt  }
0x41: {  	_ =	shalt  }
0x42: {  	_ =	shalt  }
0x43: {  	_ =	shalt  }
0x44: {  	_ =	shalt  }
0x45: {  	_ =	shalt  }
0x46: {  	_ =	shalt  }
0x47: {  	_ =	shalt  }
0x48: {  	_ =	shalt  }
0x49: {  	_ =	shalt  }
0x4a: {  	_ =	shalt  }
0x4b: {  	_ =	shalt  }
0x4c: {  	_ =	shalt  }
0x4d: {  	_ =	shalt  }
0x4e: {  	_ =	shalt  }
0x4f: {  	_ =	shalt  }
0x50: {  	_ =	shalt  }
0x51: {  	_ =	shalt  }
0x52: {  	_ =	shalt  }
0x53: {  	_ =	shalt  }
0x54: {  	_ =	shalt  }
0x55: {  	_ =	shalt  }
0x56: {  	_ =	shalt  }
0x57: {  	_ =	shalt  }
0x58: {  	_ =	shalt  }
0x59: {  	_ =	shalt  }
0x5a: {  	_ =	shalt  }
0x5b: {  	_ =	shalt  }
0x5c: {  	_ =	shalt  }
0x5d: {  	_ =	shalt  }
0x5e: {  	_ =	shalt  }
0x5f: {  	_ =	shalt  }
0x60: {  	_ =	shalt  }
0x61: {  	_ =	shalt  }
0x62: {  	_ =	shalt  }
0x63: {  	_ =	shalt  }
0x64: {  	_ =	shalt  }
0x65: {  	_ =	shalt  }
0x66: {  	_ =	shalt  }
0x67: {  	_ =	shalt  }
0x68: {  	_ =	shalt  }
0x69: {  	_ =	shalt  }
0x6a: {  	_ =	shalt  }
0x6b: {  	_ =	shalt  }
0x6c: {  	_ =	shalt  }
0x6d: {  	_ =	shalt  }
0x6e: {  	_ =	shalt  }
0x6f: {  	_ =	shalt  }
0x70: {  	_ =	shalt  }
0x71: {  	_ =	shalt  }
0x72: {  	_ =	shalt  }
0x73: {  	_ =	shalt  }
0x74: {  	_ =	shalt  }
0x75: {  	_ =	shalt  }
0x76: {  	_ =	shalt  }
0x77: {  	_ =	shalt  }
0x78: {  	_ =	shalt  }
0x79: {  	_ =	shalt  }
0x7a: {  	_ =	shalt  }
0x7b: {  	_ =	shalt  }
0x7c: {  	_ =	shalt  }
0x7d: {  	_ =	shalt  }
0x7e: {  	_ =	shalt  }
0x7f: {  	_ =	shalt  }
0x80: {  	_ =	shalt  }
0x81: {  	_ =	shalt  }
0x82: {  	_ =	shalt  }
0x83: {  	_ =	shalt  }
0x84: {  	_ =	shalt  }
0x85: {  	_ =	shalt  }
0x86: {  	_ =	shalt  }
0x87: {  	_ =	shalt  }
.Lfunc_end0:
.L_simem_size_0:
called_computation.1_lowered:
.L_overlay_start_0:
0x88: {  	s2 =	sld [smem:$0x3FD9]  }
0x89: {  	s3 =	sld [smem:$0x3FFE];
	_ =	sdelay $0x1  }
0x8a: {  	s1 =	srdreg.scid  }
0x8b: {  	s0 =	sand.u32 $0x1, s1  }
0x8c: {  	s17 =	sshll.u32 s0, $0xA;
	s2 =	sadd.s32 s3, s2  }
0x8d: {  	s2 =	sadd.s32 s2, s17  }
0x8e: {  	[smem:$0x3FC2] =	sst s2  }
0x8f: {  	_ = 	snop  }
0x90: {  	s2 =	sld [smem:$0x3FD0];
	(tm) =	ssettm $0x1  }
0x91: {  	s18 =	sld [smem:$0x3FFB];
	_ =	sdelay $0x3  }
0x92: {  	_ =	strace s18  }
0x93: {  	s3 =	sld [smem:$0x3FFC];
	_ =	sdelay $0x3  }
0x94: {  	_ =	strace s3  }
0x95: {  	s3 =	sld [smem:$0x3FFD];
	_ =	sdelay $0x3  }
0x96: {  	_ =	strace s3  }
0x97: {  	_ =	strace $0x8FFFFFFF  }
0x98: {  	s19 =	sld [smem:$0x3FDB];
	_ =	sdelay $0x1  }
0x99: {  	s4 =	simm.s32 $_scs_section_size  }
0x9a: {  	s5 =	simm.s32 $_size__tile_overlayer_lowered;
	s6 =	simm.s32 $_tile_overlayer_lowered  }
0x9b: {  	s22 =	simm.s32 $0x1BFF;
	s21 =	sshll.u32 s6, $0x1;
	s3 =	sadd.s32 s4, s19  }
0x9c: {  	s7 =	simm.s32 $0x0;
	s20 =	sshll.u32 s5, $0x1;
	s5 =	sadd.s32 s21, s3  }
0x9d: {  	[timem:s7], [sflag:s22] =	dma.local [hbm:s5], s20  }
0x9e: {  	_ =	swait.ge [sflag:s22], s20  }
0x9f: {  	s4 =	ssub.s32 $0x0, s20;
	[sflag:s22] =	ssyncset.done $0x0  }
0xa0: {  	[sflag:s22] =	ssyncadd.s32 s4;
	_ =	sdelay $0x1  }
0xa1: {  	s23 =	simm.s32 $0x1B8B  }
0xa2: {  	_ =	swait.ge [sflag:s23], $0x1  }
0xa3: {  	[sflag:s23] =	ssyncset.done $0x0  }
0xa4: {  	s25 =	simm.s32 $0x1B8E;
	s24 =	sld [smem:$0x3FFE];
	[sflag:s23] =	ssyncadd.s32 $0xFFFFFFFF  }
0xa5: {  	s26 =	simm.s32 $execute0_lowered;
	[smem:$0x3FD2] =	sst s25  }
0xa6: {  	s5 =	sshll.u32 s26, $0x1;
	_ =	strace $0x80000046;
	[dreg:$0x1] =	wrdreg $0xFFFFFFFF  }
0xa7: {  	s28 =	simm.s32 $_size_execute0_lowered;
	s3 =	sadd.s32 s3, s5;
	[dreg:$0x0] =	wrdreg $0x0  }
0xa8: {  	s5 =	sshll.u32 s28, $0x1;
	[dreg:$0x2] =	wrdreg s3  }
0xa9: {  	[dreg:$0x3] =	wrdreg s5  }
0xaa: {  	[dreg:$0x4] =	wrdreg $0xC0  }
0xab: {  	_ =	task [dreg:s7], $0x5FFFF  }
0xac: {  	[dreg:$0x1] =	wrdreg $0xFFFFFFFF  }
0xad: {  	[dreg:$0x0] =	wrdreg $0x60  }
0xae: {  	[dreg:$0x2] =	wrdreg s24  }
0xaf: {  	[dreg:$0x3] =	wrdreg s2  }
0xb0: {  	[dreg:$0x4] =	wrdreg $0x9  }
0xb1: {  	_ =	task.clear_ibuf [dreg:s7], $0x5FFFF;
	_ =	strace $0x90000046  }
0xb2: {  	s29 =	simm.s32 $0x9;
	_ =	strace $0x80000048  }
0xb3: {  	_ =	swait.ge [sflag:s29], $0x1  }
0xb4: {  	[sflag:s29] =	ssyncadd.s32 $0xFFFFFFFF  }
0xb5: {  	_ =	strace $0x90000048  }
0xb6: {  	_ =	sfence  }
0xb7: {  	s30 =	sld [smem:$0x0];
	_ =	sdelay $0x2  }
0xb8: {  	s31 =	sshll.u32 s1, $0xD;
	s1 =	sshrl.u32 s1, $0x2  }
0xb9: {  	s3 =	sand.u32 $0x4000, s31;
	s1 =	sadd.s32 s1, s30  }
0xba: {  	s0 =	sor.u32 s3, s0;
	s1 =	sshll.u32 s1, $0x11  }
0xbb: {  	s0 =	sor.u32 s1, s0  }
0xbc: {  	s0 =	sadd.s32 $0x8F2B, s0  }
0xbd: {  	[sflag:s0] =	ssyncadd.remote.s32 $0x1  }
0xbe: {  	_ =	sfence.sel $0xFFFF  }
0xbf: {  	[dreg:$0x0] =	wrdreg $0xFFFFFFFF;
	(pc) =	sbr.abs _section_cstart, $3  }
0xc0: {  	[dreg:$0x1] =	wrdreg $0xFFFFFFFF  }
0xc1: {  	_ =	task.clear_ibuf [dreg:s7], $0x2FFFF;
	_ =	strace $0x9FFFFFFF  }
0xc2: {  	(tm) =	ssettm $0x7FFFFFFF  }
0xc3: {  	_ =	shalt  }
tec
execute0_lowered:
.L_overlay_start_1:
0x0: {  	(tag) =	ssettag $0x1  }
0x1: {  	s0 =	srdreg.scid;
	s1 =	rddreg [dreg:$0x0]  }
0x2: {  	s2 =	stileid.u32;
	s5 =	rddreg [dreg:$0x1];
	s14 =	simm.s32 $0x2  }
0x3: {  	s16 =	simm.s32 $0x1F80;
	s17 =	simm.s32 $0x10;
	s18 =	simm.s32 $0x3E80  }
0x4: {  	s19 =	simm.s32 $0x1;
	s20 =	simm.s32 $0x4680;
	s21 =	simm.s32 $0x9680  }
0x5: {  	s22 =	simm.s32 $0x80000000;
	s23 =	simm.s32 $0xE680;
	s24 =	simm.s32 $0xE780  }
0x6: {  	s25 =	simm.s32 $0xE880;
	s30 =	simm.s32 $0x1E980;
	s15 =	simm.s32 $0x0  }
0x7: {  	s0 =	sand.u32 $0x1, s0;
	s2 =	sshll.u32 s2, $0x1;
	s4 =	sadd.s32 $0x3E1000, s1  }
0x8: {  	s9 =	sadd.s32 $0xF62400, s1;
	s6 =	sor.u32 s0, s2;
	s2 =	simm.s32 $0x0  }
0x9: {  	s0 =	ssub.s32 $0x2, s0;
	s3 =	smul.u32 $0x1F00, s6;
	[smem:$0x7FF] =	sst s2  }
0xa: {  	s8 =	sshll.u32 s6, $0x1;
	s29 =	sshll.u32 s6, $0x3;
	s6 =	sshll.u32 s6, $0x5  }
0xb: {  	s31 =	sshrl.u32 s0, $0x1;
	_ =	strace $0x80000047;
	s8 =	sadd.s32 s8, s1  }
0xc: {  	[dreg:$0x3] =	wrdreg s9;
	s10 =	sadd.s32 s29, s1;
	s7 =	sshrl.u32 s3, $0x3  }
0xd: {  	v1 =	vlaneseq.u32;
	v2 =	vimm.s32 $0x0;
	vm0 =	vmxor vm0, vm0;
	s0 =	ssub.s32 s0, s31;
	s12 =	sadd.s32 s5, s6;
	s7 =	sadd.s32 s7, s1  }
0xe: {  	v10 =	vimm.f32 $0.0e+00;
	v3 =	vor.u32 $0x10, v1;
	v4 =	vor.u32 $0x20, v1;
	s9 =	sadd.s32 $0xF62000, s10;
	s1 =	sadd.s32 s6, s1;
	s7 =	sadd.s32 $0x1200, s7  }
0xf: {  	v5 =	vor.u32 $0x30, v1;
	v6 =	vor.u32 $0x40, v1;
	v7 =	vor.u32 $0x50, v1;
	s11 =	sadd.s32 $0x8E00, s1;
	[dreg:$0x4] =	wrdreg s7;
	s7 =	sadd.s32 $0x1000, s8  }
0x10: {  	v8 =	vor.u32 $0x60, v1;
	v9 =	vor.u32 $0x70, v1;
	s13 =	smax.u32 s0, $0x1;
	v0 =	vmov s3;
	s8 =	sadd.s32 $0xF61E00, s10;
	s10 =	sadd.s32 $0xF62200, s10  }
.LBB2_1:
0x11: {  	s0 =	rddreg [dreg:$0x4]  }
0x12: {  	[tilespmem:s2], [sflag:$0x2] =	stream.linear.gather [hbm4b:s0+s2], $0x1F00, $0x38;
	[tilespmem:$0x1EC00] =	vst v63  }
0x13: {  	_ =	swait.ge [sflag:s14], $0x1F00  }
0x14: {  	[sflag:s14] =	ssyncset.done $0x0  }
0x15: {  	s31 =	simm.s32 $0x1F00;
	[sflag:s14] =	ssyncadd.s32 $0xFFFFE100  }
0x16: {  	[tilespmem:s31], [sflag:$0x2] =	stream.linear.gather [hbm4b:s7+s2], $0x10, $0x38;
	[tilespmem:$0x1EC00] =	vst v63  }
0x17: {  	_ =	swait.ge [sflag:s14], $0x10  }
0x18: {  	[sflag:s14] =	ssyncset.done $0x0  }
0x19: {  	[sflag:s14] =	ssyncadd.s32 $0xFFFFFFF0  }
0x1a: {  	s0 =	simm.s32 $0x0;
	v11 =	vld [tilespmem:$0x1F00]  }
.LBB2_2:
0x1b: {  	p0 =	seq.s32 s0, $0x7BC0  }
.Ltmp0:
0x1c: {  	_ = 	snop;
	(pc) =	sbr.rel @!p0 .LBB2_2-.Ltmp0, $3  }
0x1d: {  	_ =	sdelay $0x1  }
0x1e: {  	s1 =	sshra.s32 s0, $0x2  }
0x1f: {  	s0 =	sadd.s32 $0x40, s0;
	[tilespmem:s1+$0x1F80] =	vst v0  }
0x20: {  	s0 =	simm.s32 $0x0  }
0x21: {  	v12 =	vld [tilespmem:s0+$0x0];
	_ =	sdelay $0x4  }
0x22: {  	vm1 =	vge.f32 v12, v11  }
0x23: {  	v12 =	vsel vm1, $0x1, v2  }
0x24: {  	(xrf0) =	vadd.scan.msk.s32 $0xffff, v12;
	_ =	sdelay $0x3  }
0x25: {  	v12 =	vmov s0  }
0x26: {  	v12 =	vadd.s32 $0xFFFFFFFF, v12  }
0x27: {  	v12 =	vbroadcast v12, $0x0;
	v13, _, _ =	vpop (xrf0)  }
0x28: {  	(v2sf) =	vpush v13, $0xF  }
0x29: {  	v12 =	vadd.s32 v13, v12;
	_ =	sdelay $0x2  }
0x2a: {  	s1 =	sadd.s32 $0x0, s3  }
0x2b: {  	v14 =	vor.u32 s1, v1  }
0x2c: {  	s1 =	simm.s32 $0x10;
	[tilespmem:v12+s16+$0x0] =	vst.idx.msk vm1, v14  }
0x2d: {  	s5 =	simm.s32 $0x20;
	s6 =	simm.s32 $0x10;
	v12 =	vld [tilespmem:s1+$0x0]  }
.LBB2_4:
0x2e: {  	p0 =	seq.s32 s5, $0x1EF0;
	_ =	sdelay $0x3  }
0x2f: {  	vm1 =	vge.f32 v12, v11  }
0x30: {  	v12 =	vsel vm1, $0x1, v2  }
0x31: {  	(xrf0) =	vadd.scan.msk.s32 $0xffff, v12  }
0x32: {  	s26 =	spop (v2sf)  }
0x33: {  	s0 =	sadd.s32 s0, s26  }
0x34: {  	v12 =	vmov s0  }
0x35: {  	v12 =	vadd.s32 $0xFFFFFFFF, v12  }
0x36: {  	v12 =	vbroadcast v12, $0x0  }
0x37: {  	v13, _, _ =	vpop (xrf0)  }
0x38: {  	v12 =	vadd.s32 v13, v12;
	(v2sf) =	vpush v13, $0xF;
	_ =	sdelay $0x2  }
.Ltmp1:
0x39: {  	s26 =	sadd.s32 s3, s1;
	s1 =	smov.u32 s5;
	(pc) =	sbr.rel @!p0 .LBB2_4-.Ltmp1, $4  }
0x3a: {  	v13 =	vor.u32 s26, v1  }
0x3b: {  	[tilespmem:v12+s16+$0x0] =	vst.idx.msk vm1, v13  }
0x3c: {  	s6 =	sadd.s32 $0x10, s6  }
0x3d: {  	s5 =	sadd.s32 $0x10, s5;
	v12 =	vld [tilespmem:s6+$0x0]  }
0x3e: {  	_ =	sdelay $0x3  }
0x3f: {  	vm1 =	vge.f32 v12, v11  }
0x40: {  	v12 =	vsel vm1, $0x1, v2  }
0x41: {  	(xrf0) =	vadd.scan.msk.s32 $0xffff, v12;
	_ =	sdelay $0x5  }
0x42: {  	v12, _, _ =	vpop (xrf0)  }
0x43: {  	(v2sf) =	vpush v12, $0xF;
	_ =	sdelay $0xa  }
0x44: {  	s5 =	spop (v2sf)  }
0x45: {  	s0 =	sadd.s32 s0, s5  }
0x46: {  	v13 =	vmov s0  }
0x47: {  	v13 =	vadd.s32 $0xFFFFFFFF, v13  }
0x48: {  	v13 =	vbroadcast v13, $0x0;
	s31 =	spop (v2sf)  }
0x49: {  	s28 =	sadd.s32 s0, s31  }
0x4a: {  	v12 =	vadd.s32 v12, v13;
	p0 =	slt.s32 s28, $0x1  }
.Ltmp2:
0x4b: {  	_ = 	snop;
	(pc) =	sbr.rel @p0 .LBB2_10-.Ltmp2, $4  }
0x4c: {  	_ = 	snop  }
0x4d: {  	s1 =	sadd.s32 s3, s1  }
0x4e: {  	v63 =	vor.u32 s1, v1  }
0x4f: {  	s26 =	simm.s32 $0x0;
	s1 =	simm.s32 $0x0;
	[tilespmem:v12+s16+$0x0] =	vst.idx.msk vm1, v63  }
0x50: {  	s1 =	simm.s32 $0x0;
	s29 =	simm.s32 $0x0  }
.LBB2_7:
0x51: {  	s0 =	sadd.s32 $0x1F80, s29  }
0x52: {  	[tilespmem:s18], [sflag:$0x1] =	stream.indirect.gather [hbm4b:s4+s17], $0x80, s0, s17, $0xb8;
	[tilespmem:$0x1EC00] =	vst v63  }
0x53: {  	_ =	swait.ge [sflag:s19], $0x800  }
0x54: {  	[sflag:s19] =	ssyncset.done $0x0  }
0x55: {  	s0 =	simm.s32 $0x3EC0;
	[sflag:s19] =	ssyncadd.s32 $0xFFFFF800  }
0x56: {  	v12 =	vld [tilespmem:s0+$0xFFFFFFC0];
	_ =	sdelay $0x2  }
0x57: {  	s5 =	sadd.s32 $0x0, s29  }
0x58: {  	vm1 =	vmmov vm0;
	p0 =	slt.s32 s5, s28  }
0x59: {  	vm1 =	vmneg @p0 vm1;
	vm2 =	vge.f32 v12, v11  }
0x5a: {  	vm2 =	vmand vm1, vm2  }
0x5b: {  	v13 =	vsel vm2, $0x1, v2  }
0x5c: {  	(xrf0) =	vadd.scan.msk.s32 $0xffff, v13;
	_ =	sdelay $0x2  }
0x5d: {  	v13 =	vmov s1  }
0x5e: {  	v13 =	vadd.s32 $0xFFFFFFFF, v13  }
0x5f: {  	v13 =	vbroadcast v13, $0x0  }
0x60: {  	v14, _, _ =	vpop (xrf0)  }
0x61: {  	v13 =	vadd.s32 v14, v13  }
0x62: {  	vm3 =	vlt.s32 v13, $0x5000  }
0x63: {  	vm2 =	vmand vm2, vm3  }
0x64: {  	v14 =	vmov s5;
	v15 =	vsel vm2, $0x1, v2  }
0x65: {  	(xrf0) =	vadd.scan.msk.s32 $0xffff, v15;
	_ =	sdelay $0x3  }
0x66: {  	v14 =	vld.idx.msk [tilespmem:v14+s16+$0x0], $0xffff;
	_ =	sdelay $0x1  }
0x67: {  	v15, _, _ =	vpop (xrf0)  }
0x68: {  	(v2sf) =	vpush v15, $0xF  }
0x69: {  	vm3 =	vlt.s32 v12, $0x0  }
0x6a: {  	v14 =	vsub.s32 v14, v0;
	v15 =	vxor.u32 $0x80000000, v12;
	v12 =	vxor.u32 $0xFFFFFFFF, v12  }
0x6b: {  	v15 =	vsel vm3, v12, v15;
	v12 =	vshll.u32 v14, $0x7  }
0x6c: {  	v14 =	vor.u32 v1, v12;
	[tilespmem:v13+s20+$0x0] =	vst.idx.msk vm2, v15  }
0x6d: {  	[tilespmem:v13+s21+$0x0] =	vst.idx.msk vm2, v14  }
0x6e: {  	v13 =	vld [tilespmem:s0+$0xFFFFFFD0];
	_ =	sdelay $0x4  }
0x6f: {  	vm2 =	vge.f32 v13, v11  }
0x70: {  	vm2 =	vmand vm1, vm2  }
0x71: {  	v14 =	vsel vm2, $0x1, v2  }
0x72: {  	(xrf0) =	vadd.scan.msk.s32 $0xffff, v14  }
0x73: {  	s6 =	spop (v2sf)  }
0x74: {  	s5 =	sadd.s32 s1, s6  }
0x75: {  	v14 =	vmov s5  }
0x76: {  	v14 =	vadd.s32 $0xFFFFFFFF, v14  }
0x77: {  	v14 =	vbroadcast v14, $0x0  }
0x78: {  	v15, _, _ =	vpop (xrf0)  }
0x79: {  	v14 =	vadd.s32 v15, v14  }
0x7a: {  	vm3 =	vlt.s32 v14, $0x5000  }
0x7b: {  	vm2 =	vmand vm2, vm3  }
0x7c: {  	v15 =	vsel vm2, $0x1, v2  }
0x7d: {  	(xrf0) =	vadd.scan.msk.s32 $0xffff, v15;
	_ =	sdelay $0x5  }
0x7e: {  	v15, _, _ =	vpop (xrf0)  }
0x7f: {  	(v2sf) =	vpush v15, $0xF;
	_ =	sdelay $0x1  }
0x80: {  	vm3 =	vlt.s32 v13, $0x0;
	v15 =	vxor.u32 $0x80000000, v13;
	v13 =	vxor.u32 $0xFFFFFFFF, v13  }
0x81: {  	v13 =	vsel vm3, v13, v15  }
0x82: {  	v15 =	vor.u32 v3, v12;
	[tilespmem:v14+s20+$0x0] =	vst.idx.msk vm2, v13  }
0x83: {  	[tilespmem:v14+s21+$0x0] =	vst.idx.msk vm2, v15  }
0x84: {  	v13 =	vld [tilespmem:s0+$0xFFFFFFE0];
	_ =	sdelay $0x4  }
0x85: {  	vm2 =	vge.f32 v13, v11  }
0x86: {  	vm2 =	vmand vm1, vm2  }
0x87: {  	v14 =	vsel vm2, $0x1, v2  }
0x88: {  	(xrf0) =	vadd.scan.msk.s32 $0xffff, v14  }
0x89: {  	s6 =	spop (v2sf)  }
0x8a: {  	s1 =	sadd.s32 s5, s6  }
0x8b: {  	v14 =	vmov s1  }
0x8c: {  	v14 =	vadd.s32 $0xFFFFFFFF, v14  }
0x8d: {  	v14 =	vbroadcast v14, $0x0  }
0x8e: {  	v15, _, _ =	vpop (xrf0)  }
0x8f: {  	v14 =	vadd.s32 v15, v14  }
0x90: {  	vm3 =	vlt.s32 v14, $0x5000  }
0x91: {  	vm2 =	vmand vm2, vm3  }
0x92: {  	v15 =	vsel vm2, $0x1, v2  }
0x93: {  	(xrf0) =	vadd.scan.msk.s32 $0xffff, v15;
	_ =	sdelay $0x5  }
0x94: {  	v15, _, _ =	vpop (xrf0)  }
0x95: {  	(v2sf) =	vpush v15, $0xF;
	_ =	sdelay $0x1  }
0x96: {  	vm3 =	vlt.s32 v13, $0x0;
	v15 =	vxor.u32 $0x80000000, v13;
	v13 =	vxor.u32 $0xFFFFFFFF, v13  }
0x97: {  	v13 =	vsel vm3, v13, v15  }
0x98: {  	v15 =	vor.u32 v4, v12;
	[tilespmem:v14+s20+$0x0] =	vst.idx.msk vm2, v13  }
0x99: {  	[tilespmem:v14+s21+$0x0] =	vst.idx.msk vm2, v15  }
0x9a: {  	v13 =	vld [tilespmem:s0+$0xFFFFFFF0];
	_ =	sdelay $0x4  }
0x9b: {  	vm2 =	vge.f32 v13, v11  }
0x9c: {  	vm2 =	vmand vm1, vm2  }
0x9d: {  	v14 =	vsel vm2, $0x1, v2  }
0x9e: {  	(xrf0) =	vadd.scan.msk.s32 $0xffff, v14  }
0x9f: {  	s6 =	spop (v2sf)  }
0xa0: {  	s1 =	sadd.s32 s1, s6  }
0xa1: {  	v14 =	vmov s1  }
0xa2: {  	v14 =	vadd.s32 $0xFFFFFFFF, v14  }
0xa3: {  	v14 =	vbroadcast v14, $0x0  }
0xa4: {  	v15, _, _ =	vpop (xrf0)  }
0xa5: {  	v14 =	vadd.s32 v15, v14  }
0xa6: {  	vm3 =	vlt.s32 v14, $0x5000  }
0xa7: {  	vm2 =	vmand vm2, vm3  }
0xa8: {  	v15 =	vsel vm2, $0x1, v2  }
0xa9: {  	(xrf0) =	vadd.scan.msk.s32 $0xffff, v15;
	_ =	sdelay $0x5  }
0xaa: {  	v15, _, _ =	vpop (xrf0)  }
0xab: {  	(v2sf) =	vpush v15, $0xF;
	_ =	sdelay $0x1  }
0xac: {  	vm3 =	vlt.s32 v13, $0x0;
	v15 =	vxor.u32 $0x80000000, v13;
	v13 =	vxor.u32 $0xFFFFFFFF, v13  }
0xad: {  	v13 =	vsel vm3, v13, v15  }
0xae: {  	v15 =	vor.u32 v5, v12;
	[tilespmem:v14+s20+$0x0] =	vst.idx.msk vm2, v13  }
0xaf: {  	[tilespmem:v14+s21+$0x0] =	vst.idx.msk vm2, v15  }
0xb0: {  	v13 =	vld [tilespmem:s0+$0x0];
	_ =	sdelay $0x4  }
0xb1: {  	vm2 =	vge.f32 v13, v11  }
0xb2: {  	vm2 =	vmand vm1, vm2  }
0xb3: {  	v14 =	vsel vm2, $0x1, v2  }
0xb4: {  	(xrf0) =	vadd.scan.msk.s32 $0xffff, v14  }
0xb5: {  	s6 =	spop (v2sf)  }
0xb6: {  	s1 =	sadd.s32 s1, s6  }
0xb7: {  	v14 =	vmov s1  }
0xb8: {  	v14 =	vadd.s32 $0xFFFFFFFF, v14  }
0xb9: {  	v14 =	vbroadcast v14, $0x0  }
0xba: {  	v15, _, _ =	vpop (xrf0)  }
0xbb: {  	v14 =	vadd.s32 v15, v14  }
0xbc: {  	vm3 =	vlt.s32 v14, $0x5000  }
0xbd: {  	vm2 =	vmand vm2, vm3  }
0xbe: {  	v15 =	vsel vm2, $0x1, v2  }
0xbf: {  	(xrf0) =	vadd.scan.msk.s32 $0xffff, v15;
	_ =	sdelay $0x5  }
0xc0: {  	v15, _, _ =	vpop (xrf0)  }
0xc1: {  	(v2sf) =	vpush v15, $0xF;
	_ =	sdelay $0x1  }
0xc2: {  	vm3 =	vlt.s32 v13, $0x0;
	v15 =	vxor.u32 $0x80000000, v13;
	v13 =	vxor.u32 $0xFFFFFFFF, v13  }
0xc3: {  	v13 =	vsel vm3, v13, v15  }
0xc4: {  	v15 =	vor.u32 v6, v12;
	[tilespmem:v14+s20+$0x0] =	vst.idx.msk vm2, v13  }
0xc5: {  	[tilespmem:v14+s21+$0x0] =	vst.idx.msk vm2, v15  }
0xc6: {  	v13 =	vld [tilespmem:s0+$0x10];
	_ =	sdelay $0x4  }
0xc7: {  	vm2 =	vge.f32 v13, v11  }
0xc8: {  	vm2 =	vmand vm1, vm2  }
0xc9: {  	v14 =	vsel vm2, $0x1, v2  }
0xca: {  	(xrf0) =	vadd.scan.msk.s32 $0xffff, v14  }
0xcb: {  	s6 =	spop (v2sf)  }
0xcc: {  	s1 =	sadd.s32 s1, s6  }
0xcd: {  	v14 =	vmov s1  }
0xce: {  	v14 =	vadd.s32 $0xFFFFFFFF, v14  }
0xcf: {  	v14 =	vbroadcast v14, $0x0  }
0xd0: {  	v15, _, _ =	vpop (xrf0)  }
0xd1: {  	v14 =	vadd.s32 v15, v14  }
0xd2: {  	vm3 =	vlt.s32 v14, $0x5000  }
0xd3: {  	vm2 =	vmand vm2, vm3  }
0xd4: {  	v15 =	vsel vm2, $0x1, v2  }
0xd5: {  	(xrf0) =	vadd.scan.msk.s32 $0xffff, v15;
	_ =	sdelay $0x5  }
0xd6: {  	v15, _, _ =	vpop (xrf0)  }
0xd7: {  	(v2sf) =	vpush v15, $0xF;
	_ =	sdelay $0x1  }
0xd8: {  	vm3 =	vlt.s32 v13, $0x0;
	v15 =	vxor.u32 $0x80000000, v13;
	v13 =	vxor.u32 $0xFFFFFFFF, v13  }
0xd9: {  	v13 =	vsel vm3, v13, v15  }
0xda: {  	v15 =	vor.u32 v7, v12;
	[tilespmem:v14+s20+$0x0] =	vst.idx.msk vm2, v13  }
0xdb: {  	[tilespmem:v14+s21+$0x0] =	vst.idx.msk vm2, v15  }
0xdc: {  	v13 =	vld [tilespmem:s0+$0x20];
	_ =	sdelay $0x4  }
0xdd: {  	vm2 =	vge.f32 v13, v11  }
0xde: {  	vm2 =	vmand vm1, vm2  }
0xdf: {  	v14 =	vsel vm2, $0x1, v2  }
0xe0: {  	(xrf0) =	vadd.scan.msk.s32 $0xffff, v14  }
0xe1: {  	s6 =	spop (v2sf)  }
0xe2: {  	s1 =	sadd.s32 s1, s6  }
0xe3: {  	v14 =	vmov s1  }
0xe4: {  	v14 =	vadd.s32 $0xFFFFFFFF, v14  }
0xe5: {  	v14 =	vbroadcast v14, $0x0  }
0xe6: {  	v15, _, _ =	vpop (xrf0)  }
0xe7: {  	v14 =	vadd.s32 v15, v14  }
0xe8: {  	vm3 =	vlt.s32 v14, $0x5000  }
0xe9: {  	vm2 =	vmand vm2, vm3  }
0xea: {  	v15 =	vsel vm2, $0x1, v2  }
0xeb: {  	(xrf0) =	vadd.scan.msk.s32 $0xffff, v15;
	_ =	sdelay $0x5  }
0xec: {  	v15, _, _ =	vpop (xrf0)  }
0xed: {  	(v2sf) =	vpush v15, $0xF;
	_ =	sdelay $0x1  }
0xee: {  	vm3 =	vlt.s32 v13, $0x0;
	v15 =	vxor.u32 $0x80000000, v13;
	v13 =	vxor.u32 $0xFFFFFFFF, v13  }
0xef: {  	v13 =	vsel vm3, v13, v15  }
0xf0: {  	v15 =	vor.u32 v8, v12;
	[tilespmem:v14+s20+$0x0] =	vst.idx.msk vm2, v13  }
0xf1: {  	[tilespmem:v14+s21+$0x0] =	vst.idx.msk vm2, v15  }
0xf2: {  	v13 =	vld [tilespmem:s0+$0x30];
	_ =	sdelay $0x4  }
0xf3: {  	vm2 =	vge.f32 v13, v11  }
0xf4: {  	vm1 =	vmand vm1, vm2  }
0xf5: {  	v14 =	vsel vm1, $0x1, v2  }
0xf6: {  	(xrf0) =	vadd.scan.msk.s32 $0xffff, v14  }
0xf7: {  	s5 =	spop (v2sf)  }
0xf8: {  	s5 =	sadd.s32 s1, s5  }
0xf9: {  	v14 =	vmov s5  }
0xfa: {  	v14 =	vadd.s32 $0xFFFFFFFF, v14  }
0xfb: {  	v14 =	vbroadcast v14, $0x0  }
0xfc: {  	v15, _, _ =	vpop (xrf0)  }
0xfd: {  	v14 =	vadd.s32 v15, v14  }
0xfe: {  	vm2 =	vlt.s32 v14, $0x5000  }
0xff: {  	vm1 =	vmand vm1, vm2  }
0x100: {  	v15 =	vsel vm1, $0x1, v2  }
0x101: {  	(xrf0) =	vadd.scan.msk.s32 $0xffff, v15;
	_ =	sdelay $0x5  }
0x102: {  	v15, _, _ =	vpop (xrf0)  }
0x103: {  	(v2sf) =	vpush v15, $0xF;
	_ =	sdelay $0x2  }
0x104: {  	vm2 =	vlt.s32 v13, $0x0;
	v15 =	vxor.u32 $0x80000000, v13;
	v13 =	vxor.u32 $0xFFFFFFFF, v13  }
0x105: {  	v13 =	vsel vm2, v13, v15  }
0x106: {  	v12 =	vor.u32 v9, v12;
	[tilespmem:v14+s20+$0x0] =	vst.idx.msk vm1, v13  }
0x107: {  	s31 =	simm.s32 $0x3F40;
	[tilespmem:v14+s21+$0x0] =	vst.idx.msk vm1, v12  }
0x108: {  	v12 =	vld [tilespmem:s31+$0xFFFFFFC0];
	_ =	sdelay $0x2  }
0x109: {  	s6 =	sadd.s32 $0x1, s29  }
0x10a: {  	p0 =	slt.s32 s6, s28;
	vm1 =	vmmov vm0  }
0x10b: {  	vm1 =	vmneg @p0 vm1;
	vm2 =	vge.f32 v12, v11  }
0x10c: {  	v13 =	vxor.u32 $0x80000000, v12;
	vm2 =	vmand vm1, vm2  }
0x10d: {  	v14 =	vxor.u32 $0xFFFFFFFF, v12;
	vm3 =	vlt.s32 v12, $0x0;
	v15 =	vsel vm2, $0x1, v2  }
0x10e: {  	s1 =	simm.s32 $0x2;
	v12 =	vmov s6;
	v13 =	vsel vm3, v14, v13;
	(xrf0) =	vadd.scan.msk.s32 $0xffff, v15;
	s0 =	spop (v2sf)  }
.LBB2_8:
0x10f: {  	p0 =	sne.s32 s1, $0xF  }
0x110: {  	s5 =	sadd.s32 s5, s0;
	s0 =	smov.u32 s1;
	s1 =	sadd.s32 $0x1, s1  }
0x111: {  	v14 =	vmov s5  }
0x112: {  	v14 =	vadd.s32 $0xFFFFFFFF, v14  }
0x113: {  	v14 =	vbroadcast v14, $0x0  }
0x114: {  	v15, _, _ =	vpop (xrf0)  }
0x115: {  	v12 =	vld.idx.msk [tilespmem:v12+s16+$0x0], $0xffff;
	v14 =	vadd.s32 v15, v14  }
0x116: {  	vm3 =	vlt.s32 v14, $0x5000  }
0x117: {  	vm2 =	vmand vm2, vm3  }
0x118: {  	v15 =	vsel vm2, $0x1, v2  }
0x119: {  	(xrf0) =	vadd.scan.msk.s32 $0xffff, v15;
	_ =	sdelay $0x1  }
0x11a: {  	v12 =	vsub.s32 v12, v0  }
0x11b: {  	v12 =	vshll.u32 v12, $0x7  }
0x11c: {  	v15 =	vor.u32 v1, v12;
	[tilespmem:v14+s20+$0x0] =	vst.idx.msk vm2, v13  }
0x11d: {  	[tilespmem:v14+s21+$0x0] =	vst.idx.msk vm2, v15  }
0x11e: {  	v13 =	vld [tilespmem:s31+$0xFFFFFFD0];
	v14, _, _ =	vpop (xrf0)  }
0x11f: {  	(v2sf) =	vpush v14, $0xF;
	_ =	sdelay $0x3  }
0x120: {  	vm2 =	vge.f32 v13, v11;
	v14 =	vxor.u32 $0x80000000, v13;
	v15 =	vxor.u32 $0xFFFFFFFF, v13  }
0x121: {  	vm3 =	vlt.s32 v13, $0x0  }
0x122: {  	v13 =	vsel vm3, v15, v14;
	_ =	sdelay $0x5  }
0x123: {  	vm2 =	vmand vm1, vm2  }
0x124: {  	v14 =	vsel vm2, $0x1, v2  }
0x125: {  	(xrf0) =	vadd.scan.msk.s32 $0xffff, v14  }
0x126: {  	s6 =	spop (v2sf)  }
0x127: {  	s5 =	sadd.s32 s5, s6  }
0x128: {  	v14 =	vmov s5  }
0x129: {  	v14 =	vadd.s32 $0xFFFFFFFF, v14  }
0x12a: {  	v14 =	vbroadcast v14, $0x0  }
0x12b: {  	v15, _, _ =	vpop (xrf0)  }
0x12c: {  	v14 =	vadd.s32 v15, v14  }
0x12d: {  	vm3 =	vlt.s32 v14, $0x5000  }
0x12e: {  	vm2 =	vmand vm2, vm3  }
0x12f: {  	v15 =	vsel vm2, $0x1, v2  }
0x130: {  	(xrf0) =	vadd.scan.msk.s32 $0xffff, v15;
	_ =	sdelay $0x3  }
0x131: {  	v15 =	vor.u32 v3, v12;
	[tilespmem:v14+s20+$0x0] =	vst.idx.msk vm2, v13  }
0x132: {  	[tilespmem:v14+s21+$0x0] =	vst.idx.msk vm2, v15  }
0x133: {  	v13 =	vld [tilespmem:s31+$0xFFFFFFE0];
	v14, _, _ =	vpop (xrf0)  }
0x134: {  	(v2sf) =	vpush v14, $0xF;
	_ =	sdelay $0x3  }
0x135: {  	vm2 =	vge.f32 v13, v11;
	v14 =	vxor.u32 $0x80000000, v13;
	v15 =	vxor.u32 $0xFFFFFFFF, v13  }
0x136: {  	vm3 =	vlt.s32 v13, $0x0  }
0x137: {  	v13 =	vsel vm3, v15, v14;
	_ =	sdelay $0x5  }
0x138: {  	vm2 =	vmand vm1, vm2  }
0x139: {  	v14 =	vsel vm2, $0x1, v2  }
0x13a: {  	(xrf0) =	vadd.scan.msk.s32 $0xffff, v14  }
0x13b: {  	s6 =	spop (v2sf)  }
0x13c: {  	s5 =	sadd.s32 s5, s6  }
0x13d: {  	v14 =	vmov s5  }
0x13e: {  	v14 =	vadd.s32 $0xFFFFFFFF, v14  }
0x13f: {  	v14 =	vbroadcast v14, $0x0  }
0x140: {  	v15, _, _ =	vpop (xrf0)  }
0x141: {  	v14 =	vadd.s32 v15, v14  }
0x142: {  	vm3 =	vlt.s32 v14, $0x5000  }
0x143: {  	vm2 =	vmand vm2, vm3  }
0x144: {  	v15 =	vsel vm2, $0x1, v2  }
0x145: {  	(xrf0) =	vadd.scan.msk.s32 $0xffff, v15;
	_ =	sdelay $0x3  }
0x146: {  	v15 =	vor.u32 v4, v12;
	[tilespmem:v14+s20+$0x0] =	vst.idx.msk vm2, v13  }
0x147: {  	[tilespmem:v14+s21+$0x0] =	vst.idx.msk vm2, v15  }
0x148: {  	v13 =	vld [tilespmem:s31+$0xFFFFFFF0];
	v14, _, _ =	vpop (xrf0)  }
0x149: {  	(v2sf) =	vpush v14, $0xF;
	_ =	sdelay $0x3  }
0x14a: {  	vm2 =	vge.f32 v13, v11;
	v14 =	vxor.u32 $0x80000000, v13;
	v15 =	vxor.u32 $0xFFFFFFFF, v13  }
0x14b: {  	vm3 =	vlt.s32 v13, $0x0  }
0x14c: {  	v13 =	vsel vm3, v15, v14;
	_ =	sdelay $0x5  }
0x14d: {  	vm2 =	vmand vm1, vm2  }
0x14e: {  	v14 =	vsel vm2, $0x1, v2  }
0x14f: {  	(xrf0) =	vadd.scan.msk.s32 $0xffff, v14  }
0x150: {  	s6 =	spop (v2sf)  }
0x151: {  	s5 =	sadd.s32 s5, s6  }
0x152: {  	v14 =	vmov s5  }
0x153: {  	v14 =	vadd.s32 $0xFFFFFFFF, v14  }
0x154: {  	v14 =	vbroadcast v14, $0x0  }
0x155: {  	v15, _, _ =	vpop (xrf0)  }
0x156: {  	v14 =	vadd.s32 v15, v14  }
0x157: {  	vm3 =	vlt.s32 v14, $0x5000  }
0x158: {  	vm2 =	vmand vm2, vm3  }
0x159: {  	v15 =	vsel vm2, $0x1, v2  }
0x15a: {  	(xrf0) =	vadd.scan.msk.s32 $0xffff, v15;
	_ =	sdelay $0x3  }
0x15b: {  	v15 =	vor.u32 v5, v12;
	[tilespmem:v14+s20+$0x0] =	vst.idx.msk vm2, v13  }
0x15c: {  	[tilespmem:v14+s21+$0x0] =	vst.idx.msk vm2, v15  }
0x15d: {  	v13 =	vld [tilespmem:s31+$0x0];
	v14, _, _ =	vpop (xrf0)  }
0x15e: {  	(v2sf) =	vpush v14, $0xF;
	_ =	sdelay $0x3  }
0x15f: {  	vm2 =	vge.f32 v13, v11;
	v14 =	vxor.u32 $0x80000000, v13;
	v15 =	vxor.u32 $0xFFFFFFFF, v13  }
0x160: {  	vm3 =	vlt.s32 v13, $0x0  }
0x161: {  	v13 =	vsel vm3, v15, v14;
	_ =	sdelay $0x5  }
0x162: {  	vm2 =	vmand vm1, vm2  }
0x163: {  	v14 =	vsel vm2, $0x1, v2  }
0x164: {  	(xrf0) =	vadd.scan.msk.s32 $0xffff, v14  }
0x165: {  	s6 =	spop (v2sf)  }
0x166: {  	s5 =	sadd.s32 s5, s6  }
0x167: {  	v14 =	vmov s5  }
0x168: {  	v14 =	vadd.s32 $0xFFFFFFFF, v14  }
0x169: {  	v14 =	vbroadcast v14, $0x0  }
0x16a: {  	v15, _, _ =	vpop (xrf0)  }
0x16b: {  	v14 =	vadd.s32 v15, v14  }
0x16c: {  	vm3 =	vlt.s32 v14, $0x5000  }
0x16d: {  	vm2 =	vmand vm2, vm3  }
0x16e: {  	v15 =	vsel vm2, $0x1, v2  }
0x16f: {  	(xrf0) =	vadd.scan.msk.s32 $0xffff, v15;
	_ =	sdelay $0x3  }
0x170: {  	v15 =	vor.u32 v6, v12;
	[tilespmem:v14+s20+$0x0] =	vst.idx.msk vm2, v13  }
0x171: {  	[tilespmem:v14+s21+$0x0] =	vst.idx.msk vm2, v15  }
0x172: {  	v13 =	vld [tilespmem:s31+$0x10];
	v14, _, _ =	vpop (xrf0)  }
0x173: {  	(v2sf) =	vpush v14, $0xF;
	_ =	sdelay $0x3  }
0x174: {  	vm2 =	vge.f32 v13, v11;
	v14 =	vxor.u32 $0x80000000, v13;
	v15 =	vxor.u32 $0xFFFFFFFF, v13  }
0x175: {  	vm3 =	vlt.s32 v13, $0x0  }
0x176: {  	v13 =	vsel vm3, v15, v14;
	_ =	sdelay $0x5  }
0x177: {  	vm2 =	vmand vm1, vm2  }
0x178: {  	v14 =	vsel vm2, $0x1, v2  }
0x179: {  	(xrf0) =	vadd.scan.msk.s32 $0xffff, v14  }
0x17a: {  	s6 =	spop (v2sf)  }
0x17b: {  	s5 =	sadd.s32 s5, s6  }
0x17c: {  	v14 =	vmov s5  }
0x17d: {  	v14 =	vadd.s32 $0xFFFFFFFF, v14  }
0x17e: {  	v14 =	vbroadcast v14, $0x0  }
0x17f: {  	v15, _, _ =	vpop (xrf0)  }
0x180: {  	v14 =	vadd.s32 v15, v14  }
0x181: {  	vm3 =	vlt.s32 v14, $0x5000  }
0x182: {  	vm2 =	vmand vm2, vm3  }
0x183: {  	v15 =	vsel vm2, $0x1, v2  }
0x184: {  	(xrf0) =	vadd.scan.msk.s32 $0xffff, v15;
	_ =	sdelay $0x3  }
0x185: {  	v15 =	vor.u32 v7, v12;
	[tilespmem:v14+s20+$0x0] =	vst.idx.msk vm2, v13  }
0x186: {  	[tilespmem:v14+s21+$0x0] =	vst.idx.msk vm2, v15  }
0x187: {  	v13 =	vld [tilespmem:s31+$0x20];
	v14, _, _ =	vpop (xrf0)  }
0x188: {  	(v2sf) =	vpush v14, $0xF;
	_ =	sdelay $0x3  }
0x189: {  	vm2 =	vge.f32 v13, v11;
	v14 =	vxor.u32 $0x80000000, v13;
	v15 =	vxor.u32 $0xFFFFFFFF, v13  }
0x18a: {  	vm3 =	vlt.s32 v13, $0x0  }
0x18b: {  	v13 =	vsel vm3, v15, v14;
	_ =	sdelay $0x5  }
0x18c: {  	vm2 =	vmand vm1, vm2  }
0x18d: {  	v14 =	vsel vm2, $0x1, v2  }
0x18e: {  	(xrf0) =	vadd.scan.msk.s32 $0xffff, v14  }
0x18f: {  	s6 =	spop (v2sf)  }
0x190: {  	s5 =	sadd.s32 s5, s6  }
0x191: {  	v14 =	vmov s5  }
0x192: {  	v14 =	vadd.s32 $0xFFFFFFFF, v14  }
0x193: {  	v14 =	vbroadcast v14, $0x0  }
0x194: {  	v15, _, _ =	vpop (xrf0)  }
0x195: {  	v14 =	vadd.s32 v15, v14  }
0x196: {  	vm3 =	vlt.s32 v14, $0x5000  }
0x197: {  	vm2 =	vmand vm2, vm3  }
0x198: {  	v15 =	vsel vm2, $0x1, v2  }
0x199: {  	(xrf0) =	vadd.scan.msk.s32 $0xffff, v15;
	_ =	sdelay $0x3  }
0x19a: {  	v15 =	vor.u32 v8, v12;
	[tilespmem:v14+s20+$0x0] =	vst.idx.msk vm2, v13  }
0x19b: {  	[tilespmem:v14+s21+$0x0] =	vst.idx.msk vm2, v15  }
0x19c: {  	v13 =	vld [tilespmem:s31+$0x30];
	v14, _, _ =	vpop (xrf0)  }
0x19d: {  	(v2sf) =	vpush v14, $0xF;
	_ =	sdelay $0x3  }
0x19e: {  	vm2 =	vge.f32 v13, v11;
	v14 =	vxor.u32 $0x80000000, v13;
	v15 =	vxor.u32 $0xFFFFFFFF, v13  }
0x19f: {  	vm3 =	vlt.s32 v13, $0x0  }
0x1a0: {  	v13 =	vsel vm3, v15, v14;
	_ =	sdelay $0x5  }
0x1a1: {  	vm1 =	vmand vm1, vm2  }
0x1a2: {  	v14 =	vsel vm1, $0x1, v2  }
0x1a3: {  	(xrf0) =	vadd.scan.msk.s32 $0xffff, v14  }
0x1a4: {  	s6 =	spop (v2sf)  }
0x1a5: {  	s5 =	sadd.s32 s5, s6  }
0x1a6: {  	v14 =	vmov s5  }
0x1a7: {  	v14 =	vadd.s32 $0xFFFFFFFF, v14  }
0x1a8: {  	v14 =	vbroadcast v14, $0x0  }
0x1a9: {  	v15, _, _ =	vpop (xrf0)  }
0x1aa: {  	v14 =	vadd.s32 v15, v14  }
0x1ab: {  	vm2 =	vlt.s32 v14, $0x5000  }
0x1ac: {  	vm1 =	vmand vm1, vm2  }
0x1ad: {  	v15 =	vsel vm1, $0x1, v2  }
0x1ae: {  	(xrf0) =	vadd.scan.msk.s32 $0xffff, v15;
	_ =	sdelay $0x3  }
0x1af: {  	v15 =	vor.u32 v9, v12;
	[tilespmem:v14+s20+$0x0] =	vst.idx.msk vm1, v13  }
0x1b0: {  	[tilespmem:v14+s21+$0x0] =	vst.idx.msk vm1, v15  }
0x1b1: {  	v12, _, _ =	vpop (xrf0)  }
0x1b2: {  	(v2sf) =	vpush v12, $0xF;
	_ =	sdelay $0x4  }
0x1b3: {  	s31 =	sadd.s32 $0x80, s31  }
0x1b4: {  	v13 =	vld [tilespmem:s31+$0xFFFFFFC0];
	_ =	sdelay $0x2  }
0x1b5: {  	s0 =	sadd.s32 s0, s29  }
0x1b6: {  	p1 =	slt.s32 s0, s28;
	vm1 =	vmmov vm0;
	v12 =	vmov s0  }
.Ltmp3:
0x1b7: {  	vm1 =	vmneg @p1 vm1;
	vm2 =	vge.f32 v13, v11;
	v14 =	vxor.u32 $0x80000000, v13;
	(pc) =	sbr.rel @p0 .LBB2_8-.Ltmp3, $4  }
0x1b8: {  	v15 =	vxor.u32 $0xFFFFFFFF, v13;
	vm3 =	vlt.s32 v13, $0x0;
	vm2 =	vmand vm1, vm2  }
0x1b9: {  	v13 =	vsel vm3, v15, v14;
	v14 =	vsel vm2, $0x1, v2  }
0x1ba: {  	(xrf0) =	vadd.scan.msk.s32 $0xffff, v14  }
0x1bb: {  	s0 =	spop (v2sf)  }
0x1bc: {  	s0 =	sadd.s32 s5, s0  }
0x1bd: {  	v14 =	vmov s0  }
0x1be: {  	v14 =	vadd.s32 $0xFFFFFFFF, v14  }
0x1bf: {  	v14 =	vbroadcast v14, $0x0  }
0x1c0: {  	v15, _, _ =	vpop (xrf0)  }
0x1c1: {  	v14 =	vadd.s32 v15, v14  }
0x1c2: {  	vm3 =	vlt.s32 v14, $0x5000  }
0x1c3: {  	vm2 =	vmand vm2, vm3  }
0x1c4: {  	v21 =	vsel vm2, $0x1, v2  }
0x1c5: {  	(xrf0) =	vadd.scan.msk.s32 $0xffff, v21;
	_ =	sdelay $0x3  }
0x1c6: {  	v12 =	vld.idx.msk [tilespmem:v12+s16+$0x0], $0xffff;
	_ =	sdelay $0x1  }
0x1c7: {  	v15, _, _ =	vpop (xrf0)  }
0x1c8: {  	(v2sf) =	vpush v15, $0xF;
	_ =	sdelay $0x1  }
0x1c9: {  	v12 =	vsub.s32 v12, v0  }
0x1ca: {  	v12 =	vshll.u32 v12, $0x7  }
0x1cb: {  	v22 =	vor.u32 v1, v12;
	[tilespmem:v14+s20+$0x0] =	vst.idx.msk vm2, v13  }
0x1cc: {  	[tilespmem:v14+s21+$0x0] =	vst.idx.msk vm2, v22  }
0x1cd: {  	v13 =	vld [tilespmem:s31+$0xFFFFFFD0];
	_ =	sdelay $0x4  }
0x1ce: {  	vm2 =	vge.f32 v13, v11  }
0x1cf: {  	vm2 =	vmand vm1, vm2  }
0x1d0: {  	v23 =	vsel vm2, $0x1, v2  }
0x1d1: {  	(xrf0) =	vadd.scan.msk.s32 $0xffff, v23  }
0x1d2: {  	s1 =	spop (v2sf)  }
0x1d3: {  	s0 =	sadd.s32 s0, s1  }
0x1d4: {  	v24 =	vmov s0  }
0x1d5: {  	v14 =	vadd.s32 $0xFFFFFFFF, v24  }
0x1d6: {  	v14 =	vbroadcast v14, $0x0  }
0x1d7: {  	v25, _, _ =	vpop (xrf0)  }
0x1d8: {  	v14 =	vadd.s32 v25, v14  }
0x1d9: {  	vm3 =	vlt.s32 v14, $0x5000  }
0x1da: {  	vm2 =	vmand vm2, vm3  }
0x1db: {  	v26 =	vsel vm2, $0x1, v2  }
0x1dc: {  	(xrf0) =	vadd.scan.msk.s32 $0xffff, v26;
	_ =	sdelay $0x5  }
0x1dd: {  	v15, _, _ =	vpop (xrf0)  }
0x1de: {  	(v2sf) =	vpush v15, $0xF;
	_ =	sdelay $0x1  }
0x1df: {  	v27 =	vxor.u32 $0x80000000, v13;
	vm3 =	vlt.s32 v13, $0x0;
	v13 =	vxor.u32 $0xFFFFFFFF, v13  }
0x1e0: {  	v13 =	vsel vm3, v13, v27  }
0x1e1: {  	v28 =	vor.u32 v3, v12;
	[tilespmem:v14+s20+$0x0] =	vst.idx.msk vm2, v13  }
0x1e2: {  	[tilespmem:v14+s21+$0x0] =	vst.idx.msk vm2, v28  }
0x1e3: {  	v13 =	vld [tilespmem:s31+$0xFFFFFFE0];
	_ =	sdelay $0x4  }
0x1e4: {  	vm2 =	vge.f32 v13, v11  }
0x1e5: {  	vm2 =	vmand vm1, vm2  }
0x1e6: {  	v29 =	vsel vm2, $0x1, v2  }
0x1e7: {  	(xrf0) =	vadd.scan.msk.s32 $0xffff, v29  }
0x1e8: {  	s5 =	spop (v2sf)  }
0x1e9: {  	s0 =	sadd.s32 s0, s5  }
0x1ea: {  	v30 =	vmov s0  }
0x1eb: {  	v14 =	vadd.s32 $0xFFFFFFFF, v30  }
0x1ec: {  	v14 =	vbroadcast v14, $0x0  }
0x1ed: {  	v31, _, _ =	vpop (xrf0)  }
0x1ee: {  	v14 =	vadd.s32 v31, v14  }
0x1ef: {  	vm3 =	vlt.s32 v14, $0x5000  }
0x1f0: {  	vm2 =	vmand vm2, vm3  }
0x1f1: {  	v32 =	vsel vm2, $0x1, v2  }
0x1f2: {  	(xrf0) =	vadd.scan.msk.s32 $0xffff, v32;
	_ =	sdelay $0x5  }
0x1f3: {  	v15, _, _ =	vpop (xrf0)  }
0x1f4: {  	(v2sf) =	vpush v15, $0xF;
	_ =	sdelay $0x1  }
0x1f5: {  	v33 =	vxor.u32 $0x80000000, v13;
	vm3 =	vlt.s32 v13, $0x0;
	v13 =	vxor.u32 $0xFFFFFFFF, v13  }
0x1f6: {  	v13 =	vsel vm3, v13, v33  }
0x1f7: {  	v34 =	vor.u32 v4, v12;
	[tilespmem:v14+s20+$0x0] =	vst.idx.msk vm2, v13  }
0x1f8: {  	[tilespmem:v14+s21+$0x0] =	vst.idx.msk vm2, v34  }
0x1f9: {  	v13 =	vld [tilespmem:s31+$0xFFFFFFF0];
	_ =	sdelay $0x4  }
0x1fa: {  	vm2 =	vge.f32 v13, v11  }
0x1fb: {  	vm2 =	vmand vm1, vm2  }
0x1fc: {  	v35 =	vsel vm2, $0x1, v2  }
0x1fd: {  	(xrf0) =	vadd.scan.msk.s32 $0xffff, v35  }
0x1fe: {  	s6 =	spop (v2sf)  }
0x1ff: {  	s0 =	sadd.s32 s0, s6  }
0x200: {  	v36 =	vmov s0  }
0x201: {  	v14 =	vadd.s32 $0xFFFFFFFF, v36  }
0x202: {  	v14 =	vbroadcast v14, $0x0  }
0x203: {  	v37, _, _ =	vpop (xrf0)  }
0x204: {  	v14 =	vadd.s32 v37, v14  }
0x205: {  	vm3 =	vlt.s32 v14, $0x5000  }
0x206: {  	vm2 =	vmand vm2, vm3  }
0x207: {  	v38 =	vsel vm2, $0x1, v2  }
0x208: {  	(xrf0) =	vadd.scan.msk.s32 $0xffff, v38;
	_ =	sdelay $0x5  }
0x209: {  	v15, _, _ =	vpop (xrf0)  }
0x20a: {  	(v2sf) =	vpush v15, $0xF;
	_ =	sdelay $0x1  }
0x20b: {  	v39 =	vxor.u32 $0x80000000, v13;
	vm3 =	vlt.s32 v13, $0x0;
	v13 =	vxor.u32 $0xFFFFFFFF, v13  }
0x20c: {  	v13 =	vsel vm3, v13, v39  }
0x20d: {  	v40 =	vor.u32 v5, v12;
	[tilespmem:v14+s20+$0x0] =	vst.idx.msk vm2, v13  }
0x20e: {  	[tilespmem:v14+s21+$0x0] =	vst.idx.msk vm2, v40  }
0x20f: {  	v13 =	vld [tilespmem:s31+$0x0];
	_ =	sdelay $0x4  }
0x210: {  	vm2 =	vge.f32 v13, v11  }
0x211: {  	vm2 =	vmand vm1, vm2  }
0x212: {  	v41 =	vsel vm2, $0x1, v2  }
0x213: {  	(xrf0) =	vadd.scan.msk.s32 $0xffff, v41  }
0x214: {  	s5 =	spop (v2sf)  }
0x215: {  	s0 =	sadd.s32 s0, s5  }
0x216: {  	v42 =	vmov s0  }
0x217: {  	v14 =	vadd.s32 $0xFFFFFFFF, v42  }
0x218: {  	v14 =	vbroadcast v14, $0x0  }
0x219: {  	v43, _, _ =	vpop (xrf0)  }
0x21a: {  	v14 =	vadd.s32 v43, v14  }
0x21b: {  	vm3 =	vlt.s32 v14, $0x5000  }
0x21c: {  	vm2 =	vmand vm2, vm3  }
0x21d: {  	v44 =	vsel vm2, $0x1, v2  }
0x21e: {  	(xrf0) =	vadd.scan.msk.s32 $0xffff, v44;
	_ =	sdelay $0x5  }
0x21f: {  	v15, _, _ =	vpop (xrf0)  }
0x220: {  	(v2sf) =	vpush v15, $0xF;
	_ =	sdelay $0x1  }
0x221: {  	v45 =	vxor.u32 $0x80000000, v13;
	vm3 =	vlt.s32 v13, $0x0;
	v13 =	vxor.u32 $0xFFFFFFFF, v13  }
0x222: {  	v13 =	vsel vm3, v13, v45  }
0x223: {  	v46 =	vor.u32 v6, v12;
	[tilespmem:v14+s20+$0x0] =	vst.idx.msk vm2, v13  }
0x224: {  	[tilespmem:v14+s21+$0x0] =	vst.idx.msk vm2, v46  }
0x225: {  	v13 =	vld [tilespmem:s31+$0x10];
	_ =	sdelay $0x4  }
0x226: {  	vm2 =	vge.f32 v13, v11  }
0x227: {  	vm2 =	vmand vm1, vm2  }
0x228: {  	v47 =	vsel vm2, $0x1, v2  }
0x229: {  	(xrf0) =	vadd.scan.msk.s32 $0xffff, v47  }
0x22a: {  	s6 =	spop (v2sf)  }
0x22b: {  	s0 =	sadd.s32 s0, s6  }
0x22c: {  	v48 =	vmov s0  }
0x22d: {  	v14 =	vadd.s32 $0xFFFFFFFF, v48  }
0x22e: {  	v14 =	vbroadcast v14, $0x0  }
0x22f: {  	v49, _, _ =	vpop (xrf0)  }
0x230: {  	v14 =	vadd.s32 v49, v14  }
0x231: {  	vm3 =	vlt.s32 v14, $0x5000  }
0x232: {  	vm2 =	vmand vm2, vm3  }
0x233: {  	v50 =	vsel vm2, $0x1, v2  }
0x234: {  	(xrf0) =	vadd.scan.msk.s32 $0xffff, v50;
	_ =	sdelay $0x5  }
0x235: {  	v15, _, _ =	vpop (xrf0)  }
0x236: {  	(v2sf) =	vpush v15, $0xF;
	_ =	sdelay $0x1  }
0x237: {  	v51 =	vxor.u32 $0x80000000, v13;
	vm3 =	vlt.s32 v13, $0x0;
	v13 =	vxor.u32 $0xFFFFFFFF, v13  }
0x238: {  	v13 =	vsel vm3, v13, v51  }
0x239: {  	v52 =	vor.u32 v7, v12;
	[tilespmem:v14+s20+$0x0] =	vst.idx.msk vm2, v13  }
0x23a: {  	[tilespmem:v14+s21+$0x0] =	vst.idx.msk vm2, v52  }
0x23b: {  	v13 =	vld [tilespmem:s31+$0x20];
	_ =	sdelay $0x4  }
0x23c: {  	vm2 =	vge.f32 v13, v11  }
0x23d: {  	vm2 =	vmand vm1, vm2  }
0x23e: {  	v53 =	vsel vm2, $0x1, v2  }
0x23f: {  	(xrf0) =	vadd.scan.msk.s32 $0xffff, v53  }
0x240: {  	s5 =	spop (v2sf)  }
0x241: {  	s0 =	sadd.s32 s0, s5  }
0x242: {  	v54 =	vmov s0  }
0x243: {  	v14 =	vadd.s32 $0xFFFFFFFF, v54  }
0x244: {  	v14 =	vbroadcast v14, $0x0  }
0x245: {  	v55, _, _ =	vpop (xrf0)  }
0x246: {  	v14 =	vadd.s32 v55, v14  }
0x247: {  	vm3 =	vlt.s32 v14, $0x5000  }
0x248: {  	vm2 =	vmand vm2, vm3  }
0x249: {  	v56 =	vsel vm2, $0x1, v2  }
0x24a: {  	(xrf0) =	vadd.scan.msk.s32 $0xffff, v56;
	_ =	sdelay $0x5  }
0x24b: {  	v15, _, _ =	vpop (xrf0)  }
0x24c: {  	(v2sf) =	vpush v15, $0xF;
	_ =	sdelay $0x1  }
0x24d: {  	v57 =	vxor.u32 $0x80000000, v13;
	vm3 =	vlt.s32 v13, $0x0;
	v13 =	vxor.u32 $0xFFFFFFFF, v13  }
0x24e: {  	v13 =	vsel vm3, v13, v57  }
0x24f: {  	v58 =	vor.u32 v8, v12;
	[tilespmem:v14+s20+$0x0] =	vst.idx.msk vm2, v13  }
0x250: {  	[tilespmem:v14+s21+$0x0] =	vst.idx.msk vm2, v58  }
0x251: {  	v13 =	vld [tilespmem:s31+$0x30];
	_ =	sdelay $0x4  }
0x252: {  	vm2 =	vge.f32 v13, v11  }
0x253: {  	vm1 =	vmand vm1, vm2  }
0x254: {  	v59 =	vsel vm1, $0x1, v2  }
0x255: {  	(xrf0) =	vadd.scan.msk.s32 $0xffff, v59  }
0x256: {  	s6 =	spop (v2sf)  }
0x257: {  	s0 =	sadd.s32 s0, s6  }
0x258: {  	v60 =	vmov s0  }
0x259: {  	v14 =	vadd.s32 $0xFFFFFFFF, v60  }
0x25a: {  	v14 =	vbroadcast v14, $0x0  }
0x25b: {  	v61, _, _ =	vpop (xrf0)  }
0x25c: {  	v14 =	vadd.s32 v61, v14  }
0x25d: {  	vm2 =	vlt.s32 v14, $0x5000  }
0x25e: {  	vm1 =	vmand vm1, vm2  }
0x25f: {  	v62 =	vsel vm1, $0x1, v2  }
0x260: {  	(xrf0) =	vadd.scan.msk.s32 $0xffff, v62;
	_ =	sdelay $0x5  }
0x261: {  	v15, _, _ =	vpop (xrf0)  }
0x262: {  	(v2sf) =	vpush v15, $0xF;
	_ =	sdelay $0x9  }
0x263: {  	s29 =	sadd.s32 $0x10, s29  }
0x264: {  	p0 =	slt.s32 s29, s28  }
.Ltmp4:
0x265: {  	_ = 	snop;
	(pc) =	sbr.rel @p0 .LBB2_7-.Ltmp4, $4  }
0x266: {  	v63 =	vxor.u32 $0x80000000, v13;
	vm2 =	vlt.s32 v13, $0x0;
	v13 =	vxor.u32 $0xFFFFFFFF, v13  }
0x267: {  	v13 =	vsel vm2, v13, v63  }
0x268: {  	v12 =	vor.u32 v9, v12;
	[tilespmem:v14+s20+$0x0] =	vst.idx.msk vm1, v13;
	s31 =	spop (v2sf)  }
0x269: {  	[tilespmem:v14+s21+$0x0] =	vst.idx.msk vm1, v12;
	s1 =	sadd.s32 s0, s31  }
.LBB2_10:
0x26a: {  	s0 =	sadd.s32 $0xF, s1  }
0x26b: {  	s5 =	sand.u32 $0xF, s0  }
0x26c: {  	s31 =	sshra.s32 s0, $0x1F;
	p1 =	slt.s32 s0, $0x1;
	p0 =	sne.s32 s5, $0x0  }
.Ltmp5:
0x26d: {  	s5 =	sshrl.u32 s31, $0x1C;
	p0 =	por !p1, !p0;
	(pc) =	sbr.rel .LBB2_11-.Ltmp5, $4  }
0x26e: {  	s0 =	sadd.s32 s5, s0;
	s5 =	simm.s32 $0x1;
	p0 =	por !p0, !p0  }
0x26f: {  	s0 =	sshra.s32 s0, $0x4;
	s5 =	simm.s32 @!p0 $0x0  }
0x270: {  	s28 =	ssub.s32 s0, s5  }
0x271: {  	v11 =	vmov s1;
	s0 =	simm.s32 $0x0;
	p0 =	slt.s32 s28, $0x1  }
.LBB2_12:
0x272: {  	v12 =	vimm.s32 $0x80000000  }
.LBB2_16:
0x273: {  	(xrf0) =	vmax.scan.msk.u32 $0xffff, v12;
	_ =	sdelay $0x5  }
0x274: {  	v12, _, _ =	vpop (xrf0)  }
0x275: {  	(v2sf) =	vpush v12, $0xF;
	_ =	sdelay $0xa  }
0x276: {  	s0 =	sadd.s32 $0x1, s0  }
0x277: {  	p2 =	sne.s32 s0, $0x20  }
.Ltmp6:
0x278: {  	_ = 	snop;
	(pc) =	sbr.rel @!p2 .LBB2_17-.Ltmp6, $4  }
0x279: {  	_ = 	snop  }
0x27a: {  	s5 =	spop (v2sf)  }
0x27b: {  	p1 =	sgt.u32 s5, $0x800000FF  }
0x27c: {  	s26 =	smov.u32 @p1 s1  }
.LBB2_11:
.Ltmp7:
0x27d: {  	(pc) =	sbr.rel @p0 .LBB2_12-.Ltmp7, $3  }
0x27e: {  	_ =	sdelay $0x1  }
0x27f: {  	s1 =	sshrl.u32 s22, s0  }
0x280: {  	s1 =	sor.u32 s1, s26  }
0x281: {  	s5 =	simm.s32 $0x4680  }
0x282: {  	p1 =	sne.s32 s28, $0x1;
	v14 =	vld [tilespmem:s5+$0x0]  }
.Ltmp8:
0x283: {  	_ = 	snop;
	(pc) =	sbr.rel @!p1 .LBB2_15-.Ltmp8, $4  }
0x284: {  	_ = 	snop  }
0x285: {  	s5 =	simm.s32 $0x0  }
0x286: {  	v13 =	vmov s1;
	v15 =	vor.u32 s5, v1  }
0x287: {  	v12 =	vimm.s32 $0x0;
	s6 =	sadd.s32 $0xFFFFFFFF, s28;
	s29 =	simm.s32 $0x4690;
	vm1 =	vlt.s32 v15, v11;
	vm2 =	vge.u32 v14, v13  }
.LBB2_14:
0x288: {  	v14 =	vld [tilespmem:s29+$0x0];
	p1 =	sne.s32 s6, $0x1;
	s6 =	sadd.s32 $0xFFFFFFFF, s6;
	vm1 =	vmand vm1, vm2  }
.Ltmp9:
0x289: {  	v15 =	vmpcnt.ones.xlane vm1;
	(pc) =	sbr.rel @p1 .LBB2_14-.Ltmp9, $4  }
0x28a: {  	_ = 	snop  }
0x28b: {  	s5 =	sadd.s32 $0x10, s5;
	v12 =	vadd.s32 v12, v15  }
0x28c: {  	v15 =	vor.u32 s5, v1  }
0x28d: {  	s29 =	sadd.s32 $0x10, s29;
	vm1 =	vlt.s32 v15, v11;
	vm2 =	vge.u32 v14, v13  }
.LBB2_15:
.Ltmp10:
0x28e: {  	vm1 =	vmand vm1, vm2;
	(pc) =	sbr.rel .LBB2_16-.Ltmp10, $3  }
0x28f: {  	v13 =	vmpcnt.ones.xlane vm1;
	_ =	sdelay $0x1  }
0x290: {  	v12 =	vadd.s32 v12, v13  }
0x291: {  	v12 =	vxor.u32 $0x80000000, v12  }
.LBB2_17:
.Ltmp11:
0x292: {  	(pc) =	sbr.rel @p0 .LBB2_26-.Ltmp11, $1  }
0x293: {  	_ =	sdelay $0x3  }
0x294: {  	s5 =	simm.s32 $0x4680  }
0x295: {  	v13 =	vld [tilespmem:s5+$0x0];
	_ =	sdelay $0x2  }
0x296: {  	s1 =	simm.s32 $0x0  }
0x297: {  	v12 =	vmov s26;
	v14 =	vor.u32 s1, v1  }
0x298: {  	vm1 =	vlt.s32 v14, v11;
	vm2 =	vgt.u32 v13, v12  }
0x299: {  	vm2 =	vmand vm1, vm2  }
0x29a: {  	v14 =	vsel vm2, $0x1, v2  }
0x29b: {  	(xrf0) =	vadd.scan.msk.s32 $0xffff, v14;
	_ =	sdelay $0x5  }
0x29c: {  	v15 =	vimm.s32 $0x0;
	v14, _, _ =	vpop (xrf0)  }
0x29d: {  	v14 =	vadd.s32 v14, v15  }
0x29e: {  	v14 =	vadd.s32 $0xFFFFFFFF, v14  }
0x29f: {  	p1 =	sne.s32 s28, $0x1  }
.Ltmp12:
0x2a0: {  	_ = 	snop;
	(pc) =	sbr.rel @!p1 .LBB2_20-.Ltmp12, $4  }
0x2a1: {  	_ = 	snop  }
0x2a2: {  	v16 =	vmpcnt.ones.xlane vm2  }
0x2a3: {  	s0 =	simm.s32 $0x9680;
	s26 =	sadd.s32 $0xFFFFFFFF, s28;
	[tilespmem:v14+s23+$0x0] =	vst.idx.msk vm2, v13  }
0x2a4: {  	s29 =	simm.s32 $0x4680;
	s31 =	simm.s32 $0x9680;
	s6 =	simm.s32 $0x0;
	v13 =	vadd.s32 v15, v16;
	v15 =	vld [tilespmem:s0+$0x0]  }
.LBB2_19:
0x2a5: {  	_ =	sdelay $0x3  }
0x2a6: {  	s29 =	sadd.s32 $0x10, s29;
	s31 =	sadd.s32 $0x10, s31;
	s6 =	sadd.s32 $0x10, s6;
	[tilespmem:v14+s24+$0x0] =	vst.idx.msk vm2, v15;
	v14 =	vmov v13  }
0x2a7: {  	p0 =	sne.s32 s26, $0x1;
	s26 =	sadd.s32 $0xFFFFFFFF, s26;
	v15 =	vld [tilespmem:s29+$0x0];
	_ =	sdelay $0x3  }
0x2a8: {  	v16 =	vor.u32 s6, v1  }
0x2a9: {  	vm2 =	vlt.s32 v16, v11;
	vm3 =	vgt.u32 v15, v12  }
0x2aa: {  	vm2 =	vmand vm2, vm3  }
0x2ab: {  	v16 =	vsel vm2, $0x1, v2;
	v17 =	vmpcnt.ones.xlane vm2  }
0x2ac: {  	(xrf0) =	vadd.scan.msk.s32 $0xffff, v16  }
0x2ad: {  	v13 =	vadd.s32 v13, v17;
	_ =	sdelay $0x4  }
0x2ae: {  	v16, _, _ =	vpop (xrf0)  }
0x2af: {  	v14 =	vadd.s32 v16, v14  }
0x2b0: {  	v14 =	vadd.s32 $0xFFFFFFFF, v14;
	_ =	sdelay $0x1  }
.Ltmp13:
0x2b1: {  	(pc) =	sbr.rel @p0 .LBB2_19-.Ltmp13, $3  }
0x2b2: {  	_ =	sdelay $0x1  }
0x2b3: {  	[tilespmem:v14+s23+$0x0] =	vst.idx.msk vm2, v15  }
0x2b4: {  	v15 =	vld [tilespmem:s31+$0x0]  }
.LBB2_20:
0x2b5: {  	_ =	sdelay $0x1  }
.Ltmp14:
0x2b6: {  	_ = 	snop;
	(pc) =	sbr.rel @!p1 .LBB2_21-.Ltmp14, $3  }
0x2b7: {  	_ =	sdelay $0x1  }
0x2b8: {  	[tilespmem:v14+s24+$0x0] =	vst.idx.msk vm2, v15  }
0x2b9: {  	p0 =	por $0x0, $0x0;
	v14 =	vld [tilespmem:s5+$0x0];
	s5 =	sadd.s32 $0xFFFFFFFF, s28  }
0x2ba: {  	_ =	sdelay $0x3  }
0x2bb: {  	vm2 =	veq.s32 v14, v12  }
0x2bc: {  	vm1 =	vmand vm1, vm2  }
0x2bd: {  	v15 =	vsel vm1, $0x1, v2  }
0x2be: {  	(xrf0) =	vadd.scan.msk.s32 $0xffff, v15;
	_ =	sdelay $0x5  }
0x2bf: {  	v15, _, _ =	vpop (xrf0)  }
0x2c0: {  	v15 =	vadd.s32 v15, v13  }
0x2c1: {  	v15 =	vadd.s32 $0xFFFFFFFF, v15  }
0x2c2: {  	vm2 =	vlt.s32 v15, $0x100  }
0x2c3: {  	vm1 =	vmand vm1, vm2;
	_ =	sdelay $0x5  }
0x2c4: {  	[tilespmem:v15+s23+$0x0] =	vst.idx.msk vm1, v14  }
0x2c5: {  	v14 =	vld [tilespmem:s0+$0x0]  }
0x2c6: {  	p1 =	sne.s32 s5, $0x1  }
.Ltmp15:
0x2c7: {  	_ = 	snop;
	(pc) =	sbr.rel @!p1 .LBB2_23-.Ltmp15, $4  }
0x2c8: {  	_ = 	snop  }
0x2c9: {  	v16 =	vmpcnt.ones.xlane vm1  }
0x2ca: {  	s28 =	simm.s32 $0x4690;
	s29 =	sadd.s32 $0xFFFFFFFF, s5;
	[tilespmem:v15+s24+$0x0] =	vst.idx.msk vm1, v14  }
0x2cb: {  	p0 =	por $0x1, $0x1;
	s26 =	simm.s32 $0x0;
	s5 =	simm.s32 $0x9680;
	v13 =	vadd.s32 v13, v16;
	v14 =	vld [tilespmem:s28+$0x0]  }
.LBB2_24:
0x2cc: {  	p1 =	sne.s32 s29, $0x1;
	_ =	sdelay $0x1  }
0x2cd: {  	s26 =	sadd.s32 $0x10, s26  }
0x2ce: {  	v15 =	vor.u32 s26, v1  }
0x2cf: {  	vm1 =	vlt.s32 v15, v11;
	vm2 =	veq.s32 v14, v12  }
0x2d0: {  	vm1 =	vmand vm1, vm2  }
0x2d1: {  	v15 =	vsel vm1, $0x1, v2  }
0x2d2: {  	(xrf0) =	vadd.scan.msk.s32 $0xffff, v15;
	_ =	sdelay $0x5  }
0x2d3: {  	v15, _, _ =	vpop (xrf0)  }
0x2d4: {  	v15 =	vadd.s32 v15, v13  }
0x2d5: {  	v15 =	vadd.s32 $0xFFFFFFFF, v15  }
0x2d6: {  	vm2 =	vlt.s32 v15, $0x100  }
0x2d7: {  	vm1 =	vmand vm1, vm2  }
0x2d8: {  	v16 =	vmpcnt.ones.xlane vm1;
	_ =	sdelay $0x1  }
0x2d9: {  	v13 =	vadd.s32 v13, v16;
	_ =	sdelay $0x2  }
0x2da: {  	s5 =	sadd.s32 $0x10, s5;
	[tilespmem:v15+s23+$0x0] =	vst.idx.msk vm1, v14  }
0x2db: {  	v14 =	vld [tilespmem:s5+$0x0];
	_ =	sdelay $0x1  }
.Ltmp16:
0x2dc: {  	(pc) =	sbr.rel @p1 .LBB2_24-.Ltmp16, $3  }
0x2dd: {  	_ =	sdelay $0x1  }
0x2de: {  	s28 =	sadd.s32 $0x10, s28;
	[tilespmem:v15+s24+$0x0] =	vst.idx.msk vm1, v14  }
0x2df: {  	s29 =	sadd.s32 $0xFFFFFFFF, s29;
	v14 =	vld [tilespmem:s28+$0x0]  }
.LBB2_25:
0x2e0: {  	_ = 	snop  }
0x2e1: {  	s6 =	sadd.s32 @p0 $0x10, s26  }
0x2e2: {  	s1 =	smov.u32 @p0 s6  }
0x2e3: {  	v15 =	vor.u32 s1, v1  }
0x2e4: {  	vm1 =	vlt.s32 v15, v11;
	vm2 =	veq.s32 v14, v12  }
0x2e5: {  	vm1 =	vmand vm1, vm2  }
0x2e6: {  	v11 =	vsel vm1, $0x1, v2  }
0x2e7: {  	(xrf0) =	vadd.scan.msk.s32 $0xffff, v11;
	_ =	sdelay $0x5  }
0x2e8: {  	v11, _, _ =	vpop (xrf0)  }
0x2e9: {  	v11 =	vadd.s32 v11, v13  }
0x2ea: {  	v11 =	vadd.s32 $0xFFFFFFFF, v11  }
0x2eb: {  	vm2 =	vlt.s32 v11, $0x100  }
0x2ec: {  	vm1 =	vmand vm1, vm2;
	_ =	sdelay $0x4  }
0x2ed: {  	s1 =	sadd.s32 @p0 $0x10, s5  }
0x2ee: {  	s0 =	smov.u32 @p0 s1;
	[tilespmem:v11+s23+$0x0] =	vst.idx.msk vm1, v14  }
0x2ef: {  	v63 =	vld [tilespmem:s0+$0x0];
	_ =	sdelay $0x4  }
0x2f0: {  	[tilespmem:v11+s24+$0x0] =	vst.idx.msk vm1, v63  }
.LBB2_26:
0x2f1: {  	s0 =	simm.s32 $0x0;
	s1 =	simm.s32 $0x0  }
.LBB2_27:
0x2f2: {  	v13 =	vmov s1;
	_ =	sdelay $0x2  }
0x2f3: {  	s5 =	simm.s32 $0xE680  }
0x2f4: {  	v15 =	vld [tilespmem:s5+$0x0]  }
0x2f5: {  	v14 =	vld.idx.msk [tilespmem:v13+s5+$0x0], $0xffff;
	_ =	sdelay $0x2  }
0x2f6: {  	v16 =	vor.u32 s0, v1  }
0x2f7: {  	v12 =	vimm.s32 $0x0;
	vm3 =	vlt.u32 v16, v13  }
0x2f8: {  	s6 =	simm.s32 $0xE690;
	v11 =	vld.idx.msk [tilespmem:v13+s24+$0x0], $0xffff;
	s5 =	simm.s32 $0x10;
	vm1 =	vgt.u32 v15, v14;
	vm2 =	veq.s32 v15, v14;
	v15 =	vimm.s32 $0x0  }
.LBB2_28:
0x2f9: {  	v16 =	vld [tilespmem:s6+$0x0];
	p0 =	sne.s32 s5, $0xF0;
	vm2 =	vmand vm3, vm2;
	v17 =	vmpcnt.ones.xlane vm1;
	s26 =	smov.u32 s5;
	s5 =	sadd.s32 $0x10, s5  }
.Ltmp17:
0x2fa: {  	v18 =	vmpcnt.ones.xlane vm2;
	(pc) =	sbr.rel @p0 .LBB2_28-.Ltmp17, $4  }
0x2fb: {  	v12 =	vadd.s32 v12, v17  }
0x2fc: {  	v15 =	vadd.s32 v15, v18  }
0x2fd: {  	v17 =	vor.u32 s26, v1  }
0x2fe: {  	s6 =	sadd.s32 $0x10, s6;
	vm3 =	vlt.u32 v17, v13;
	vm1 =	vgt.u32 v16, v14;
	vm2 =	veq.s32 v16, v14  }
0x2ff: {  	vm2 =	vmand vm3, vm2  }
0x300: {  	v13 =	vmpcnt.ones.xlane vm1;
	v14 =	vmpcnt.ones.xlane vm2;
	_ =	sdelay $0x1  }
0x301: {  	s1 =	sadd.s32 $0x1, s1;
	v12 =	vadd.s32 v12, v13;
	v63 =	vadd.s32 v15, v14  }
0x302: {  	p0 =	sne.s32 s1, $0x100;
	v12 =	vadd.s32 v12, v63  }
.Ltmp18:
0x303: {  	_ = 	snop;
	(pc) =	sbr.rel @p0 .LBB2_27-.Ltmp18, $2  }
0x304: {  	_ =	sdelay $0x2  }
0x305: {  	[tilespmem:v12+s25+$0x0] =	vst.idx.msk $0x1, v11  }
0x306: {  	v11 =	vld [tilespmem:$0xE880]  }
0x307: {  	v12 =	vld [tilespmem:$0xE890]  }
0x308: {  	v13 =	vld [tilespmem:$0xE8A0]  }
0x309: {  	v14 =	vld [tilespmem:$0xE8B0]  }
0x30a: {  	v15 =	vld [tilespmem:$0xE8C0]  }
0x30b: {  	v16 =	vld [tilespmem:$0xE8D0];
	v11 =	vshra.s32 v11, $0x1  }
0x30c: {  	[tilespmem:$0xE580] =	vst v11;
	v11 =	vshra.s32 v12, $0x1;
	v12 =	vld [tilespmem:$0xE8E0]  }
0x30d: {  	[tilespmem:$0xE590] =	vst v11;
	v11 =	vshra.s32 v13, $0x1;
	v13 =	vld [tilespmem:$0xE8F0]  }
0x30e: {  	[tilespmem:$0xE5A0] =	vst v11;
	v11 =	vshra.s32 v14, $0x1;
	v14 =	vld [tilespmem:$0xE900]  }
0x30f: {  	[tilespmem:$0xE5B0] =	vst v11;
	v11 =	vshra.s32 v15, $0x1;
	v15 =	vld [tilespmem:$0xE910]  }
0x310: {  	v62 =	vld [tilespmem:$0xE920];
	[tilespmem:$0xE5C0] =	vst v11;
	v11 =	vshra.s32 v16, $0x1  }
0x311: {  	[tilespmem:$0xE5D0] =	vst v11;
	v11 =	vshra.s32 v12, $0x1;
	v12 =	vld [tilespmem:$0xE930]  }
0x312: {  	[tilespmem:$0xE5E0] =	vst v11;
	v11 =	vshra.s32 v13, $0x1;
	v13 =	vld [tilespmem:$0xE940]  }
0x313: {  	[tilespmem:$0xE5F0] =	vst v11;
	v11 =	vshra.s32 v14, $0x1;
	v14 =	vld [tilespmem:$0xE950]  }
0x314: {  	[tilespmem:$0xE600] =	vst v11;
	v11 =	vshra.s32 v15, $0x1;
	v15 =	vld [tilespmem:$0xE960]  }
0x315: {  	v63 =	vld [tilespmem:$0xE970];
	[tilespmem:$0xE610] =	vst v11;
	v11 =	vshra.s32 v62, $0x1  }
0x316: {  	[tilespmem:$0xE620] =	vst v11;
	v11 =	vshra.s32 v12, $0x1  }
0x317: {  	[tilespmem:$0xE630] =	vst v11;
	v11 =	vshra.s32 v13, $0x1  }
0x318: {  	[tilespmem:$0xE640] =	vst v11;
	v11 =	vshra.s32 v14, $0x1  }
0x319: {  	[tilespmem:$0xE650] =	vst v11;
	v11 =	vshra.s32 v15, $0x1  }
0x31a: {  	s0 =	rddreg [dreg:$0x3];
	[tilespmem:$0xE660] =	vst v11;
	v11 =	vshra.s32 v63, $0x1  }
0x31b: {  	s1 =	simm.s32 $0x100;
	s5 =	simm.s32 $0xE580;
	s6 =	simm.s32 $0xE980;
	[tilespmem:$0xE670] =	vst v11  }
0x31c: {  	[tilespmem:s6], [sflag:$0x1] =	stream.indirect.gather [hbm4b:s0+s1], $0x80, s5, s1, $0xb8;
	[tilespmem:$0x1EC00] =	vst v63  }
0x31d: {  	_ =	swait.ge [sflag:s19], $0x8000  }
0x31e: {  	[sflag:s19] =	ssyncset.done $0x0  }
0x31f: {  	s28 =	simm.s32 $0x0;
	[sflag:s19] =	ssyncadd.s32 $0xFFFF8000  }
0x320: {  	[tilespmem:s30], [sflag:$0x2] =	stream.linear.gather [hbm4b:s8+s28], $0x40, $0x38;
	[tilespmem:$0x1EC00] =	vst v63  }
0x321: {  	_ =	swait.ge [sflag:s14], $0x40  }
0x322: {  	[sflag:s14] =	ssyncset.done $0x0  }
0x323: {  	s29 =	simm.s32 $0x1E9C0;
	[sflag:s14] =	ssyncadd.s32 $0xFFFFFFC0  }
0x324: {  	[tilespmem:s29], [sflag:$0x2] =	stream.linear.gather [hbm4b:s9+s28], $0x40, $0x38;
	[tilespmem:$0x1EC00] =	vst v63  }
0x325: {  	_ =	swait.ge [sflag:s14], $0x40  }
0x326: {  	[sflag:s14] =	ssyncset.done $0x0  }
0x327: {  	s31 =	simm.s32 $0x1EA00;
	[sflag:s14] =	ssyncadd.s32 $0xFFFFFFC0  }
0x328: {  	[tilespmem:s31], [sflag:$0x2] =	stream.linear.gather [hbm4b:s10+s28], $0x40, $0x38;
	[tilespmem:$0x1EC00] =	vst v63  }
0x329: {  	_ =	swait.ge [sflag:s14], $0x40  }
0x32a: {  	[sflag:s14] =	ssyncset.done $0x0  }
0x32b: {  	[sflag:s14] =	ssyncadd.s32 $0xFFFFFFC0  }
0x32c: {  	[tilespmem:$0x1EA40] =	vst v10  }
0x32d: {  	[tilespmem:$0x1EA80] =	vst v10  }
0x32e: {  	[tilespmem:$0x1EA50] =	vst v10  }
0x32f: {  	v11 =	vmov s28;
	[tilespmem:$0x1EA90] =	vst v10  }
0x330: {  	[tilespmem:$0x1EA60] =	vst v10  }
0x331: {  	[tilespmem:$0x1EAA0] =	vst v10;
	v12 =	vld [tilespmem:$0x1EA00]  }
0x332: {  	[tilespmem:$0x1EA70] =	vst v10  }
0x333: {  	[tilespmem:$0x1EAB0] =	vst v10  }
0x334: {  	s0 =	simm.s32 $0xE9C0;
	v11 =	vld.idx.msk [tilespmem:v11+s25+$0x0], $0xffff  }
0x335: {  	v13 =	vld [tilespmem:s0+$0x0]  }
0x336: {  	v14 =	vld [tilespmem:s0+$0xFFFFFFC0];
	v12 =	vadd.f32 v12, v12  }
0x337: {  	v15 =	vld [tilespmem:$0x1E9C0]  }
0x338: {  	(erf) = vrcp.f32 v12  }
0x339: {  	v11 =	vand.u32 $0x1, v11  }
0x33a: {  	vm1 =	veq.s32 v11, $0x0  }
0x33b: {  	v11 =	vsel vm1, v14, v13  }
0x33c: {  	v11 =	vsub.f32 v11, v15;
	_ =	sdelay $0x1  }
0x33d: {  	v11 =	vmul.f32 v11, v11;
	_ =	sdelay $0x1  }
0x33e: {  	v11 =	vsub.f32 $0.0e+00, v11  }
0x33f: {  	v12 =	vpop (erf)  }
0x340: {  	v11 =	vmul.f32 v12, v11;
	_ =	sdelay $0x1  }
0x341: {  	v11 =	vmul.f32 $1.442695020e+00, v11;
	_ =	sdelay $0x1  }
0x342: {  	(erf) = vpow2.f32 v11;
	_ =	sdelay $0x8  }
0x343: {  	s1 =	simm.s32 $0x169A0;
	v11 =	vpop (erf)  }
0x344: {  	[tilespmem:s1+$0xFFFFFFE0] =	vst v11  }
0x345: {  	v12 =	vld [tilespmem:$0x1EA40]  }
0x346: {  	v13 =	vld [tilespmem:$0x1EA80];
	_ =	sdelay $0x3  }
0x347: {  	v14 =	vld [tilespmem:$0x1EA10]  }
0x348: {  	v12 =	vadd.f32 v11, v12;
	v11 =	vmax.f32 v13, v11  }
0x349: {  	[tilespmem:$0x1EA80] =	vst v11  }
0x34a: {  	[tilespmem:$0x1EA40] =	vst v12  }
0x34b: {  	v11 =	vld [tilespmem:s0+$0xFFFFFFD0]  }
0x34c: {  	v13 =	vadd.f32 v14, v14;
	v12 =	vld [tilespmem:s0+$0x10]  }
0x34d: {  	v14 =	vld [tilespmem:$0x1E9D0]  }
0x34e: {  	(erf) = vrcp.f32 v13;
	_ =	sdelay $0x2  }
0x34f: {  	v11 =	vsel vm1, v11, v12  }
0x350: {  	v11 =	vsub.f32 v11, v14;
	_ =	sdelay $0x1  }
0x351: {  	v11 =	vmul.f32 v11, v11;
	_ =	sdelay $0x1  }
0x352: {  	v11 =	vsub.f32 $0.0e+00, v11  }
0x353: {  	v12 =	vpop (erf)  }
0x354: {  	v11 =	vmul.f32 v12, v11;
	_ =	sdelay $0x1  }
0x355: {  	v11 =	vmul.f32 $1.442695020e+00, v11;
	_ =	sdelay $0x1  }
0x356: {  	(erf) = vpow2.f32 v11;
	_ =	sdelay $0x8  }
0x357: {  	v11 =	vpop (erf)  }
0x358: {  	[tilespmem:s1+$0xFFFFFFF0] =	vst v11  }
0x359: {  	v12 =	vld [tilespmem:$0x1EA50]  }
0x35a: {  	v13 =	vld [tilespmem:$0x1EA90];
	_ =	sdelay $0x3  }
0x35b: {  	v14 =	vld [tilespmem:$0x1EA20]  }
0x35c: {  	v12 =	vadd.f32 v11, v12;
	v11 =	vmax.f32 v13, v11  }
0x35d: {  	[tilespmem:$0x1EA90] =	vst v11  }
0x35e: {  	[tilespmem:$0x1EA50] =	vst v12  }
0x35f: {  	v11 =	vld [tilespmem:s0+$0xFFFFFFE0]  }
0x360: {  	v13 =	vadd.f32 v14, v14;
	v12 =	vld [tilespmem:s0+$0x20]  }
0x361: {  	v14 =	vld [tilespmem:$0x1E9E0]  }
0x362: {  	(erf) = vrcp.f32 v13;
	_ =	sdelay $0x2  }
0x363: {  	v11 =	vsel vm1, v11, v12  }
0x364: {  	v11 =	vsub.f32 v11, v14;
	_ =	sdelay $0x1  }
0x365: {  	v11 =	vmul.f32 v11, v11;
	_ =	sdelay $0x1  }
0x366: {  	v11 =	vsub.f32 $0.0e+00, v11  }
0x367: {  	v12 =	vpop (erf)  }
0x368: {  	v11 =	vmul.f32 v12, v11;
	_ =	sdelay $0x1  }
0x369: {  	v11 =	vmul.f32 $1.442695020e+00, v11;
	_ =	sdelay $0x1  }
0x36a: {  	(erf) = vpow2.f32 v11;
	_ =	sdelay $0x8  }
0x36b: {  	v11 =	vpop (erf)  }
0x36c: {  	[tilespmem:s1+$0x0] =	vst v11  }
0x36d: {  	v12 =	vld [tilespmem:$0x1EA60]  }
0x36e: {  	v13 =	vld [tilespmem:$0x1EAA0];
	_ =	sdelay $0x3  }
0x36f: {  	v14 =	vld [tilespmem:$0x1EA30]  }
0x370: {  	v12 =	vadd.f32 v11, v12;
	v11 =	vmax.f32 v13, v11  }
0x371: {  	[tilespmem:$0x1EAA0] =	vst v11  }
0x372: {  	[tilespmem:$0x1EA60] =	vst v12  }
0x373: {  	v11 =	vld [tilespmem:s0+$0xFFFFFFF0]  }
0x374: {  	v12 =	vadd.f32 v14, v14;
	v13 =	vld [tilespmem:s0+$0x30]  }
0x375: {  	v14 =	vld [tilespmem:$0x1E9F0]  }
0x376: {  	(erf) = vrcp.f32 v12;
	_ =	sdelay $0x2  }
0x377: {  	v11 =	vsel vm1, v11, v13  }
0x378: {  	v11 =	vsub.f32 v11, v14;
	_ =	sdelay $0x1  }
0x379: {  	v11 =	vmul.f32 v11, v11;
	_ =	sdelay $0x1  }
0x37a: {  	v11 =	vsub.f32 $0.0e+00, v11  }
0x37b: {  	v12 =	vpop (erf)  }
0x37c: {  	v11 =	vmul.f32 v12, v11;
	_ =	sdelay $0x1  }
0x37d: {  	v11 =	vmul.f32 $1.442695020e+00, v11;
	_ =	sdelay $0x1  }
0x37e: {  	(erf) = vpow2.f32 v11;
	_ =	sdelay $0x8  }
0x37f: {  	v11 =	vpop (erf)  }
0x380: {  	[tilespmem:s1+$0x10] =	vst v11  }
0x381: {  	s26 =	simm.s32 $0x1;
	v12 =	vld [tilespmem:$0x1EA70]  }
.LBB2_31:
0x382: {  	p0 =	sne.s32 s26, $0xFF;
	v13 =	vld [tilespmem:$0x1EAB0];
	s0 =	sadd.s32 $0x80, s0;
	s1 =	sadd.s32 $0x80, s1  }
0x383: {  	s5 =	smov.u32 s26;
	s26 =	sadd.s32 $0x1, s26;
	_ =	sdelay $0x1  }
0x384: {  	v14 =	vmov s5  }
0x385: {  	v12 =	vadd.f32 v11, v12  }
0x386: {  	v11 =	vmax.f32 v13, v11  }
0x387: {  	v13 =	vld [tilespmem:$0x1EA00];
	[tilespmem:$0x1EA70] =	vst v12  }
0x388: {  	[tilespmem:$0x1EAB0] =	vst v11  }
0x389: {  	v11 =	vld.idx.msk [tilespmem:v14+s25+$0x0], $0xffff;
	_ =	sdelay $0x1  }
0x38a: {  	v12 =	vld [tilespmem:s0+$0x0]  }
0x38b: {  	v14 =	vld [tilespmem:s0+$0xFFFFFFC0];
	v13 =	vadd.f32 v13, v13  }
0x38c: {  	v15 =	vld [tilespmem:$0x1E9C0]  }
0x38d: {  	(erf) = vrcp.f32 v13  }
0x38e: {  	v11 =	vand.u32 $0x1, v11  }
0x38f: {  	vm1 =	veq.s32 v11, $0x0  }
0x390: {  	v11 =	vsel vm1, v14, v12  }
0x391: {  	v11 =	vsub.f32 v11, v15;
	_ =	sdelay $0x1  }
0x392: {  	v11 =	vmul.f32 v11, v11;
	_ =	sdelay $0x1  }
0x393: {  	v11 =	vsub.f32 $0.0e+00, v11  }
0x394: {  	v12 =	vpop (erf)  }
0x395: {  	v11 =	vmul.f32 v12, v11;
	_ =	sdelay $0x1  }
0x396: {  	v11 =	vmul.f32 $1.442695020e+00, v11;
	_ =	sdelay $0x1  }
0x397: {  	(erf) = vpow2.f32 v11;
	_ =	sdelay $0x8  }
0x398: {  	v11 =	vpop (erf)  }
0x399: {  	[tilespmem:s1+$0xFFFFFFE0] =	vst v11  }
0x39a: {  	v12 =	vld [tilespmem:$0x1EA40]  }
0x39b: {  	v13 =	vld [tilespmem:$0x1EA80];
	_ =	sdelay $0x3  }
0x39c: {  	v12 =	vadd.f32 v11, v12;
	v14 =	vld [tilespmem:$0x1EA10]  }
0x39d: {  	v11 =	vmax.f32 v13, v11  }
0x39e: {  	[tilespmem:$0x1EA40] =	vst v12  }
0x39f: {  	[tilespmem:$0x1EA80] =	vst v11  }
0x3a0: {  	v11 =	vld [tilespmem:s0+$0xFFFFFFD0]  }
0x3a1: {  	v12 =	vld [tilespmem:s0+$0x10];
	v13 =	vadd.f32 v14, v14  }
0x3a2: {  	v14 =	vld [tilespmem:$0x1E9D0]  }
0x3a3: {  	(erf) = vrcp.f32 v13;
	_ =	sdelay $0x2  }
0x3a4: {  	v11 =	vsel vm1, v11, v12  }
0x3a5: {  	v11 =	vsub.f32 v11, v14;
	_ =	sdelay $0x1  }
0x3a6: {  	v11 =	vmul.f32 v11, v11;
	_ =	sdelay $0x1  }
0x3a7: {  	v11 =	vsub.f32 $0.0e+00, v11  }
0x3a8: {  	v12 =	vpop (erf)  }
0x3a9: {  	v11 =	vmul.f32 v12, v11;
	_ =	sdelay $0x1  }
0x3aa: {  	v11 =	vmul.f32 $1.442695020e+00, v11;
	_ =	sdelay $0x1  }
0x3ab: {  	(erf) = vpow2.f32 v11;
	_ =	sdelay $0x8  }
0x3ac: {  	v11 =	vpop (erf)  }
0x3ad: {  	[tilespmem:s1+$0xFFFFFFF0] =	vst v11  }
0x3ae: {  	v12 =	vld [tilespmem:$0x1EA50]  }
0x3af: {  	v13 =	vld [tilespmem:$0x1EA90];
	_ =	sdelay $0x3  }
0x3b0: {  	v12 =	vadd.f32 v11, v12;
	v14 =	vld [tilespmem:$0x1EA20]  }
0x3b1: {  	v11 =	vmax.f32 v13, v11  }
0x3b2: {  	[tilespmem:$0x1EA50] =	vst v12  }
0x3b3: {  	[tilespmem:$0x1EA90] =	vst v11  }
0x3b4: {  	v11 =	vld [tilespmem:s0+$0xFFFFFFE0]  }
0x3b5: {  	v12 =	vld [tilespmem:s0+$0x20];
	v13 =	vadd.f32 v14, v14  }
0x3b6: {  	v14 =	vld [tilespmem:$0x1E9E0]  }
0x3b7: {  	(erf) = vrcp.f32 v13;
	_ =	sdelay $0x2  }
0x3b8: {  	v11 =	vsel vm1, v11, v12  }
0x3b9: {  	v11 =	vsub.f32 v11, v14;
	_ =	sdelay $0x1  }
0x3ba: {  	v11 =	vmul.f32 v11, v11;
	_ =	sdelay $0x1  }
0x3bb: {  	v11 =	vsub.f32 $0.0e+00, v11  }
0x3bc: {  	v12 =	vpop (erf)  }
0x3bd: {  	v11 =	vmul.f32 v12, v11;
	_ =	sdelay $0x1  }
0x3be: {  	v11 =	vmul.f32 $1.442695020e+00, v11;
	_ =	sdelay $0x1  }
0x3bf: {  	(erf) = vpow2.f32 v11;
	_ =	sdelay $0x8  }
0x3c0: {  	v11 =	vpop (erf)  }
0x3c1: {  	[tilespmem:s1+$0x0] =	vst v11  }
0x3c2: {  	v12 =	vld [tilespmem:$0x1EA60]  }
0x3c3: {  	v13 =	vld [tilespmem:$0x1EAA0]  }
0x3c4: {  	v14 =	vld [tilespmem:$0x1EA30]  }
0x3c5: {  	v15 =	vld [tilespmem:$0x1E9F0];
	_ =	sdelay $0x1  }
0x3c6: {  	v12 =	vadd.f32 v11, v12  }
0x3c7: {  	v11 =	vmax.f32 v13, v11  }
0x3c8: {  	[tilespmem:$0x1EA60] =	vst v12;
	v12 =	vadd.f32 v14, v14  }
0x3c9: {  	[tilespmem:$0x1EAA0] =	vst v11  }
0x3ca: {  	v11 =	vld [tilespmem:s0+$0xFFFFFFF0]  }
0x3cb: {  	v13 =	vld [tilespmem:s0+$0x30]  }
0x3cc: {  	(erf) = vrcp.f32 v12;
	_ =	sdelay $0x3  }
0x3cd: {  	v11 =	vsel vm1, v11, v13  }
0x3ce: {  	v11 =	vsub.f32 v11, v15;
	_ =	sdelay $0x1  }
0x3cf: {  	v11 =	vmul.f32 v11, v11;
	_ =	sdelay $0x1  }
0x3d0: {  	v11 =	vsub.f32 $0.0e+00, v11;
	v12 =	vpop (erf);
	_ =	sdelay $0x1  }
0x3d1: {  	v11 =	vmul.f32 v12, v11;
	_ =	sdelay $0x1  }
0x3d2: {  	v11 =	vmul.f32 $1.442695020e+00, v11;
	_ =	sdelay $0x1  }
0x3d3: {  	(erf) = vpow2.f32 v11;
	_ =	sdelay $0x6  }
.Ltmp19:
0x3d4: {  	(pc) =	sbr.rel @p0 .LBB2_31-.Ltmp19, $4  }
0x3d5: {  	_ = 	snop  }
0x3d6: {  	v11 =	vpop (erf)  }
0x3d7: {  	[tilespmem:s1+$0x10] =	vst v11  }
0x3d8: {  	v12 =	vld [tilespmem:$0x1EA70]  }
0x3d9: {  	v13 =	vld [tilespmem:$0x1EA40]  }
0x3da: {  	v14 =	vld [tilespmem:$0x1EA50]  }
0x3db: {  	v15 =	vld [tilespmem:$0x1EA60];
	_ =	sdelay $0x2  }
0x3dc: {  	v13 =	vmax.f32 v13, $9.999999930e-09  }
0x3dd: {  	v12 =	vadd.f32 v11, v12;
	v14 =	vmax.f32 v14, $9.999999930e-09;
	(erf) = vrcp.f32 v13  }
0x3de: {  	v15 =	vmax.f32 v15, $9.999999930e-09;
	(erf) = vrcp.f32 v14  }
0x3df: {  	v16 =	vmax.f32 v12, $9.999999930e-09;
	(erf) = vrcp.f32 v15  }
0x3e0: {  	(erf) = vrcp.f32 v16  }
0x3e1: {  	v17 =	vld [tilespmem:$0x1EAB0]  }
0x3e2: {  	v18 =	vld [tilespmem:$0x1EA80]  }
0x3e3: {  	v19 =	vld [tilespmem:$0x1EA90]  }
0x3e4: {  	v20 =	vld [tilespmem:$0x1EAA0];
	_ =	sdelay $0x1  }
0x3e5: {  	v21 =	vpop (erf)  }
0x3e6: {  	v22 =	vpop (erf);
	v18 =	vmul.f32 v21, v18  }
0x3e7: {  	v55 =	vpop (erf);
	v19 =	vmul.f32 v22, v19  }
0x3e8: {  	v11 =	vmax.f32 v17, v11;
	v17 =	vmul.f32 $5.000000000e-01, v18;
	v18 =	vmul.f32 v55, v20;
	v56 =	vpop (erf)  }
0x3e9: {  	v19 =	vmul.f32 $5.000000000e-01, v19;
	v20 =	vmul.f32 v56, v11  }
0x3ea: {  	v17 =	vmin.f32 v17, $1.000000010e-01;
	v18 =	vmul.f32 $5.000000000e-01, v18  }
0x3eb: {  	v57 =	vld [tilespmem:$0x1E990];
	[tilespmem:$0x1EA70] =	vst v12;
	v12 =	vmul.f32 v17, v13;
	v13 =	vmin.f32 v19, $1.000000010e-01;
	v17 =	vmul.f32 $5.000000000e-01, v20  }
0x3ec: {  	v58 =	vld [tilespmem:$0x1E980];
	[tilespmem:$0x1EAB0] =	vst v11;
	v11 =	vmul.f32 v13, v14;
	v13 =	vmin.f32 v18, $1.000000010e-01  }
0x3ed: {  	v14 =	vld [tilespmem:$0x1E9A0];
	[tilespmem:$0x1EA40] =	vst v12;
	v12 =	vmul.f32 v13, v15;
	v13 =	vmin.f32 v17, $1.000000010e-01  }
0x3ee: {  	[tilespmem:$0x1EA50] =	vst v11;
	v11 =	vmul.f32 v13, v16;
	v17 =	vld [tilespmem:$0x1EA40]  }
0x3ef: {  	s1 =	simm.s32 $0x0;
	[tilespmem:$0x1EA60] =	vst v12;
	v19 =	vld [tilespmem:$0x1EA50]  }
0x3f0: {  	s0 =	simm.s32 $0x169A0;
	v15 =	vmov s1;
	[tilespmem:$0x1EA70] =	vst v11;
	v13 =	vld [tilespmem:$0x1EA60]  }
0x3f1: {  	v11 =	vld [tilespmem:s0+$0x10]  }
0x3f2: {  	v12 =	vld [tilespmem:s0+$0x0]  }
0x3f3: {  	v16 =	vld [tilespmem:s0+$0xFFFFFFE0]  }
0x3f4: {  	v18 =	vld [tilespmem:s0+$0xFFFFFFF0]  }
0x3f5: {  	s0 =	simm.s32 $0xE9C0;
	v15 =	vld.idx.msk [tilespmem:v15+s25+$0x0], $0xffff  }
0x3f6: {  	v59 =	vld [tilespmem:s0+$0xFFFFFFC0]  }
0x3f7: {  	v23 =	vld [tilespmem:s0+$0x0]  }
0x3f8: {  	v24 =	vld [tilespmem:s0+$0xFFFFFFD0]  }
0x3f9: {  	v25 =	vld [tilespmem:s0+$0x10]  }
0x3fa: {  	v26 =	vld [tilespmem:s0+$0xFFFFFFE0];
	v15 =	vand.u32 $0x1, v15  }
0x3fb: {  	vm1 =	veq.s32 v15, $0x0;
	v15 =	vld [tilespmem:s0+$0x20]  }
0x3fc: {  	v60 =	vld [tilespmem:s0+$0xFFFFFFF0];
	v22 =	vsel vm1, v59, v23  }
0x3fd: {  	v61 =	vld [tilespmem:s0+$0x30];
	v21 =	vmul.f32 v58, v22  }
0x3fe: {  	v62 =	vld [tilespmem:$0x1E9B0];
	v24 =	vsel vm1, v24, v25  }
0x3ff: {  	v63 =	vld [tilespmem:$0x1EA70];
	v20 =	vmul.f32 v57, v24;
	v21 =	vadd.f32 $0.0e+00, v21  }
0x400: {  	vm2 =	vge.f32 v16, v17;
	vm3 =	vge.f32 v18, v19;
	v15 =	vsel vm1, v26, v15  }
0x401: {  	v17 =	vnsel vm3, $0x0, v20;
	v16 =	vnsel vm2, $0x0, v21;
	v14 =	vmul.f32 v14, v15  }
0x402: {  	vm2 =	vge.f32 v12, v13;
	v12 =	vsel vm1, v60, v61;
	v15 =	vadd.f32 v17, v16  }
0x403: {  	v12 =	vmul.f32 v62, v12;
	v13 =	vnsel vm2, $0x0, v14  }
0x404: {  	vm1 =	vge.f32 v11, v63;
	v13 =	vadd.f32 v13, v15  }
0x405: {  	v11 =	vnsel vm1, $0x0, v12  }
0x406: {  	v11 =	vadd.f32 v11, v13;
	_ =	sdelay $0x1  }
0x407: {  	(xrf2) =	vadd.scan.msk.f32 $0xffff, v11;
	_ =	sdelay $0x6  }
0x408: {  	s31 =	simm.s32 $0x140  }
0x409: {  	v11 =	vmov s31;
	_ =	sdelay $0x1  }
0x40a: {  	v12, _, _ =	vpop (xrf2)  }
0x40b: {  	v12 =	vbroadcast v12, $0xF;
	_ =	sdelay $0x1  }
0x40c: {  	s26 =	simm.s32 $0x16A20;
	[tilespmem:v11+s30+$0x0] =	vst.idx.msk $0x1, v12  }
0x40d: {  	v11 =	vld [tilespmem:s26+$0x10]  }
0x40e: {  	v12 =	vld [tilespmem:s26+$0x0]  }
0x40f: {  	v13 =	vld [tilespmem:$0x1EA60]  }
0x410: {  	s1 =	simm.s32 $0x1;
	v14 =	vld [tilespmem:$0x1E9A0]  }
0x411: {  	s5 =	simm.s32 $0x2;
	v16 =	vmov s1;
	v15 =	vld [tilespmem:s26+$0xFFFFFFE0]  }
.LBB2_33:
0x412: {  	p0 =	sne.s32 s5, $0xFF;
	v17 =	vld [tilespmem:$0x1EA40]  }
0x413: {  	v18 =	vld [tilespmem:s26+$0xFFFFFFF0]  }
0x414: {  	v19 =	vld [tilespmem:$0x1EA50]  }
0x415: {  	v20 =	vld [tilespmem:$0x1E990]  }
0x416: {  	v16 =	vld.idx.msk [tilespmem:v16+s25+$0x0], $0xffff  }
0x417: {  	s0 =	sadd.s32 $0x80, s0;
	v21 =	vld [tilespmem:$0x1E980]  }
0x418: {  	v22 =	vld [tilespmem:s0+$0xFFFFFFC0]  }
0x419: {  	v23 =	vld [tilespmem:s0+$0x0]  }
0x41a: {  	v24 =	vld [tilespmem:s0+$0xFFFFFFD0]  }
0x41b: {  	v25 =	vld [tilespmem:s0+$0x10]  }
0x41c: {  	v16 =	vand.u32 $0x1, v16;
	v26 =	vld [tilespmem:s0+$0xFFFFFFE0]  }
0x41d: {  	vm1 =	veq.s32 v16, $0x0;
	v16 =	vld [tilespmem:s0+$0x20]  }
0x41e: {  	v22 =	vsel vm1, v22, v23;
	v23 =	vld [tilespmem:s0+$0xFFFFFFF0]  }
0x41f: {  	v21 =	vmul.f32 v21, v22;
	v22 =	vld [tilespmem:s0+$0x30]  }
0x420: {  	v24 =	vsel vm1, v24, v25;
	v25 =	vld [tilespmem:$0x1E9B0]  }
0x421: {  	v21 =	vadd.f32 $0.0e+00, v21;
	v20 =	vmul.f32 v20, v24;
	v24 =	vld [tilespmem:$0x1EA70]  }
0x422: {  	vm2 =	vge.f32 v15, v17;
	vm3 =	vge.f32 v18, v19;
	v15 =	vsel vm1, v26, v16  }
0x423: {  	v16 =	vnsel vm2, $0x0, v21;
	v17 =	vnsel vm3, $0x0, v20;
	v14 =	vmul.f32 v14, v15  }
0x424: {  	vm2 =	vge.f32 v12, v13;
	v15 =	vadd.f32 v17, v16;
	v12 =	vsel vm1, v23, v22  }
0x425: {  	v13 =	vnsel vm2, $0x0, v14;
	v12 =	vmul.f32 v25, v12  }
0x426: {  	v13 =	vadd.f32 v13, v15;
	vm1 =	vge.f32 v11, v24  }
0x427: {  	v11 =	vnsel vm1, $0x0, v12  }
0x428: {  	v11 =	vadd.f32 v11, v13;
	_ =	sdelay $0x1  }
0x429: {  	(xrf2) =	vadd.scan.msk.f32 $0xffff, v11;
	_ =	sdelay $0x6  }
0x42a: {  	s6 =	sadd.s32 $0x140, s1;
	s1 =	smov.u32 s5  }
0x42b: {  	v11 =	vmov s6;
	_ =	sdelay $0x1  }
0x42c: {  	v12, _, _ =	vpop (xrf2)  }
0x42d: {  	v12 =	vbroadcast v12, $0xF;
	_ =	sdelay $0x1  }
0x42e: {  	s26 =	sadd.s32 $0x80, s26;
	[tilespmem:v11+s30+$0x0] =	vst.idx.msk $0x1, v12  }
.Ltmp20:
0x42f: {  	v11 =	vld [tilespmem:s26+$0x10];
	(pc) =	sbr.rel @p0 .LBB2_33-.Ltmp20, $4  }
0x430: {  	v12 =	vld [tilespmem:s26+$0x0]  }
0x431: {  	v13 =	vld [tilespmem:$0x1EA60]  }
0x432: {  	v14 =	vld [tilespmem:$0x1E9A0]  }
0x433: {  	s5 =	sadd.s32 $0x1, s5;
	v16 =	vmov s1;
	v15 =	vld [tilespmem:s26+$0xFFFFFFE0]  }
0x434: {  	v17 =	vld [tilespmem:$0x1EA40]  }
0x435: {  	v18 =	vld [tilespmem:s26+$0xFFFFFFF0]  }
0x436: {  	v19 =	vld [tilespmem:$0x1EA50]  }
0x437: {  	v20 =	vld [tilespmem:$0x1E990]  }
0x438: {  	v16 =	vld.idx.msk [tilespmem:v16+s25+$0x0], $0xffff  }
0x439: {  	v21 =	vld [tilespmem:$0x1E980];
	s0 =	sadd.s32 $0x80, s0  }
0x43a: {  	v22 =	vld [tilespmem:s0+$0xFFFFFFC0]  }
0x43b: {  	v23 =	vld [tilespmem:s0+$0x0]  }
0x43c: {  	v24 =	vld [tilespmem:s0+$0xFFFFFFD0]  }
0x43d: {  	v25 =	vld [tilespmem:s0+$0x10]  }
0x43e: {  	v26 =	vld [tilespmem:s0+$0xFFFFFFE0];
	v16 =	vand.u32 $0x1, v16  }
0x43f: {  	v53 =	vld [tilespmem:s0+$0x20];
	vm1 =	veq.s32 v16, $0x0  }
0x440: {  	v54 =	vld [tilespmem:s0+$0xFFFFFFF0];
	v22 =	vsel vm1, v22, v23  }
0x441: {  	v55 =	vld [tilespmem:s0+$0x30];
	v21 =	vmul.f32 v21, v22  }
0x442: {  	v56 =	vld [tilespmem:$0x1E9B0];
	v24 =	vsel vm1, v24, v25  }
0x443: {  	v57 =	vld [tilespmem:$0x1EA70];
	v20 =	vmul.f32 v20, v24;
	v21 =	vadd.f32 $0.0e+00, v21  }
0x444: {  	vm2 =	vge.f32 v15, v17;
	vm3 =	vge.f32 v18, v19;
	v58 =	vsel vm1, v26, v53  }
0x445: {  	v14 =	vmul.f32 v14, v58;
	v60 =	vnsel vm3, $0x0, v20;
	v59 =	vnsel vm2, $0x0, v21  }
0x446: {  	v62 =	vsel vm1, v54, v55;
	vm2 =	vge.f32 v12, v13;
	v61 =	vadd.f32 v60, v59  }
0x447: {  	v12 =	vmul.f32 v56, v62;
	v13 =	vnsel vm2, $0x0, v14  }
0x448: {  	vm1 =	vge.f32 v11, v57;
	v13 =	vadd.f32 v13, v61  }
0x449: {  	v11 =	vnsel vm1, $0x0, v12  }
0x44a: {  	v11 =	vadd.f32 v11, v13;
	_ =	sdelay $0x1  }
0x44b: {  	(xrf2) =	vadd.scan.msk.f32 $0xffff, v11;
	_ =	sdelay $0x6  }
0x44c: {  	s29 =	sadd.s32 $0x140, s1  }
0x44d: {  	v11 =	vmov s29;
	_ =	sdelay $0x1  }
0x44e: {  	v63, _, _ =	vpop (xrf2)  }
0x44f: {  	v12 =	vbroadcast v63, $0xF;
	_ =	sdelay $0x1  }
0x450: {  	s31 =	simm.s32 $0x1EAC0;
	[tilespmem:v11+s30+$0x0] =	vst.idx.msk $0x1, v12  }
0x451: {  	[hbm4b:s11+s2] =	stream.linear.scatter [tilespmem:s31], [sflag:$0x2], $0x100, $0x38;
	[tilespmem:$0x1EC00] =	vst v63  }
0x452: {  	_ =	swait.ge [sflag:s14], $0x100  }
0x453: {  	s15 =	sadd.s32 $0x1, s15;
	[sflag:s14] =	ssyncset.done $0x0  }
0x454: {  	p0 =	sne.s32 s15, s13;
	[sflag:s14] =	ssyncadd.s32 $0xFFFFFF00  }
0x455: {  	[hbm4b:s12+s2] =	stream.linear.scatter [tilespmem:s25], [sflag:$0x2], $0x100, $0x38;
	[tilespmem:$0x1EC00] =	vst v63  }
.Ltmp21:
0x456: {  	_ = 	snop;
	(pc) =	sbr.rel @p0 .LBB2_1-.Ltmp21, $4  }
.Ltmp22:
0x457: {  	_ = 	snop;
	(pc) =	sbr.rel @!p0 .LBB2_35-.Ltmp22, $4  }
0x458: {  	_ =	swait.ge [sflag:s14], $0x100  }
0x459: {  	[sflag:s14] =	ssyncset.done $0x0  }
0x45a: {  	[sflag:s14] =	ssyncadd.s32 $0xFFFFFF00  }
0x45b: {  	_ = 	snop  }
.LBB2_21:
.Ltmp23:
0x45c: {  	(pc) =	sbr.rel .LBB2_25-.Ltmp23, $2  }
0x45d: {  	_ =	sdelay $0x2  }
0x45e: {  	s26 =	simm.s32 $0x0;
	s5 =	simm.s32 $0x9680  }
.LBB2_23:
.Ltmp24:
0x45f: {  	(pc) =	sbr.rel .LBB2_25-.Ltmp24, $2  }
0x460: {  	_ =	sdelay $0x2  }
0x461: {  	s26 =	simm.s32 $0x0;
	s5 =	simm.s32 $0x9680  }
.LBB2_35:
0x462: {  	_ =	sfence.sel $0x180000  }
0x463: {  	[bflag:$0x0] =	sbarrier.arrive $0xFFFF  }
0x464: {  	_ =	strace $0x90000047  }
0x465: {  	s0 =	stileid.u32;
	[bflag:$0x2] =	sbarrier.arrive $0xFFFF  }
0x466: {  	p0 =	sne.s32 s0, $0x0;
	s0 =	rddreg [dreg:$0x2]  }
0x467: {  	s0 =	sadd.s32 @!p0 $0x100000, s0  }
0x468: {  	[sflag:s0] =	ssyncadd.tile.s32 @!p0 $0x1;
	_ =	shalt  }
.Lfunc_end2:
_tile_overlayer_lowered:
.L_overlay_start_2:
0x469: {  	(tag) =	ssettag $0x2  }
0x46a: {  	s0 =	rddreg [dreg:$0x0];
	s2 =	stileid.u32  }
0x46b: {  	s1 =	rddreg [dreg:$0x1];
	p0 =	sne.s32 s2, $0x0  }
0x46c: {  	s3 =	rddreg [dreg:$0x2];
	[bflag:$0x3] =	sbarrier.arrive $0xFFFF;
	s2 =	simm.s32 @!p0 $0x1C02  }
0x46d: {  	[timem:s3], [sflag:s2] =	dma.local @!p0 [hbm:s0], s1  }
0x46e: {  	s0 =	simm.s32 @!p0 $0x2  }
0x46f: {  	_ =	swait.ge @!p0 [sflag:s0], s1  }
0x470: {  	s1 =	ssub.s32 @!p0 $0x0, s1;
	[sflag:s0] =	ssyncset.done @!p0 $0x0  }
0x471: {  	[sflag:s0] =	ssyncadd.s32 @!p0 s1  }
0x472: {  	[bflag:$0x3] =	sbarrier.arrive $0xFFFF  }
0x473: {  	_ =	shalt  }

</sc_bundles>
